<compile_context>
chip_gen: v7x
topology: tpu7x:2x2x1
jax: 0.10.2.dev20260603
libtpu: 0.0.44.dev20260713+nightly
codegen_flags: <defaults>
</compile_context>

<pallas_src>
import functools

import jax
import jax.numpy as jnp
from jax import lax
from jax.experimental import pallas as pl
from jax.experimental.pallas import tpu as pltpu
from jax.experimental.pallas import tpu_sc as plsc

NG = 512
K = 32
L = 16
_NC = 2
_NS = 16



def _fps_body(x_ref, y_ref, z_ref, f0_ref, cidx_ref):
    B, N = x_ref.shape
    x = x_ref[...]
    y = y_ref[...]
    z = z_ref[...]
    lane = lax.broadcasted_iota(jnp.int32, (B, N), 1)
    col = lax.broadcasted_iota(jnp.int32, (B, NG), 1)

    def body(i, carry):
        distance, f, acc = carry
        acc = acc + jnp.where(col == i, jnp.broadcast_to(f, (B, NG)), 0)
        sel = lane == f
        cx = jnp.sum(jnp.where(sel, x, 0.0), axis=1, keepdims=True)
        cy = jnp.sum(jnp.where(sel, y, 0.0), axis=1, keepdims=True)
        cz = jnp.sum(jnp.where(sel, z, 0.0), axis=1, keepdims=True)
        dx = x - cx
        dy = y - cy
        dz = z - cz
        d = (dx * dx + dy * dy) + dz * dz
        distance = jnp.minimum(distance, d)
        m = jnp.max(distance, axis=1, keepdims=True)
        f_new = jnp.min(jnp.where(distance == m, lane, N), axis=1, keepdims=True)
        return (distance, f_new, acc)

    dist0 = jnp.full((B, N), 1e10, dtype=jnp.float32)
    acc0 = jnp.zeros((B, NG), dtype=jnp.int32)
    _, _, acc = lax.fori_loop(0, NG, body, (dist0, f0_ref[:, :1], acc0))
    cidx_ref[...] = acc



def _dist_body(c_ref, xt_ref, o_ref):
    c = c_ref[0]
    xt = xt_ref[0]
    mm = jnp.dot(c, xt, preferred_element_type=jnp.float32)
    dist = -2.0 * mm
    cx = c[:, 0:1]
    cy = c[:, 1:2]
    cz = c[:, 2:3]
    nc = (cx * cx + cy * cy) + cz * cz
    x = xt[0:1, :]
    y = xt[1:2, :]
    z = xt[2:3, :]
    npp = (x * x + y * y) + z * z
    o_ref[0] = dist + nc + npp



def _lex_lt(k, i, pk, pi):
    return (k < pk) | ((k == pk) & (i < pi))


def _lex_sort16(k, v):
    vi, kk = plsc.sort_key_val(v, k)
    sk, sv = plsc.sort_key_val(kk, vi)
    return sk, sv


def _merge_topk(ak, ai, bk, bi, sk, si):
    rk = lax.rev(sk, (0,))
    ri = lax.rev(si, (0,))
    take_s = _lex_lt(rk, ri, bk, bi)
    bk2 = jnp.where(take_s, rk, bk)
    bi2 = jnp.where(take_s, ri, bi)
    lo = _lex_lt(bk2, bi2, ak, ai)
    nak = jnp.where(lo, bk2, ak)
    nai = jnp.where(lo, bi2, ai)
    nbk = jnp.where(lo, ak, bk2)
    nbi = jnp.where(lo, ai, bi2)
    nak, nai = _lex_sort16(nak, nai)
    nbk, nbi = _lex_sort16(nbk, nbi)
    return nak, nai, nbk, nbi


def _sc_body(d_hbm, xt_hbm, cidx_hbm, out_hbm,
             x_v, y_v, z_v, d_v, d_v2, cd_v, ci_v, ci128_v, o_v,
             sem0, sem1):
    wid = lax.axis_index("s") * _NC + lax.axis_index("c")
    b = wid // 4
    q = wid % 4
    N = 8192
    g0 = q * 128

    pltpu.sync_copy(xt_hbm.at[0, b], x_v)
    pltpu.sync_copy(xt_hbm.at[1, b], y_v)
    pltpu.sync_copy(xt_hbm.at[2, b], z_v)
    pltpu.sync_copy(cidx_hbm.at[b, pl.ds(g0, 128)], ci128_v)

    inf16 = jnp.full((L,), jnp.inf, jnp.float32)
    bigi16 = jnp.full((L,), jnp.int32(2 ** 30), jnp.int32)
    iota16 = lax.iota(jnp.int32, L)

    def process_row(r, buf):
        def pass1(j, carry):
            m1a, m2a, m1b, m2b = carry
            base = j * 8
            for u in range(0, 8, 2):
                da = buf[pl.ds((base + u) * L, L)]
                db = buf[pl.ds((base + u + 1) * L, L)]
                n1a = jnp.minimum(m1a, da)
                m2a = jnp.minimum(m2a, jnp.maximum(m1a, da))
                m1a = n1a
                n1b = jnp.minimum(m1b, db)
                m2b = jnp.minimum(m2b, jnp.maximum(m1b, db))
                m1b = n1b
            return m1a, m2a, m1b, m2b

        m1a, m2a, m1b, m2b = lax.fori_loop(
            0, N // (8 * L), pass1, (inf16, inf16, inf16, inf16))
        m2 = jnp.minimum(jnp.minimum(m2a, m2b), jnp.maximum(m1a, m1b))
        t = jnp.max(m2)

        def pass2(j, off):
            base = j * 8
            for u in range(8):
                d = buf[pl.ds((base + u) * L, L)]
                mask = d <= t
                idx = iota16 + (base + u) * L
                offc = jnp.minimum(off, 512)
                plsc.store_compressed(cd_v.at[pl.ds(offc, L)], d, mask=mask)
                plsc.store_compressed(ci_v.at[pl.ds(offc, L)], idx, mask=mask)
                off = off + plsc.all_reduce_population_count(mask)[0]
            return off

        off = lax.fori_loop(0, N // (8 * L), pass2, jnp.int32(0))
        offc = jnp.minimum(off, 512)
        cd_v[pl.ds(offc, L)] = inf16
        ci_v[pl.ds(offc, L)] = bigi16
        nv = (offc + (L - 1)) // L

        def merge_body(j, carry):
            ak, ai, bk, bi = carry
            sk, si = plsc.sort_key_val(cd_v[pl.ds(j * L, L)], ci_v[pl.ds(j * L, L)])
            return _merge_topk(ak, ai, bk, bi, sk, si)

        ak, ai, bk, bi = lax.fori_loop(
            0, nv, merge_body, (inf16, bigi16, inf16, bigi16))

        rv = jnp.full((L,), r, jnp.int32)
        civ = plsc.load_gather(ci128_v, [rv])
        cxv = plsc.load_gather(x_v, [civ])
        cyv = plsc.load_gather(y_v, [civ])
        czv = plsc.load_gather(z_v, [civ])
        base = r * 96
        o_v[pl.ds(base + 0, L)] = plsc.load_gather(x_v, [ai]) - cxv
        o_v[pl.ds(base + 16, L)] = plsc.load_gather(x_v, [bi]) - cxv
        o_v[pl.ds(base + 32, L)] = plsc.load_gather(y_v, [ai]) - cyv
        o_v[pl.ds(base + 48, L)] = plsc.load_gather(y_v, [bi]) - cyv
        o_v[pl.ds(base + 64, L)] = plsc.load_gather(z_v, [ai]) - czv
        o_v[pl.ds(base + 80, L)] = plsc.load_gather(z_v, [bi]) - czv

    bufs = (d_v, d_v2)
    sems = (sem0, sem1)
    pltpu.async_copy(d_hbm.at[b, g0], d_v, sem0)

    def outer(g, c):
        for u in range(2):
            r = g * 2 + u
            buf, sem = bufs[u], sems[u]
            nbuf, nsem = bufs[1 - u], sems[1 - u]
            nr = (r + 1) % 128
            pltpu.async_copy(d_hbm.at[b, g0 + nr], nbuf, nsem)
            pltpu.make_async_copy(d_hbm.at[b, g0 + r], buf, sem).wait()
            process_row(r, buf)
        return c

    lax.fori_loop(0, 64, outer, 0)
    pltpu.make_async_copy(d_hbm.at[b, g0], d_v, sem0).wait()
    pltpu.sync_copy(o_v, out_hbm.at[pl.ds(wid * 12288, 12288)])



def kernel(xyz):
    B, N, C = xyz.shape
    key = jax.random.fold_in(jax.random.key(0), 1)
    farthest0 = jax.random.randint(key, (B,), 0, N).astype(jnp.int32)
    xt = jnp.transpose(xyz, (2, 0, 1))
    f0 = jnp.broadcast_to(farthest0[:, None], (B, 128))

    cidx = pl.pallas_call(
        _fps_body,
        out_shape=jax.ShapeDtypeStruct((B, NG), jnp.int32),
    )(xt[0], xt[1], xt[2], f0)

    center = jnp.take_along_axis(xyz, cidx[:, :, None], axis=1)

    xtb = jnp.transpose(xyz, (0, 2, 1))
    d = pl.pallas_call(
        _dist_body,
        grid=(B, NG // 64),
        in_specs=[
            pl.BlockSpec((1, 64, 3), lambda b, g: (b, g, 0)),
            pl.BlockSpec((1, 3, N), lambda b, g: (b, 0, 0)),
        ],
        out_specs=pl.BlockSpec((1, 64, N), lambda b, g: (b, g, 0)),
        out_shape=jax.ShapeDtypeStruct((B, NG, N), jnp.float32),
    )(center, xtb)

    mesh = plsc.VectorSubcoreMesh(
        core_axis_name="c", subcore_axis_name="s",
        num_cores=_NC, num_subcores=_NS)
    sc = functools.partial(
        pl.kernel,
        out_type=jax.ShapeDtypeStruct((B * NG * 96,), jnp.float32),
        mesh=mesh,
        compiler_params=pltpu.CompilerParams(needs_layout_passes=False),
        scratch_types=[
            pltpu.VMEM((N,), jnp.float32),
            pltpu.VMEM((N,), jnp.float32),
            pltpu.VMEM((N,), jnp.float32),
            pltpu.VMEM((N,), jnp.float32),
            pltpu.VMEM((N,), jnp.float32),
            pltpu.VMEM((544,), jnp.float32),
            pltpu.VMEM((544,), jnp.int32),
            pltpu.VMEM((128,), jnp.int32),
            pltpu.VMEM((12288,), jnp.float32),
            pltpu.SemaphoreType.DMA,
            pltpu.SemaphoreType.DMA,
        ],
    )(_sc_body)
    flat = sc(d, xt, cidx)
    neighborhood = flat.reshape(B, NG, 3, K).transpose(0, 1, 3, 2)
    return (neighborhood, center)

# --- scband reference (transcript-rebuilt; emitter-appended) ---
"""Pipeline reference for scband-group-34144990003370 (READ-ONLY COPY).

The authoritative reference and input builder live on the scoring server;
editing this copy changes nothing except your own understanding.
"""

import jax, jax.numpy as jnp
import numpy as np
from jax import lax

NUM_GROUP = 512
GROUP_SIZE = 32


def fps(xyz, npoint, key):
    B, N, _ = xyz.shape
    farthest0 = jax.random.randint(key, (B,), 0, N)
    dist0 = jnp.full((B, N), 1e10, dtype=xyz.dtype)

    def body(carry, _):
        distance, farthest = carry
        centroid = jnp.take_along_axis(xyz, farthest[:, None, None], axis=1)  # [B,1,3]
        d = jnp.sum((xyz - centroid) ** 2, axis=-1)  # [B,N]
        distance = jnp.minimum(distance, d)
        new_farthest = jnp.argmax(distance, axis=-1)
        return (distance, new_farthest), farthest

    _, cent = lax.scan(body, (dist0, farthest0), None, length=npoint)
    return jnp.transpose(cent)  # [B, npoint]


def square_distance(src, dst):
    dist = -2.0 * jnp.matmul(src, jnp.transpose(dst, (0, 2, 1)))
    dist = dist + jnp.sum(src ** 2, axis=-1)[:, :, None]
    dist = dist + jnp.sum(dst ** 2, axis=-1)[:, None, :]
    return dist


def setup_inputs(seed: int = 0) -> dict:
    key = jax.random.key(seed)
    xyz = jax.random.normal(jax.random.fold_in(key, 0), (8, 8192, 3), dtype=jnp.float32)
    return {"xyz": xyz}


def reference(xyz):
    B, N, C = xyz.shape
    # farthest point sampling -> centroid indices, then gather centers
    centroids = fps(xyz, NUM_GROUP, jax.random.fold_in(jax.random.key(0), 1))  # [B,G]
    center = jnp.take_along_axis(xyz, centroids[:, :, None], axis=1)  # [B,G,3]
    # kNN: smallest squared distances -> indices
    sqrdists = square_distance(center, xyz)  # [B,G,N]
    _, idx = lax.top_k(-sqrdists, GROUP_SIZE)  # [B,G,k]
    idx_base = jnp.arange(B)[:, None, None] * N
    flat_idx = (idx + idx_base).reshape(-1)
    neighborhood = xyz.reshape(B * N, 3)[flat_idx, :]
    neighborhood = neighborhood.reshape(B, NUM_GROUP, GROUP_SIZE, 3)
    neighborhood = neighborhood - center[:, :, None, :]
    return (neighborhood, center)

if __name__ == "__main__":
    import jax
    _d = setup_inputs()
    print(jax.jit(kernel)(*tuple(_d.values())))

</pallas_src>

<mosaic_0001>
#map = affine_map<(d0, d1) -> (0, 0, 0)>
#map1 = affine_map<(d0, d1) -> (0, 0)>
#map2 = affine_map<(d0, d1) -> (0)>
module attributes {stable_mosaic.version = 14 : i64} {
  func.func @_sc_body(%arg0: i32, %arg1: i32, %arg2: memref<8x512x8192xf32, #tpu.memory_space<hbm>>, %arg3: memref<3x8x8192xf32, #tpu.memory_space<hbm>>, %arg4: memref<8x512xi32, #tpu.memory_space<hbm>>, %arg5: memref<393216xf32, #tpu.memory_space<hbm>>, %arg6: memref<8192xf32, #tpu.memory_space<vmem>>, %arg7: memref<8192xf32, #tpu.memory_space<vmem>>, %arg8: memref<8192xf32, #tpu.memory_space<vmem>>, %arg9: memref<8192xf32, #tpu.memory_space<vmem>>, %arg10: memref<8192xf32, #tpu.memory_space<vmem>>, %arg11: memref<544xf32, #tpu.memory_space<vmem>>, %arg12: memref<544xi32, #tpu.memory_space<vmem>>, %arg13: memref<128xi32, #tpu.memory_space<vmem>>, %arg14: memref<12288xf32, #tpu.memory_space<vmem>>, %arg15: memref<!tpu.dma_semaphore, #tpu.memory_space<semaphore_mem>>, %arg16: memref<!tpu.dma_semaphore, #tpu.memory_space<semaphore_mem>>) attributes {dimension_semantics = [#tpu.dimension_semantics<core_parallel>, #tpu.dimension_semantics<subcore_parallel>], iteration_bounds = array<i64: 2, 16>, scalar_prefetch = 0 : i64, scratch_operands = 11 : i64, tpu.core_type = #tpu.core_type<sc_vector_subcore>, window_params = [{transform_indices = #map}, {transform_indices = #map}, {transform_indices = #map1}, {transform_indices = #map2}]} {
    %mul3A = arith.constant 2 : i32
    %mul3A_0 = arith.muli %arg1, %mul3A : i32
    %add3A = arith.addi %mul3A_0, %arg0 : i32
    %jit3A = arith.constant 4 : i32
    %div3A = arith.divsi %add3A, %jit3A : i32
    %sign3A = arith.constant 0 : i32
    %sign3A_1 = arith.cmpi sgt, %add3A, %sign3A : i32
    %sign3A_2 = arith.extui %sign3A_1 : i1 to i32
    %sign3A_3 = arith.constant 0 : i32
    %sign3A_4 = arith.cmpi slt, %add3A, %sign3A_3 : i32
    %sign3A_5 = arith.extui %sign3A_4 : i1 to i32
    %sign3A_6 = arith.subi %sign3A_2, %sign3A_5 : i32
    %sign3A_7 = arith.constant 0 : i32
    %sign3A_8 = arith.cmpi sgt, %jit3A, %sign3A_7 : i32
    %sign3A_9 = arith.extui %sign3A_8 : i1 to i32
    %sign3A_10 = arith.constant 0 : i32
    %sign3A_11 = arith.cmpi slt, %jit3A, %sign3A_10 : i32
    %sign3A_12 = arith.extui %sign3A_11 : i1 to i32
    %sign3A_13 = arith.subi %sign3A_9, %sign3A_12 : i32
    %ne3A = arith.cmpi ne, %sign3A_6, %sign3A_13 : i32
    %rem3A = arith.remsi %add3A, %jit3A : i32
    %ne3A_14 = arith.constant 0 : i32
    %ne3A_15 = arith.cmpi ne, %rem3A, %ne3A_14 : i32
    %and3A = arith.andi %ne3A, %ne3A_15 : i1
    %sub3A = arith.constant 1 : i32
    %sub3A_16 = arith.subi %div3A, %sub3A : i32
    %select_n3A = arith.select %and3A, %sub3A_16, %div3A : i32
    %jit3A_17 = arith.constant 4 : i32
    %eq3A = arith.constant 0 : i32
    %eq3A_18 = arith.cmpi eq, %jit3A_17, %eq3A : i32
    %jit3A_19 = arith.constant 1 : i32
    %select_n3A_20 = arith.select %eq3A_18, %jit3A_19, %jit3A_17 : i32
    %rem3A_21 = arith.remsi %add3A, %select_n3A_20 : i32
    %ne3A_22 = arith.constant 0 : i32
    %ne3A_23 = arith.cmpi ne, %rem3A_21, %ne3A_22 : i32
    %lt3A = arith.constant 0 : i32
    %lt3A_24 = arith.cmpi slt, %rem3A_21, %lt3A : i32
    %lt3A_25 = arith.constant 0 : i32
    %lt3A_26 = arith.cmpi slt, %select_n3A_20, %lt3A_25 : i32
    %ne3A_27 = arith.xori %lt3A_24, %lt3A_26 : i1
    %and3A_28 = arith.andi %ne3A_27, %ne3A_23 : i1
    %add3A_29 = arith.addi %rem3A_21, %select_n3A_20 : i32
    %select_n3A_30 = arith.select %and3A_28, %add3A_29, %rem3A_21 : i32
    %mul3A_31 = arith.constant 128 : i32
    %mul3A_32 = arith.muli %select_n3A_30, %mul3A_31 : i32
    %run_scoped3A = arith.constant 0 : i32
    "tpu.region"() ({
      %run_scoped3A_55 = tpu.sem_alloc : memref<!tpu.dma_semaphore, #tpu.memory_space<semaphore_mem>>
      %dma_start3A_56 = arith.constant 0 : i32
      %dma_start3A_57 = tpu.memref_slice %arg3[%run_scoped3A, %select_n3A, %dma_start3A_56] : memref<3x8x8192xf32, #tpu.memory_space<hbm>> -> memref<1x1x8192xf32, #tpu.memory_space<hbm>>
      %dma_start3A_58 = tpu.memref_squeeze %dma_start3A_57 : memref<1x1x8192xf32, #tpu.memory_space<hbm>> -> memref<8192xf32, #tpu.memory_space<hbm>>
      %dma_start3A_59 = arith.constant 0 : i32
      %dma_start3A_60 = tpu.memref_slice %arg3[%run_scoped3A, %select_n3A, %dma_start3A_59] : memref<3x8x8192xf32, #tpu.memory_space<hbm>> -> memref<1x1x8192xf32, #tpu.memory_space<hbm>>
      %dma_start3A_61 = tpu.memref_squeeze %dma_start3A_60 : memref<1x1x8192xf32, #tpu.memory_space<hbm>> -> memref<8192xf32, #tpu.memory_space<hbm>>
      tpu.enqueue_dma source(%dma_start3A_61 : memref<8192xf32, #tpu.memory_space<hbm>>) target(%arg6 : memref<8192xf32, #tpu.memory_space<vmem>>) target_semaphore(%run_scoped3A_55 : memref<!tpu.dma_semaphore, #tpu.memory_space<semaphore_mem>>)
      %dma_wait3A_62 = arith.constant 0 : i32
      %dma_wait3A_63 = tpu.memref_slice %arg3[%run_scoped3A, %select_n3A, %dma_wait3A_62] : memref<3x8x8192xf32, #tpu.memory_space<hbm>> -> memref<1x1x8192xf32, #tpu.memory_space<hbm>>
      %dma_wait3A_64 = tpu.memref_squeeze %dma_wait3A_63 : memref<1x1x8192xf32, #tpu.memory_space<hbm>> -> memref<8192xf32, #tpu.memory_space<hbm>>
      %dma_wait3A_65 = arith.constant 0 : i32
      %dma_wait3A_66 = tpu.memref_slice %arg3[%run_scoped3A, %select_n3A, %dma_wait3A_65] : memref<3x8x8192xf32, #tpu.memory_space<hbm>> -> memref<1x1x8192xf32, #tpu.memory_space<hbm>>
      %dma_wait3A_67 = tpu.memref_squeeze %dma_wait3A_66 : memref<1x1x8192xf32, #tpu.memory_space<hbm>> -> memref<8192xf32, #tpu.memory_space<hbm>>
      tpu.wait_dma2 semaphore(%run_scoped3A_55 : memref<!tpu.dma_semaphore, #tpu.memory_space<semaphore_mem>>) src(%dma_wait3A_67 : memref<8192xf32, #tpu.memory_space<hbm>>) dst(%arg6 : memref<8192xf32, #tpu.memory_space<vmem>>)
      tpu.yield
    }) : () -> ()
    %run_scoped3A_33 = arith.constant 1 : i32
    "tpu.region"() ({
      %run_scoped3A_55 = tpu.sem_alloc : memref<!tpu.dma_semaphore, #tpu.memory_space<semaphore_mem>>
      %dma_start3A_56 = arith.constant 0 : i32
      %dma_start3A_57 = tpu.memref_slice %arg3[%run_scoped3A_33, %select_n3A, %dma_start3A_56] : memref<3x8x8192xf32, #tpu.memory_space<hbm>> -> memref<1x1x8192xf32, #tpu.memory_space<hbm>>
      %dma_start3A_58 = tpu.memref_squeeze %dma_start3A_57 : memref<1x1x8192xf32, #tpu.memory_space<hbm>> -> memref<8192xf32, #tpu.memory_space<hbm>>
      %dma_start3A_59 = arith.constant 0 : i32
      %dma_start3A_60 = tpu.memref_slice %arg3[%run_scoped3A_33, %select_n3A, %dma_start3A_59] : memref<3x8x8192xf32, #tpu.memory_space<hbm>> -> memref<1x1x8192xf32, #tpu.memory_space<hbm>>
      %dma_start3A_61 = tpu.memref_squeeze %dma_start3A_60 : memref<1x1x8192xf32, #tpu.memory_space<hbm>> -> memref<8192xf32, #tpu.memory_space<hbm>>
      tpu.enqueue_dma source(%dma_start3A_61 : memref<8192xf32, #tpu.memory_space<hbm>>) target(%arg7 : memref<8192xf32, #tpu.memory_space<vmem>>) target_semaphore(%run_scoped3A_55 : memref<!tpu.dma_semaphore, #tpu.memory_space<semaphore_mem>>)
      %dma_wait3A_62 = arith.constant 0 : i32
      %dma_wait3A_63 = tpu.memref_slice %arg3[%run_scoped3A_33, %select_n3A, %dma_wait3A_62] : memref<3x8x8192xf32, #tpu.memory_space<hbm>> -> memref<1x1x8192xf32, #tpu.memory_space<hbm>>
      %dma_wait3A_64 = tpu.memref_squeeze %dma_wait3A_63 : memref<1x1x8192xf32, #tpu.memory_space<hbm>> -> memref<8192xf32, #tpu.memory_space<hbm>>
      %dma_wait3A_65 = arith.constant 0 : i32
      %dma_wait3A_66 = tpu.memref_slice %arg3[%run_scoped3A_33, %select_n3A, %dma_wait3A_65] : memref<3x8x8192xf32, #tpu.memory_space<hbm>> -> memref<1x1x8192xf32, #tpu.memory_space<hbm>>
      %dma_wait3A_67 = tpu.memref_squeeze %dma_wait3A_66 : memref<1x1x8192xf32, #tpu.memory_space<hbm>> -> memref<8192xf32, #tpu.memory_space<hbm>>
      tpu.wait_dma2 semaphore(%run_scoped3A_55 : memref<!tpu.dma_semaphore, #tpu.memory_space<semaphore_mem>>) src(%dma_wait3A_67 : memref<8192xf32, #tpu.memory_space<hbm>>) dst(%arg7 : memref<8192xf32, #tpu.memory_space<vmem>>)
      tpu.yield
    }) : () -> ()
    %run_scoped3A_34 = arith.constant 2 : i32
    "tpu.region"() ({
      %run_scoped3A_55 = tpu.sem_alloc : memref<!tpu.dma_semaphore, #tpu.memory_space<semaphore_mem>>
      %dma_start3A_56 = arith.constant 0 : i32
      %dma_start3A_57 = tpu.memref_slice %arg3[%run_scoped3A_34, %select_n3A, %dma_start3A_56] : memref<3x8x8192xf32, #tpu.memory_space<hbm>> -> memref<1x1x8192xf32, #tpu.memory_space<hbm>>
      %dma_start3A_58 = tpu.memref_squeeze %dma_start3A_57 : memref<1x1x8192xf32, #tpu.memory_space<hbm>> -> memref<8192xf32, #tpu.memory_space<hbm>>
      %dma_start3A_59 = arith.constant 0 : i32
      %dma_start3A_60 = tpu.memref_slice %arg3[%run_scoped3A_34, %select_n3A, %dma_start3A_59] : memref<3x8x8192xf32, #tpu.memory_space<hbm>> -> memref<1x1x8192xf32, #tpu.memory_space<hbm>>
      %dma_start3A_61 = tpu.memref_squeeze %dma_start3A_60 : memref<1x1x8192xf32, #tpu.memory_space<hbm>> -> memref<8192xf32, #tpu.memory_space<hbm>>
      tpu.enqueue_dma source(%dma_start3A_61 : memref<8192xf32, #tpu.memory_space<hbm>>) target(%arg8 : memref<8192xf32, #tpu.memory_space<vmem>>) target_semaphore(%run_scoped3A_55 : memref<!tpu.dma_semaphore, #tpu.memory_space<semaphore_mem>>)
      %dma_wait3A_62 = arith.constant 0 : i32
      %dma_wait3A_63 = tpu.memref_slice %arg3[%run_scoped3A_34, %select_n3A, %dma_wait3A_62] : memref<3x8x8192xf32, #tpu.memory_space<hbm>> -> memref<1x1x8192xf32, #tpu.memory_space<hbm>>
      %dma_wait3A_64 = tpu.memref_squeeze %dma_wait3A_63 : memref<1x1x8192xf32, #tpu.memory_space<hbm>> -> memref<8192xf32, #tpu.memory_space<hbm>>
      %dma_wait3A_65 = arith.constant 0 : i32
      %dma_wait3A_66 = tpu.memref_slice %arg3[%run_scoped3A_34, %select_n3A, %dma_wait3A_65] : memref<3x8x8192xf32, #tpu.memory_space<hbm>> -> memref<1x1x8192xf32, #tpu.memory_space<hbm>>
      %dma_wait3A_67 = tpu.memref_squeeze %dma_wait3A_66 : memref<1x1x8192xf32, #tpu.memory_space<hbm>> -> memref<8192xf32, #tpu.memory_space<hbm>>
      tpu.wait_dma2 semaphore(%run_scoped3A_55 : memref<!tpu.dma_semaphore, #tpu.memory_space<semaphore_mem>>) src(%dma_wait3A_67 : memref<8192xf32, #tpu.memory_space<hbm>>) dst(%arg8 : memref<8192xf32, #tpu.memory_space<vmem>>)
      tpu.yield
    }) : () -> ()
    "tpu.region"() ({
      %run_scoped3A_55 = tpu.sem_alloc : memref<!tpu.dma_semaphore, #tpu.memory_space<semaphore_mem>>
      %dma_start3A_56 = tpu.memref_slice %arg4[%select_n3A, %mul3A_32] : memref<8x512xi32, #tpu.memory_space<hbm>> -> memref<1x128xi32, #tpu.memory_space<hbm>>
      %dma_start3A_57 = tpu.memref_squeeze %dma_start3A_56 : memref<1x128xi32, #tpu.memory_space<hbm>> -> memref<128xi32, #tpu.memory_space<hbm>>
      %dma_start3A_58 = tpu.memref_slice %arg4[%select_n3A, %mul3A_32] : memref<8x512xi32, #tpu.memory_space<hbm>> -> memref<1x128xi32, #tpu.memory_space<hbm>>
      %dma_start3A_59 = tpu.memref_squeeze %dma_start3A_58 : memref<1x128xi32, #tpu.memory_space<hbm>> -> memref<128xi32, #tpu.memory_space<hbm>>
      tpu.enqueue_dma source(%dma_start3A_59 : memref<128xi32, #tpu.memory_space<hbm>>) target(%arg13 : memref<128xi32, #tpu.memory_space<vmem>>) target_semaphore(%run_scoped3A_55 : memref<!tpu.dma_semaphore, #tpu.memory_space<semaphore_mem>>)
      %dma_wait3A_60 = tpu.memref_slice %arg4[%select_n3A, %mul3A_32] : memref<8x512xi32, #tpu.memory_space<hbm>> -> memref<1x128xi32, #tpu.memory_space<hbm>>
      %dma_wait3A_61 = tpu.memref_squeeze %dma_wait3A_60 : memref<1x128xi32, #tpu.memory_space<hbm>> -> memref<128xi32, #tpu.memory_space<hbm>>
      %dma_wait3A_62 = tpu.memref_slice %arg4[%select_n3A, %mul3A_32] : memref<8x512xi32, #tpu.memory_space<hbm>> -> memref<1x128xi32, #tpu.memory_space<hbm>>
      %dma_wait3A_63 = tpu.memref_squeeze %dma_wait3A_62 : memref<1x128xi32, #tpu.memory_space<hbm>> -> memref<128xi32, #tpu.memory_space<hbm>>
      tpu.wait_dma2 semaphore(%run_scoped3A_55 : memref<!tpu.dma_semaphore, #tpu.memory_space<semaphore_mem>>) src(%dma_wait3A_63 : memref<128xi32, #tpu.memory_space<hbm>>) dst(%arg13 : memref<128xi32, #tpu.memory_space<vmem>>)
      tpu.yield
    }) : () -> ()
    %broadcast_in_dim3A = arith.constant 0x7F800000 : f32
    %broadcast_in_dim3A_35 = vector.broadcast %broadcast_in_dim3A : f32 to vector<16xf32>
    %broadcast_in_dim3A_36 = arith.constant 1073741824 : i32
    %broadcast_in_dim3A_37 = vector.broadcast %broadcast_in_dim3A_36 : i32 to vector<16xi32>
    %iota3A = tpu.iota {dimensions = array<i32: 0>} : vector<16xi32>
    %dma_start3A = arith.constant 0 : i32
    %dma_start3A_38 = tpu.memref_slice %arg2[%select_n3A, %mul3A_32, %dma_start3A] : memref<8x512x8192xf32, #tpu.memory_space<hbm>> -> memref<1x1x8192xf32, #tpu.memory_space<hbm>>
    %dma_start3A_39 = tpu.memref_squeeze %dma_start3A_38 : memref<1x1x8192xf32, #tpu.memory_space<hbm>> -> memref<8192xf32, #tpu.memory_space<hbm>>
    %dma_start3A_40 = arith.constant 0 : i32
    %dma_start3A_41 = tpu.memref_slice %arg2[%select_n3A, %mul3A_32, %dma_start3A_40] : memref<8x512x8192xf32, #tpu.memory_space<hbm>> -> memref<1x1x8192xf32, #tpu.memory_space<hbm>>
    %dma_start3A_42 = tpu.memref_squeeze %dma_start3A_41 : memref<1x1x8192xf32, #tpu.memory_space<hbm>> -> memref<8192xf32, #tpu.memory_space<hbm>>
    tpu.enqueue_dma source(%dma_start3A_42 : memref<8192xf32, #tpu.memory_space<hbm>>) target(%arg9 : memref<8192xf32, #tpu.memory_space<vmem>>) target_semaphore(%arg15 : memref<!tpu.dma_semaphore, #tpu.memory_space<semaphore_mem>>)
    %scan3A = arith.constant 0 : i32
    %scan3A_43 = arith.constant 0 : i32
    %scan3A_44 = arith.constant 64 : i32
    %scan3A_45 = arith.addi %scan3A_43, %scan3A_44 : i32
    %scan3A_46 = arith.constant 1 : i32
    scf.for %scan3A_55 = %scan3A_43 to %scan3A_45 step %scan3A_46  : i32 {
      %mul3A_56 = arith.constant 2 : i32
      %mul3A_57 = arith.muli %scan3A_55, %mul3A_56 : i32
      %add3A_58 = arith.constant 0 : i32
      %add3A_59 = arith.addi %mul3A_57, %add3A_58 : i32
      %add3A_60 = arith.constant 1 : i32
      %add3A_61 = arith.addi %add3A_59, %add3A_60 : i32
      %jit3A_62 = arith.constant 128 : i32
      %eq3A_63 = arith.constant 0 : i32
      %eq3A_64 = arith.cmpi eq, %jit3A_62, %eq3A_63 : i32
      %jit3A_65 = arith.constant 1 : i32
      %select_n3A_66 = arith.select %eq3A_64, %jit3A_65, %jit3A_62 : i32
      %rem3A_67 = arith.remsi %add3A_61, %select_n3A_66 : i32
      %ne3A_68 = arith.constant 0 : i32
      %ne3A_69 = arith.cmpi ne, %rem3A_67, %ne3A_68 : i32
      %lt3A_70 = arith.constant 0 : i32
      %lt3A_71 = arith.cmpi slt, %rem3A_67, %lt3A_70 : i32
      %lt3A_72 = arith.constant 0 : i32
      %lt3A_73 = arith.cmpi slt, %select_n3A_66, %lt3A_72 : i32
      %ne3A_74 = arith.xori %lt3A_71, %lt3A_73 : i1
      %and3A_75 = arith.andi %ne3A_74, %ne3A_69 : i1
      %add3A_76 = arith.addi %rem3A_67, %select_n3A_66 : i32
      %select_n3A_77 = arith.select %and3A_75, %add3A_76, %rem3A_67 : i32
      %add3A_78 = arith.addi %mul3A_32, %select_n3A_77 : i32
      %dma_start3A_79 = arith.constant 0 : i32
      %dma_start3A_80 = tpu.memref_slice %arg2[%select_n3A, %add3A_78, %dma_start3A_79] : memref<8x512x8192xf32, #tpu.memory_space<hbm>> -> memref<1x1x8192xf32, #tpu.memory_space<hbm>>
      %dma_start3A_81 = tpu.memref_squeeze %dma_start3A_80 : memref<1x1x8192xf32, #tpu.memory_space<hbm>> -> memref<8192xf32, #tpu.memory_space<hbm>>
      %dma_start3A_82 = arith.constant 0 : i32
      %dma_start3A_83 = tpu.memref_slice %arg2[%select_n3A, %add3A_78, %dma_start3A_82] : memref<8x512x8192xf32, #tpu.memory_space<hbm>> -> memref<1x1x8192xf32, #tpu.memory_space<hbm>>
      %dma_start3A_84 = tpu.memref_squeeze %dma_start3A_83 : memref<1x1x8192xf32, #tpu.memory_space<hbm>> -> memref<8192xf32, #tpu.memory_space<hbm>>
      tpu.enqueue_dma source(%dma_start3A_84 : memref<8192xf32, #tpu.memory_space<hbm>>) target(%arg10 : memref<8192xf32, #tpu.memory_space<vmem>>) target_semaphore(%arg16 : memref<!tpu.dma_semaphore, #tpu.memory_space<semaphore_mem>>)
      %add3A_85 = arith.addi %mul3A_32, %add3A_59 : i32
      %dma_wait3A_86 = arith.constant 0 : i32
      %dma_wait3A_87 = tpu.memref_slice %arg2[%select_n3A, %add3A_85, %dma_wait3A_86] : memref<8x512x8192xf32, #tpu.memory_space<hbm>> -> memref<1x1x8192xf32, #tpu.memory_space<hbm>>
      %dma_wait3A_88 = tpu.memref_squeeze %dma_wait3A_87 : memref<1x1x8192xf32, #tpu.memory_space<hbm>> -> memref<8192xf32, #tpu.memory_space<hbm>>
      %dma_wait3A_89 = arith.constant 0 : i32
      %dma_wait3A_90 = tpu.memref_slice %arg2[%select_n3A, %add3A_85, %dma_wait3A_89] : memref<8x512x8192xf32, #tpu.memory_space<hbm>> -> memref<1x1x8192xf32, #tpu.memory_space<hbm>>
      %dma_wait3A_91 = tpu.memref_squeeze %dma_wait3A_90 : memref<1x1x8192xf32, #tpu.memory_space<hbm>> -> memref<8192xf32, #tpu.memory_space<hbm>>
      tpu.wait_dma2 semaphore(%arg15 : memref<!tpu.dma_semaphore, #tpu.memory_space<semaphore_mem>>) src(%dma_wait3A_91 : memref<8192xf32, #tpu.memory_space<hbm>>) dst(%arg9 : memref<8192xf32, #tpu.memory_space<vmem>>)
      %scan3A_92 = arith.constant 0 : i32
      %scan3A_93 = arith.constant 64 : i32
      %scan3A_94 = arith.addi %scan3A_92, %scan3A_93 : i32
      %scan3A_95 = arith.constant 1 : i32
      %scan3A_96:4 = scf.for %scan3A_334 = %scan3A_92 to %scan3A_94 step %scan3A_95 iter_args(%scan3A_335 = %broadcast_in_dim3A_35, %scan3A_336 = %broadcast_in_dim3A_35, %scan3A_337 = %broadcast_in_dim3A_35, %scan3A_338 = %broadcast_in_dim3A_35) -> (vector<16xf32>, vector<16xf32>, vector<16xf32>, vector<16xf32>)  : i32 {
        %mul3A_339 = arith.constant 8 : i32
        %mul3A_340 = arith.muli %scan3A_334, %mul3A_339 : i32
        %add3A_341 = arith.constant 0 : i32
        %add3A_342 = arith.addi %mul3A_340, %add3A_341 : i32
        %mul3A_343 = arith.constant 16 : i32
        %mul3A_344 = arith.muli %add3A_342, %mul3A_343 : i32
        %get3A = arith.index_cast %mul3A_344 : i32 to index
        %get3A_345 = tpu.vector_load %arg9[%get3A] {strides = array<i32>} : memref<8192xf32, #tpu.memory_space<vmem>>, vector<16xf32>,
        %add3A_346 = arith.constant 0 : i32
        %add3A_347 = arith.addi %mul3A_340, %add3A_346 : i32
        %add3A_348 = arith.constant 1 : i32
        %add3A_349 = arith.addi %add3A_347, %add3A_348 : i32
        %mul3A_350 = arith.constant 16 : i32
        %mul3A_351 = arith.muli %add3A_349, %mul3A_350 : i32
        %get3A_352 = arith.index_cast %mul3A_351 : i32 to index
        %get3A_353 = tpu.vector_load %arg9[%get3A_352] {strides = array<i32>} : memref<8192xf32, #tpu.memory_space<vmem>>, vector<16xf32>,
        %min3A_354 = arith.minimumf %scan3A_335, %get3A_345 : vector<16xf32>
        %max3A_355 = arith.maximumf %scan3A_335, %get3A_345 : vector<16xf32>
        %min3A_356 = arith.minimumf %scan3A_336, %max3A_355 : vector<16xf32>
        %min3A_357 = arith.minimumf %scan3A_337, %get3A_353 : vector<16xf32>
        %max3A_358 = arith.maximumf %scan3A_337, %get3A_353 : vector<16xf32>
        %min3A_359 = arith.minimumf %scan3A_338, %max3A_358 : vector<16xf32>
        %add3A_360 = arith.constant 2 : i32
        %add3A_361 = arith.addi %mul3A_340, %add3A_360 : i32
        %mul3A_362 = arith.constant 16 : i32
        %mul3A_363 = arith.muli %add3A_361, %mul3A_362 : i32
        %get3A_364 = arith.index_cast %mul3A_363 : i32 to index
        %get3A_365 = tpu.vector_load %arg9[%get3A_364] {strides = array<i32>} : memref<8192xf32, #tpu.memory_space<vmem>>, vector<16xf32>,
        %add3A_366 = arith.constant 2 : i32
        %add3A_367 = arith.addi %mul3A_340, %add3A_366 : i32
        %add3A_368 = arith.constant 1 : i32
        %add3A_369 = arith.addi %add3A_367, %add3A_368 : i32
        %mul3A_370 = arith.constant 16 : i32
        %mul3A_371 = arith.muli %add3A_369, %mul3A_370 : i32
        %get3A_372 = arith.index_cast %mul3A_371 : i32 to index
        %get3A_373 = tpu.vector_load %arg9[%get3A_372] {strides = array<i32>} : memref<8192xf32, #tpu.memory_space<vmem>>, vector<16xf32>,
        %min3A_374 = arith.minimumf %min3A_354, %get3A_365 : vector<16xf32>
        %max3A_375 = arith.maximumf %min3A_354, %get3A_365 : vector<16xf32>
        %min3A_376 = arith.minimumf %min3A_356, %max3A_375 : vector<16xf32>
        %min3A_377 = arith.minimumf %min3A_357, %get3A_373 : vector<16xf32>
        %max3A_378 = arith.maximumf %min3A_357, %get3A_373 : vector<16xf32>
        %min3A_379 = arith.minimumf %min3A_359, %max3A_378 : vector<16xf32>
        %add3A_380 = arith.constant 4 : i32
        %add3A_381 = arith.addi %mul3A_340, %add3A_380 : i32
        %mul3A_382 = arith.constant 16 : i32
        %mul3A_383 = arith.muli %add3A_381, %mul3A_382 : i32
        %get3A_384 = arith.index_cast %mul3A_383 : i32 to index
        %get3A_385 = tpu.vector_load %arg9[%get3A_384] {strides = array<i32>} : memref<8192xf32, #tpu.memory_space<vmem>>, vector<16xf32>,
        %add3A_386 = arith.constant 4 : i32
        %add3A_387 = arith.addi %mul3A_340, %add3A_386 : i32
        %add3A_388 = arith.constant 1 : i32
        %add3A_389 = arith.addi %add3A_387, %add3A_388 : i32
        %mul3A_390 = arith.constant 16 : i32
        %mul3A_391 = arith.muli %add3A_389, %mul3A_390 : i32
        %get3A_392 = arith.index_cast %mul3A_391 : i32 to index
        %get3A_393 = tpu.vector_load %arg9[%get3A_392] {strides = array<i32>} : memref<8192xf32, #tpu.memory_space<vmem>>, vector<16xf32>,
        %min3A_394 = arith.minimumf %min3A_374, %get3A_385 : vector<16xf32>
        %max3A_395 = arith.maximumf %min3A_374, %get3A_385 : vector<16xf32>
        %min3A_396 = arith.minimumf %min3A_376, %max3A_395 : vector<16xf32>
        %min3A_397 = arith.minimumf %min3A_377, %get3A_393 : vector<16xf32>
        %max3A_398 = arith.maximumf %min3A_377, %get3A_393 : vector<16xf32>
        %min3A_399 = arith.minimumf %min3A_379, %max3A_398 : vector<16xf32>
        %add3A_400 = arith.constant 6 : i32
        %add3A_401 = arith.addi %mul3A_340, %add3A_400 : i32
        %mul3A_402 = arith.constant 16 : i32
        %mul3A_403 = arith.muli %add3A_401, %mul3A_402 : i32
        %get3A_404 = arith.index_cast %mul3A_403 : i32 to index
        %get3A_405 = tpu.vector_load %arg9[%get3A_404] {strides = array<i32>} : memref<8192xf32, #tpu.memory_space<vmem>>, vector<16xf32>,
        %add3A_406 = arith.constant 6 : i32
        %add3A_407 = arith.addi %mul3A_340, %add3A_406 : i32
        %add3A_408 = arith.constant 1 : i32
        %add3A_409 = arith.addi %add3A_407, %add3A_408 : i32
        %mul3A_410 = arith.constant 16 : i32
        %mul3A_411 = arith.muli %add3A_409, %mul3A_410 : i32
        %get3A_412 = arith.index_cast %mul3A_411 : i32 to index
        %get3A_413 = tpu.vector_load %arg9[%get3A_412] {strides = array<i32>} : memref<8192xf32, #tpu.memory_space<vmem>>, vector<16xf32>,
        %min3A_414 = arith.minimumf %min3A_394, %get3A_405 : vector<16xf32>
        %max3A_415 = arith.maximumf %min3A_394, %get3A_405 : vector<16xf32>
        %min3A_416 = arith.minimumf %min3A_396, %max3A_415 : vector<16xf32>
        %min3A_417 = arith.minimumf %min3A_397, %get3A_413 : vector<16xf32>
        %max3A_418 = arith.maximumf %min3A_397, %get3A_413 : vector<16xf32>
        %min3A_419 = arith.minimumf %min3A_399, %max3A_418 : vector<16xf32>
        scf.yield %min3A_414, %min3A_416, %min3A_417, %min3A_419 : vector<16xf32>, vector<16xf32>, vector<16xf32>, vector<16xf32>
      }
      %scan3A_97 = arith.constant 64 : i32
      %min3A = arith.minimumf %scan3A_96#1, %scan3A_96#3 : vector<16xf32>
      %max3A = arith.maximumf %scan3A_96#0, %scan3A_96#2 : vector<16xf32>
      %min3A_98 = arith.minimumf %min3A, %max3A : vector<16xf32>
      %reduce_max3A = arith.constant true
      %reduce_max3A_99 = vector.broadcast %reduce_max3A : i1 to vector<16xi1>
      %reduce_max3A_100 = tpu.scan <max>, %min3A_98 masked %reduce_max3A_99 : vector<16xf32>, vector<16xi1> -> vector<16xf32>
      %reduce_max3A_101 = vector.extract %reduce_max3A_100[15] : f32 from vector<16xf32>
      %scan3A_102 = arith.constant 0 : i32
      %scan3A_103 = arith.constant 0 : i32
      %scan3A_104 = arith.constant 64 : i32
      %scan3A_105 = arith.addi %scan3A_103, %scan3A_104 : i32
      %scan3A_106 = arith.constant 1 : i32
      %scan3A_107 = scf.for %scan3A_334 = %scan3A_103 to %scan3A_105 step %scan3A_106 iter_args(%scan3A_335 = %scan3A_102) -> (i32)  : i32 {
        %mul3A_336 = arith.constant 8 : i32
        %mul3A_337 = arith.muli %scan3A_334, %mul3A_336 : i32
        %add3A_338 = arith.constant 0 : i32
        %add3A_339 = arith.addi %mul3A_337, %add3A_338 : i32
        %mul3A_340 = arith.constant 16 : i32
        %mul3A_341 = arith.muli %add3A_339, %mul3A_340 : i32
        %get3A = arith.index_cast %mul3A_341 : i32 to index
        %get3A_342 = tpu.vector_load %arg9[%get3A] {strides = array<i32>} : memref<8192xf32, #tpu.memory_space<vmem>>, vector<16xf32>,
        %le3A = vector.broadcast %reduce_max3A_101 : f32 to vector<16xf32>
        %le3A_343 = arith.cmpf ole, %get3A_342, %le3A : vector<16xf32>
        %add3A_344 = arith.constant 0 : i32
        %add3A_345 = arith.addi %mul3A_337, %add3A_344 : i32
        %mul3A_346 = arith.constant 16 : i32
        %mul3A_347 = arith.muli %add3A_345, %mul3A_346 : i32
        %add3A_348 = vector.broadcast %mul3A_347 : i32 to vector<16xi32>
        %add3A_349 = arith.addi %iota3A, %add3A_348 : vector<16xi32>
        %min3A_350 = arith.constant 512 : i32
        %min3A_351 = arith.minsi %scan3A_335, %min3A_350 : i32
        %swap3A_352 = arith.index_cast %min3A_351 : i32 to index
        %swap3A_353 = tpu.vector_load %arg11[%swap3A_352] masked %le3A_343 {strides = array<i32>} : memref<544xf32, #tpu.memory_space<vmem>>, vector<16xf32>, vector<16xi1>
        tpu.vector_store %arg11[%swap3A_352], %get3A_342 masked %le3A_343 {strides = array<i32>} : memref<544xf32, #tpu.memory_space<vmem>>, vector<16xf32>, vector<16xi1>
        %swap3A_354 = arith.index_cast %min3A_351 : i32 to index
        %swap3A_355 = tpu.vector_load %arg12[%swap3A_354] masked %le3A_343 {strides = array<i32>} : memref<544xi32, #tpu.memory_space<vmem>>, vector<16xi32>, vector<16xi1>
        tpu.vector_store %arg12[%swap3A_354], %add3A_349 masked %le3A_343 {strides = array<i32>} : memref<544xi32, #tpu.memory_space<vmem>>, vector<16xi32>, vector<16xi1>
        %all_reduce_population_count3A = tpu.all_reduce %le3A_343 {dim = 0 : i64, kind = #tpu.reduction_kind<sum>} : vector<16xi1> -> vector<16xi32>
        %slice3A = vector.extract_strided_slice %all_reduce_population_count3A {offsets = [0], sizes = [1], strides = [1]} : vector<16xi32> to vector<1xi32>
        %squeeze3A = vector.extract %slice3A[0] : i32 from vector<1xi32>
        %add3A_356 = arith.addi %scan3A_335, %squeeze3A : i32
        %add3A_357 = arith.constant 1 : i32
        %add3A_358 = arith.addi %mul3A_337, %add3A_357 : i32
        %mul3A_359 = arith.constant 16 : i32
        %mul3A_360 = arith.muli %add3A_358, %mul3A_359 : i32
        %get3A_361 = arith.index_cast %mul3A_360 : i32 to index
        %get3A_362 = tpu.vector_load %arg9[%get3A_361] {strides = array<i32>} : memref<8192xf32, #tpu.memory_space<vmem>>, vector<16xf32>,
        %le3A_363 = vector.broadcast %reduce_max3A_101 : f32 to vector<16xf32>
        %le3A_364 = arith.cmpf ole, %get3A_362, %le3A_363 : vector<16xf32>
        %add3A_365 = arith.constant 1 : i32
        %add3A_366 = arith.addi %mul3A_337, %add3A_365 : i32
        %mul3A_367 = arith.constant 16 : i32
        %mul3A_368 = arith.muli %add3A_366, %mul3A_367 : i32
        %add3A_369 = vector.broadcast %mul3A_368 : i32 to vector<16xi32>
        %add3A_370 = arith.addi %iota3A, %add3A_369 : vector<16xi32>
        %min3A_371 = arith.constant 512 : i32
        %min3A_372 = arith.minsi %add3A_356, %min3A_371 : i32
        %swap3A_373 = arith.index_cast %min3A_372 : i32 to index
        %swap3A_374 = tpu.vector_load %arg11[%swap3A_373] masked %le3A_364 {strides = array<i32>} : memref<544xf32, #tpu.memory_space<vmem>>, vector<16xf32>, vector<16xi1>
        tpu.vector_store %arg11[%swap3A_373], %get3A_362 masked %le3A_364 {strides = array<i32>} : memref<544xf32, #tpu.memory_space<vmem>>, vector<16xf32>, vector<16xi1>
        %swap3A_375 = arith.index_cast %min3A_372 : i32 to index
        %swap3A_376 = tpu.vector_load %arg12[%swap3A_375] masked %le3A_364 {strides = array<i32>} : memref<544xi32, #tpu.memory_space<vmem>>, vector<16xi32>, vector<16xi1>
        tpu.vector_store %arg12[%swap3A_375], %add3A_370 masked %le3A_364 {strides = array<i32>} : memref<544xi32, #tpu.memory_space<vmem>>, vector<16xi32>, vector<16xi1>
        %all_reduce_population_count3A_377 = tpu.all_reduce %le3A_364 {dim = 0 : i64, kind = #tpu.reduction_kind<sum>} : vector<16xi1> -> vector<16xi32>
        %slice3A_378 = vector.extract_strided_slice %all_reduce_population_count3A_377 {offsets = [0], sizes = [1], strides = [1]} : vector<16xi32> to vector<1xi32>
        %squeeze3A_379 = vector.extract %slice3A_378[0] : i32 from vector<1xi32>
        %add3A_380 = arith.addi %add3A_356, %squeeze3A_379 : i32
        %add3A_381 = arith.constant 2 : i32
        %add3A_382 = arith.addi %mul3A_337, %add3A_381 : i32
        %mul3A_383 = arith.constant 16 : i32
        %mul3A_384 = arith.muli %add3A_382, %mul3A_383 : i32
        %get3A_385 = arith.index_cast %mul3A_384 : i32 to index
        %get3A_386 = tpu.vector_load %arg9[%get3A_385] {strides = array<i32>} : memref<8192xf32, #tpu.memory_space<vmem>>, vector<16xf32>,
        %le3A_387 = vector.broadcast %reduce_max3A_101 : f32 to vector<16xf32>
        %le3A_388 = arith.cmpf ole, %get3A_386, %le3A_387 : vector<16xf32>
        %add3A_389 = arith.constant 2 : i32
        %add3A_390 = arith.addi %mul3A_337, %add3A_389 : i32
        %mul3A_391 = arith.constant 16 : i32
        %mul3A_392 = arith.muli %add3A_390, %mul3A_391 : i32
        %add3A_393 = vector.broadcast %mul3A_392 : i32 to vector<16xi32>
        %add3A_394 = arith.addi %iota3A, %add3A_393 : vector<16xi32>
        %min3A_395 = arith.constant 512 : i32
        %min3A_396 = arith.minsi %add3A_380, %min3A_395 : i32
        %swap3A_397 = arith.index_cast %min3A_396 : i32 to index
        %swap3A_398 = tpu.vector_load %arg11[%swap3A_397] masked %le3A_388 {strides = array<i32>} : memref<544xf32, #tpu.memory_space<vmem>>, vector<16xf32>, vector<16xi1>
        tpu.vector_store %arg11[%swap3A_397], %get3A_386 masked %le3A_388 {strides = array<i32>} : memref<544xf32, #tpu.memory_space<vmem>>, vector<16xf32>, vector<16xi1>
        %swap3A_399 = arith.index_cast %min3A_396 : i32 to index
        %swap3A_400 = tpu.vector_load %arg12[%swap3A_399] masked %le3A_388 {strides = array<i32>} : memref<544xi32, #tpu.memory_space<vmem>>, vector<16xi32>, vector<16xi1>
        tpu.vector_store %arg12[%swap3A_399], %add3A_394 masked %le3A_388 {strides = array<i32>} : memref<544xi32, #tpu.memory_space<vmem>>, vector<16xi32>, vector<16xi1>
        %all_reduce_population_count3A_401 = tpu.all_reduce %le3A_388 {dim = 0 : i64, kind = #tpu.reduction_kind<sum>} : vector<16xi1> -> vector<16xi32>
        %slice3A_402 = vector.extract_strided_slice %all_reduce_population_count3A_401 {offsets = [0], sizes = [1], strides = [1]} : vector<16xi32> to vector<1xi32>
        %squeeze3A_403 = vector.extract %slice3A_402[0] : i32 from vector<1xi32>
        %add3A_404 = arith.addi %add3A_380, %squeeze3A_403 : i32
        %add3A_405 = arith.constant 3 : i32
        %add3A_406 = arith.addi %mul3A_337, %add3A_405 : i32
        %mul3A_407 = arith.constant 16 : i32
        %mul3A_408 = arith.muli %add3A_406, %mul3A_407 : i32
        %get3A_409 = arith.index_cast %mul3A_408 : i32 to index
        %get3A_410 = tpu.vector_load %arg9[%get3A_409] {strides = array<i32>} : memref<8192xf32, #tpu.memory_space<vmem>>, vector<16xf32>,
        %le3A_411 = vector.broadcast %reduce_max3A_101 : f32 to vector<16xf32>
        %le3A_412 = arith.cmpf ole, %get3A_410, %le3A_411 : vector<16xf32>
        %add3A_413 = arith.constant 3 : i32
        %add3A_414 = arith.addi %mul3A_337, %add3A_413 : i32
        %mul3A_415 = arith.constant 16 : i32
        %mul3A_416 = arith.muli %add3A_414, %mul3A_415 : i32
        %add3A_417 = vector.broadcast %mul3A_416 : i32 to vector<16xi32>
        %add3A_418 = arith.addi %iota3A, %add3A_417 : vector<16xi32>
        %min3A_419 = arith.constant 512 : i32
        %min3A_420 = arith.minsi %add3A_404, %min3A_419 : i32
        %swap3A_421 = arith.index_cast %min3A_420 : i32 to index
        %swap3A_422 = tpu.vector_load %arg11[%swap3A_421] masked %le3A_412 {strides = array<i32>} : memref<544xf32, #tpu.memory_space<vmem>>, vector<16xf32>, vector<16xi1>
        tpu.vector_store %arg11[%swap3A_421], %get3A_410 masked %le3A_412 {strides = array<i32>} : memref<544xf32, #tpu.memory_space<vmem>>, vector<16xf32>, vector<16xi1>
        %swap3A_423 = arith.index_cast %min3A_420 : i32 to index
        %swap3A_424 = tpu.vector_load %arg12[%swap3A_423] masked %le3A_412 {strides = array<i32>} : memref<544xi32, #tpu.memory_space<vmem>>, vector<16xi32>, vector<16xi1>
        tpu.vector_store %arg12[%swap3A_423], %add3A_418 masked %le3A_412 {strides = array<i32>} : memref<544xi32, #tpu.memory_space<vmem>>, vector<16xi32>, vector<16xi1>
        %all_reduce_population_count3A_425 = tpu.all_reduce %le3A_412 {dim = 0 : i64, kind = #tpu.reduction_kind<sum>} : vector<16xi1> -> vector<16xi32>
        %slice3A_426 = vector.extract_strided_slice %all_reduce_population_count3A_425 {offsets = [0], sizes = [1], strides = [1]} : vector<16xi32> to vector<1xi32>
        %squeeze3A_427 = vector.extract %slice3A_426[0] : i32 from vector<1xi32>
        %add3A_428 = arith.addi %add3A_404, %squeeze3A_427 : i32
        %add3A_429 = arith.constant 4 : i32
        %add3A_430 = arith.addi %mul3A_337, %add3A_429 : i32
        %mul3A_431 = arith.constant 16 : i32
        %mul3A_432 = arith.muli %add3A_430, %mul3A_431 : i32
        %get3A_433 = arith.index_cast %mul3A_432 : i32 to index
        %get3A_434 = tpu.vector_load %arg9[%get3A_433] {strides = array<i32>} : memref<8192xf32, #tpu.memory_space<vmem>>, vector<16xf32>,
        %le3A_435 = vector.broadcast %reduce_max3A_101 : f32 to vector<16xf32>
        %le3A_436 = arith.cmpf ole, %get3A_434, %le3A_435 : vector<16xf32>
        %add3A_437 = arith.constant 4 : i32
        %add3A_438 = arith.addi %mul3A_337, %add3A_437 : i32
        %mul3A_439 = arith.constant 16 : i32
        %mul3A_440 = arith.muli %add3A_438, %mul3A_439 : i32
        %add3A_441 = vector.broadcast %mul3A_440 : i32 to vector<16xi32>
        %add3A_442 = arith.addi %iota3A, %add3A_441 : vector<16xi32>
        %min3A_443 = arith.constant 512 : i32
        %min3A_444 = arith.minsi %add3A_428, %min3A_443 : i32
        %swap3A_445 = arith.index_cast %min3A_444 : i32 to index
        %swap3A_446 = tpu.vector_load %arg11[%swap3A_445] masked %le3A_436 {strides = array<i32>} : memref<544xf32, #tpu.memory_space<vmem>>, vector<16xf32>, vector<16xi1>
        tpu.vector_store %arg11[%swap3A_445], %get3A_434 masked %le3A_436 {strides = array<i32>} : memref<544xf32, #tpu.memory_space<vmem>>, vector<16xf32>, vector<16xi1>
        %swap3A_447 = arith.index_cast %min3A_444 : i32 to index
        %swap3A_448 = tpu.vector_load %arg12[%swap3A_447] masked %le3A_436 {strides = array<i32>} : memref<544xi32, #tpu.memory_space<vmem>>, vector<16xi32>, vector<16xi1>
        tpu.vector_store %arg12[%swap3A_447], %add3A_442 masked %le3A_436 {strides = array<i32>} : memref<544xi32, #tpu.memory_space<vmem>>, vector<16xi32>, vector<16xi1>
        %all_reduce_population_count3A_449 = tpu.all_reduce %le3A_436 {dim = 0 : i64, kind = #tpu.reduction_kind<sum>} : vector<16xi1> -> vector<16xi32>
        %slice3A_450 = vector.extract_strided_slice %all_reduce_population_count3A_449 {offsets = [0], sizes = [1], strides = [1]} : vector<16xi32> to vector<1xi32>
        %squeeze3A_451 = vector.extract %slice3A_450[0] : i32 from vector<1xi32>
        %add3A_452 = arith.addi %add3A_428, %squeeze3A_451 : i32
        %add3A_453 = arith.constant 5 : i32
        %add3A_454 = arith.addi %mul3A_337, %add3A_453 : i32
        %mul3A_455 = arith.constant 16 : i32
        %mul3A_456 = arith.muli %add3A_454, %mul3A_455 : i32
        %get3A_457 = arith.index_cast %mul3A_456 : i32 to index
        %get3A_458 = tpu.vector_load %arg9[%get3A_457] {strides = array<i32>} : memref<8192xf32, #tpu.memory_space<vmem>>, vector<16xf32>,
        %le3A_459 = vector.broadcast %reduce_max3A_101 : f32 to vector<16xf32>
        %le3A_460 = arith.cmpf ole, %get3A_458, %le3A_459 : vector<16xf32>
        %add3A_461 = arith.constant 5 : i32
        %add3A_462 = arith.addi %mul3A_337, %add3A_461 : i32
        %mul3A_463 = arith.constant 16 : i32
        %mul3A_464 = arith.muli %add3A_462, %mul3A_463 : i32
        %add3A_465 = vector.broadcast %mul3A_464 : i32 to vector<16xi32>
        %add3A_466 = arith.addi %iota3A, %add3A_465 : vector<16xi32>
        %min3A_467 = arith.constant 512 : i32
        %min3A_468 = arith.minsi %add3A_452, %min3A_467 : i32
        %swap3A_469 = arith.index_cast %min3A_468 : i32 to index
        %swap3A_470 = tpu.vector_load %arg11[%swap3A_469] masked %le3A_460 {strides = array<i32>} : memref<544xf32, #tpu.memory_space<vmem>>, vector<16xf32>, vector<16xi1>
        tpu.vector_store %arg11[%swap3A_469], %get3A_458 masked %le3A_460 {strides = array<i32>} : memref<544xf32, #tpu.memory_space<vmem>>, vector<16xf32>, vector<16xi1>
        %swap3A_471 = arith.index_cast %min3A_468 : i32 to index
        %swap3A_472 = tpu.vector_load %arg12[%swap3A_471] masked %le3A_460 {strides = array<i32>} : memref<544xi32, #tpu.memory_space<vmem>>, vector<16xi32>, vector<16xi1>
        tpu.vector_store %arg12[%swap3A_471], %add3A_466 masked %le3A_460 {strides = array<i32>} : memref<544xi32, #tpu.memory_space<vmem>>, vector<16xi32>, vector<16xi1>
        %all_reduce_population_count3A_473 = tpu.all_reduce %le3A_460 {dim = 0 : i64, kind = #tpu.reduction_kind<sum>} : vector<16xi1> -> vector<16xi32>
        %slice3A_474 = vector.extract_strided_slice %all_reduce_population_count3A_473 {offsets = [0], sizes = [1], strides = [1]} : vector<16xi32> to vector<1xi32>
        %squeeze3A_475 = vector.extract %slice3A_474[0] : i32 from vector<1xi32>
        %add3A_476 = arith.addi %add3A_452, %squeeze3A_475 : i32
        %add3A_477 = arith.constant 6 : i32
        %add3A_478 = arith.addi %mul3A_337, %add3A_477 : i32
        %mul3A_479 = arith.constant 16 : i32
        %mul3A_480 = arith.muli %add3A_478, %mul3A_479 : i32
        %get3A_481 = arith.index_cast %mul3A_480 : i32 to index
        %get3A_482 = tpu.vector_load %arg9[%get3A_481] {strides = array<i32>} : memref<8192xf32, #tpu.memory_space<vmem>>, vector<16xf32>,
        %le3A_483 = vector.broadcast %reduce_max3A_101 : f32 to vector<16xf32>
        %le3A_484 = arith.cmpf ole, %get3A_482, %le3A_483 : vector<16xf32>
        %add3A_485 = arith.constant 6 : i32
        %add3A_486 = arith.addi %mul3A_337, %add3A_485 : i32
        %mul3A_487 = arith.constant 16 : i32
        %mul3A_488 = arith.muli %add3A_486, %mul3A_487 : i32
        %add3A_489 = vector.broadcast %mul3A_488 : i32 to vector<16xi32>
        %add3A_490 = arith.addi %iota3A, %add3A_489 : vector<16xi32>
        %min3A_491 = arith.constant 512 : i32
        %min3A_492 = arith.minsi %add3A_476, %min3A_491 : i32
        %swap3A_493 = arith.index_cast %min3A_492 : i32 to index
        %swap3A_494 = tpu.vector_load %arg11[%swap3A_493] masked %le3A_484 {strides = array<i32>} : memref<544xf32, #tpu.memory_space<vmem>>, vector<16xf32>, vector<16xi1>
        tpu.vector_store %arg11[%swap3A_493], %get3A_482 masked %le3A_484 {strides = array<i32>} : memref<544xf32, #tpu.memory_space<vmem>>, vector<16xf32>, vector<16xi1>
        %swap3A_495 = arith.index_cast %min3A_492 : i32 to index
        %swap3A_496 = tpu.vector_load %arg12[%swap3A_495] masked %le3A_484 {strides = array<i32>} : memref<544xi32, #tpu.memory_space<vmem>>, vector<16xi32>, vector<16xi1>
        tpu.vector_store %arg12[%swap3A_495], %add3A_490 masked %le3A_484 {strides = array<i32>} : memref<544xi32, #tpu.memory_space<vmem>>, vector<16xi32>, vector<16xi1>
        %all_reduce_population_count3A_497 = tpu.all_reduce %le3A_484 {dim = 0 : i64, kind = #tpu.reduction_kind<sum>} : vector<16xi1> -> vector<16xi32>
        %slice3A_498 = vector.extract_strided_slice %all_reduce_population_count3A_497 {offsets = [0], sizes = [1], strides = [1]} : vector<16xi32> to vector<1xi32>
        %squeeze3A_499 = vector.extract %slice3A_498[0] : i32 from vector<1xi32>
        %add3A_500 = arith.addi %add3A_476, %squeeze3A_499 : i32
        %add3A_501 = arith.constant 7 : i32
        %add3A_502 = arith.addi %mul3A_337, %add3A_501 : i32
        %mul3A_503 = arith.constant 16 : i32
        %mul3A_504 = arith.muli %add3A_502, %mul3A_503 : i32
        %get3A_505 = arith.index_cast %mul3A_504 : i32 to index
        %get3A_506 = tpu.vector_load %arg9[%get3A_505] {strides = array<i32>} : memref<8192xf32, #tpu.memory_space<vmem>>, vector<16xf32>,
        %le3A_507 = vector.broadcast %reduce_max3A_101 : f32 to vector<16xf32>
        %le3A_508 = arith.cmpf ole, %get3A_506, %le3A_507 : vector<16xf32>
        %add3A_509 = arith.constant 7 : i32
        %add3A_510 = arith.addi %mul3A_337, %add3A_509 : i32
        %mul3A_511 = arith.constant 16 : i32
        %mul3A_512 = arith.muli %add3A_510, %mul3A_511 : i32
        %add3A_513 = vector.broadcast %mul3A_512 : i32 to vector<16xi32>
        %add3A_514 = arith.addi %iota3A, %add3A_513 : vector<16xi32>
        %min3A_515 = arith.constant 512 : i32
        %min3A_516 = arith.minsi %add3A_500, %min3A_515 : i32
        %swap3A_517 = arith.index_cast %min3A_516 : i32 to index
        %swap3A_518 = tpu.vector_load %arg11[%swap3A_517] masked %le3A_508 {strides = array<i32>} : memref<544xf32, #tpu.memory_space<vmem>>, vector<16xf32>, vector<16xi1>
        tpu.vector_store %arg11[%swap3A_517], %get3A_506 masked %le3A_508 {strides = array<i32>} : memref<544xf32, #tpu.memory_space<vmem>>, vector<16xf32>, vector<16xi1>
        %swap3A_519 = arith.index_cast %min3A_516 : i32 to index
        %swap3A_520 = tpu.vector_load %arg12[%swap3A_519] masked %le3A_508 {strides = array<i32>} : memref<544xi32, #tpu.memory_space<vmem>>, vector<16xi32>, vector<16xi1>
        tpu.vector_store %arg12[%swap3A_519], %add3A_514 masked %le3A_508 {strides = array<i32>} : memref<544xi32, #tpu.memory_space<vmem>>, vector<16xi32>, vector<16xi1>
        %all_reduce_population_count3A_521 = tpu.all_reduce %le3A_508 {dim = 0 : i64, kind = #tpu.reduction_kind<sum>} : vector<16xi1> -> vector<16xi32>
        %slice3A_522 = vector.extract_strided_slice %all_reduce_population_count3A_521 {offsets = [0], sizes = [1], strides = [1]} : vector<16xi32> to vector<1xi32>
        %squeeze3A_523 = vector.extract %slice3A_522[0] : i32 from vector<1xi32>
        %add3A_524 = arith.addi %add3A_500, %squeeze3A_523 : i32
        scf.yield %add3A_524 : i32
      }
      %scan3A_108 = arith.constant 64 : i32
      %min3A_109 = arith.constant 512 : i32
      %min3A_110 = arith.minsi %scan3A_107, %min3A_109 : i32
      %swap3A = arith.index_cast %min3A_110 : i32 to index
      %swap3A_111 = tpu.vector_load %arg11[%swap3A] {strides = array<i32>} : memref<544xf32, #tpu.memory_space<vmem>>, vector<16xf32>,
      tpu.vector_store %arg11[%swap3A], %broadcast_in_dim3A_35 {strides = array<i32>} : memref<544xf32, #tpu.memory_space<vmem>>, vector<16xf32>,
      %swap3A_112 = arith.index_cast %min3A_110 : i32 to index
      %swap3A_113 = tpu.vector_load %arg12[%swap3A_112] {strides = array<i32>} : memref<544xi32, #tpu.memory_space<vmem>>, vector<16xi32>,
      tpu.vector_store %arg12[%swap3A_112], %broadcast_in_dim3A_37 {strides = array<i32>} : memref<544xi32, #tpu.memory_space<vmem>>, vector<16xi32>,
      %add3A_114 = arith.constant 15 : i32
      %add3A_115 = arith.addi %min3A_110, %add3A_114 : i32
      %jit3A_116 = arith.constant 16 : i32
      %div3A_117 = arith.divsi %add3A_115, %jit3A_116 : i32
      %sign3A_118 = arith.constant 0 : i32
      %sign3A_119 = arith.cmpi sgt, %add3A_115, %sign3A_118 : i32
      %sign3A_120 = arith.extui %sign3A_119 : i1 to i32
      %sign3A_121 = arith.constant 0 : i32
      %sign3A_122 = arith.cmpi slt, %add3A_115, %sign3A_121 : i32
      %sign3A_123 = arith.extui %sign3A_122 : i1 to i32
      %sign3A_124 = arith.subi %sign3A_120, %sign3A_123 : i32
      %sign3A_125 = arith.constant 0 : i32
      %sign3A_126 = arith.cmpi sgt, %jit3A_116, %sign3A_125 : i32
      %sign3A_127 = arith.extui %sign3A_126 : i1 to i32
      %sign3A_128 = arith.constant 0 : i32
      %sign3A_129 = arith.cmpi slt, %jit3A_116, %sign3A_128 : i32
      %sign3A_130 = arith.extui %sign3A_129 : i1 to i32
      %sign3A_131 = arith.subi %sign3A_127, %sign3A_130 : i32
      %ne3A_132 = arith.cmpi ne, %sign3A_124, %sign3A_131 : i32
      %rem3A_133 = arith.remsi %add3A_115, %jit3A_116 : i32
      %ne3A_134 = arith.constant 0 : i32
      %ne3A_135 = arith.cmpi ne, %rem3A_133, %ne3A_134 : i32
      %and3A_136 = arith.andi %ne3A_132, %ne3A_135 : i1
      %sub3A_137 = arith.constant 1 : i32
      %sub3A_138 = arith.subi %div3A_117, %sub3A_137 : i32
      %select_n3A_139 = arith.select %and3A_136, %sub3A_138, %div3A_117 : i32
      %while3A = arith.constant 0 : i32
      %while3A_140 = arith.subi %select_n3A_139, %while3A : i32
      %while3A_141 = arith.addi %while3A, %while3A_140 : i32
      %while3A_142 = arith.constant 1 : i32
      %while3A_143 = arith.divsi %while3A_140, %while3A_142 : i32
      %while3A_144 = arith.muli %while3A_143, %while3A_142 : i32
      %while3A_145 = arith.addi %while3A, %while3A_144 : i32
      %while3A_146 = arith.constant 1 : i32
      %while3A_147:4 = scf.for %while3A_334 = %while3A to %while3A_145 step %while3A_146 iter_args(%while3A_335 = %broadcast_in_dim3A_35, %while3A_336 = %broadcast_in_dim3A_37, %while3A_337 = %broadcast_in_dim3A_35, %while3A_338 = %broadcast_in_dim3A_37) -> (vector<16xf32>, vector<16xi32>, vector<16xf32>, vector<16xi32>)  : i32 {
        %mul3A_339 = arith.constant 16 : i32
        %mul3A_340 = arith.muli %while3A_334, %mul3A_339 : i32
        %get3A = arith.index_cast %mul3A_340 : i32 to index
        %get3A_341 = tpu.vector_load %arg11[%get3A] {strides = array<i32>} : memref<544xf32, #tpu.memory_space<vmem>>, vector<16xf32>,
        %mul3A_342 = arith.constant 16 : i32
        %mul3A_343 = arith.muli %while3A_334, %mul3A_342 : i32
        %get3A_344 = arith.index_cast %mul3A_343 : i32 to index
        %get3A_345 = tpu.vector_load %arg12[%get3A_344] {strides = array<i32>} : memref<544xi32, #tpu.memory_space<vmem>>, vector<16xi32>,
        %masked_sort3A = arith.constant dense<true> : vector<16xi1>
        %masked_sort3A_346, %masked_sort3A_347, %masked_sort3A_348 = tpu.sort %get3A_341, %get3A_345 masked %masked_sort3A : (vector<16xf32>, vector<16xi32>, vector<16xi1>) -> (vector<16xi1>, vector<16xf32>, vector<16xi32>)
        %rev3A = arith.constant 15 : i32
        %rev3A_349 = vector.broadcast %rev3A : i32 to vector<16xi32>
        %rev3A_350 = tpu.iota {dimensions = array<i32: 0>} : vector<16xi32>
        %rev3A_351 = arith.subi %rev3A_349, %rev3A_350 : vector<16xi32>
        %rev3A_352 = tpu.dynamic_gather %masked_sort3A_347[%rev3A_351] in [0] : vector<16xf32>, vector<16xi32> -> vector<16xf32>
        %rev3A_353 = arith.constant 15 : i32
        %rev3A_354 = vector.broadcast %rev3A_353 : i32 to vector<16xi32>
        %rev3A_355 = tpu.iota {dimensions = array<i32: 0>} : vector<16xi32>
        %rev3A_356 = arith.subi %rev3A_354, %rev3A_355 : vector<16xi32>
        %rev3A_357 = tpu.dynamic_gather %masked_sort3A_348[%rev3A_356] in [0] : vector<16xi32>, vector<16xi32> -> vector<16xi32>
        %lt3A_358 = arith.cmpf olt, %rev3A_352, %while3A_337 : vector<16xf32>
        %eq3A_359 = arith.cmpf oeq, %rev3A_352, %while3A_337 : vector<16xf32>
        %lt3A_360 = arith.cmpi slt, %rev3A_357, %while3A_338 : vector<16xi32>
        %and3A_361 = arith.andi %eq3A_359, %lt3A_360 : vector<16xi1>
        %or3A = arith.ori %lt3A_358, %and3A_361 : vector<16xi1>
        %select_n3A_362 = arith.select %or3A, %rev3A_352, %while3A_337 : vector<16xi1>, vector<16xf32>
        %select_n3A_363 = arith.select %or3A, %rev3A_357, %while3A_338 : vector<16xi1>, vector<16xi32>
        %lt3A_364 = arith.cmpf olt, %select_n3A_362, %while3A_335 : vector<16xf32>
        %eq3A_365 = arith.cmpf oeq, %select_n3A_362, %while3A_335 : vector<16xf32>
        %lt3A_366 = arith.cmpi slt, %select_n3A_363, %while3A_336 : vector<16xi32>
        %and3A_367 = arith.andi %eq3A_365, %lt3A_366 : vector<16xi1>
        %or3A_368 = arith.ori %lt3A_364, %and3A_367 : vector<16xi1>
        %select_n3A_369 = arith.select %or3A_368, %select_n3A_362, %while3A_335 : vector<16xi1>, vector<16xf32>
        %select_n3A_370 = arith.select %or3A_368, %select_n3A_363, %while3A_336 : vector<16xi1>, vector<16xi32>
        %select_n3A_371 = arith.select %or3A_368, %while3A_335, %select_n3A_362 : vector<16xi1>, vector<16xf32>
        %select_n3A_372 = arith.select %or3A_368, %while3A_336, %select_n3A_363 : vector<16xi1>, vector<16xi32>
        %masked_sort3A_373 = arith.constant dense<true> : vector<16xi1>
        %masked_sort3A_374 = arith.constant -2147483648 : i32
        %masked_sort3A_375 = vector.broadcast %masked_sort3A_374 : i32 to vector<16xi32>
        %masked_sort3A_376 = arith.xori %select_n3A_370, %masked_sort3A_375 : vector<16xi32>
        %masked_sort3A_377, %masked_sort3A_378, %masked_sort3A_379 = tpu.sort %masked_sort3A_376, %select_n3A_369 masked %masked_sort3A_373 : (vector<16xi32>, vector<16xf32>, vector<16xi1>) -> (vector<16xi1>, vector<16xi32>, vector<16xf32>)
        %masked_sort3A_380 = arith.xori %masked_sort3A_378, %masked_sort3A_375 : vector<16xi32>
        %masked_sort3A_381 = arith.constant dense<true> : vector<16xi1>
        %masked_sort3A_382, %masked_sort3A_383, %masked_sort3A_384 = tpu.sort %masked_sort3A_379, %masked_sort3A_380 masked %masked_sort3A_381 : (vector<16xf32>, vector<16xi32>, vector<16xi1>) -> (vector<16xi1>, vector<16xf32>, vector<16xi32>)
        %masked_sort3A_385 = arith.constant dense<true> : vector<16xi1>
        %masked_sort3A_386 = arith.constant -2147483648 : i32
        %masked_sort3A_387 = vector.broadcast %masked_sort3A_386 : i32 to vector<16xi32>
        %masked_sort3A_388 = arith.xori %select_n3A_372, %masked_sort3A_387 : vector<16xi32>
        %masked_sort3A_389, %masked_sort3A_390, %masked_sort3A_391 = tpu.sort %masked_sort3A_388, %select_n3A_371 masked %masked_sort3A_385 : (vector<16xi32>, vector<16xf32>, vector<16xi1>) -> (vector<16xi1>, vector<16xi32>, vector<16xf32>)
        %masked_sort3A_392 = arith.xori %masked_sort3A_390, %masked_sort3A_387 : vector<16xi32>
        %masked_sort3A_393 = arith.constant dense<true> : vector<16xi1>
        %masked_sort3A_394, %masked_sort3A_395, %masked_sort3A_396 = tpu.sort %masked_sort3A_391, %masked_sort3A_392 masked %masked_sort3A_393 : (vector<16xf32>, vector<16xi32>, vector<16xi1>) -> (vector<16xi1>, vector<16xf32>, vector<16xi32>)
        scf.yield %masked_sort3A_383, %masked_sort3A_384, %masked_sort3A_395, %masked_sort3A_396 : vector<16xf32>, vector<16xi32>, vector<16xf32>, vector<16xi32>
      }
      %while3A_148 = arith.constant 1 : i32
      %while3A_149:4 = scf.for %while3A_334 = %while3A_145 to %while3A_141 step %while3A_148 iter_args(%while3A_335 = %while3A_147#0, %while3A_336 = %while3A_147#1, %while3A_337 = %while3A_147#2, %while3A_338 = %while3A_147#3) -> (vector<16xf32>, vector<16xi32>, vector<16xf32>, vector<16xi32>)  : i32 {
        %mul3A_339 = arith.constant 16 : i32
        %mul3A_340 = arith.muli %while3A_334, %mul3A_339 : i32
        %get3A = arith.index_cast %mul3A_340 : i32 to index
        %get3A_341 = tpu.vector_load %arg11[%get3A] {strides = array<i32>} : memref<544xf32, #tpu.memory_space<vmem>>, vector<16xf32>,
        %mul3A_342 = arith.constant 16 : i32
        %mul3A_343 = arith.muli %while3A_334, %mul3A_342 : i32
        %get3A_344 = arith.index_cast %mul3A_343 : i32 to index
        %get3A_345 = tpu.vector_load %arg12[%get3A_344] {strides = array<i32>} : memref<544xi32, #tpu.memory_space<vmem>>, vector<16xi32>,
        %masked_sort3A = arith.constant dense<true> : vector<16xi1>
        %masked_sort3A_346, %masked_sort3A_347, %masked_sort3A_348 = tpu.sort %get3A_341, %get3A_345 masked %masked_sort3A : (vector<16xf32>, vector<16xi32>, vector<16xi1>) -> (vector<16xi1>, vector<16xf32>, vector<16xi32>)
        %rev3A = arith.constant 15 : i32
        %rev3A_349 = vector.broadcast %rev3A : i32 to vector<16xi32>
        %rev3A_350 = tpu.iota {dimensions = array<i32: 0>} : vector<16xi32>
        %rev3A_351 = arith.subi %rev3A_349, %rev3A_350 : vector<16xi32>
        %rev3A_352 = tpu.dynamic_gather %masked_sort3A_347[%rev3A_351] in [0] : vector<16xf32>, vector<16xi32> -> vector<16xf32>
        %rev3A_353 = arith.constant 15 : i32
        %rev3A_354 = vector.broadcast %rev3A_353 : i32 to vector<16xi32>
        %rev3A_355 = tpu.iota {dimensions = array<i32: 0>} : vector<16xi32>
        %rev3A_356 = arith.subi %rev3A_354, %rev3A_355 : vector<16xi32>
        %rev3A_357 = tpu.dynamic_gather %masked_sort3A_348[%rev3A_356] in [0] : vector<16xi32>, vector<16xi32> -> vector<16xi32>
        %lt3A_358 = arith.cmpf olt, %rev3A_352, %while3A_337 : vector<16xf32>
        %eq3A_359 = arith.cmpf oeq, %rev3A_352, %while3A_337 : vector<16xf32>
        %lt3A_360 = arith.cmpi slt, %rev3A_357, %while3A_338 : vector<16xi32>
        %and3A_361 = arith.andi %eq3A_359, %lt3A_360 : vector<16xi1>
        %or3A = arith.ori %lt3A_358, %and3A_361 : vector<16xi1>
        %select_n3A_362 = arith.select %or3A, %rev3A_352, %while3A_337 : vector<16xi1>, vector<16xf32>
        %select_n3A_363 = arith.select %or3A, %rev3A_357, %while3A_338 : vector<16xi1>, vector<16xi32>
        %lt3A_364 = arith.cmpf olt, %select_n3A_362, %while3A_335 : vector<16xf32>
        %eq3A_365 = arith.cmpf oeq, %select_n3A_362, %while3A_335 : vector<16xf32>
        %lt3A_366 = arith.cmpi slt, %select_n3A_363, %while3A_336 : vector<16xi32>
        %and3A_367 = arith.andi %eq3A_365, %lt3A_366 : vector<16xi1>
        %or3A_368 = arith.ori %lt3A_364, %and3A_367 : vector<16xi1>
        %select_n3A_369 = arith.select %or3A_368, %select_n3A_362, %while3A_335 : vector<16xi1>, vector<16xf32>
        %select_n3A_370 = arith.select %or3A_368, %select_n3A_363, %while3A_336 : vector<16xi1>, vector<16xi32>
        %select_n3A_371 = arith.select %or3A_368, %while3A_335, %select_n3A_362 : vector<16xi1>, vector<16xf32>
        %select_n3A_372 = arith.select %or3A_368, %while3A_336, %select_n3A_363 : vector<16xi1>, vector<16xi32>
        %masked_sort3A_373 = arith.constant dense<true> : vector<16xi1>
        %masked_sort3A_374 = arith.constant -2147483648 : i32
        %masked_sort3A_375 = vector.broadcast %masked_sort3A_374 : i32 to vector<16xi32>
        %masked_sort3A_376 = arith.xori %select_n3A_370, %masked_sort3A_375 : vector<16xi32>
        %masked_sort3A_377, %masked_sort3A_378, %masked_sort3A_379 = tpu.sort %masked_sort3A_376, %select_n3A_369 masked %masked_sort3A_373 : (vector<16xi32>, vector<16xf32>, vector<16xi1>) -> (vector<16xi1>, vector<16xi32>, vector<16xf32>)
        %masked_sort3A_380 = arith.xori %masked_sort3A_378, %masked_sort3A_375 : vector<16xi32>
        %masked_sort3A_381 = arith.constant dense<true> : vector<16xi1>
        %masked_sort3A_382, %masked_sort3A_383, %masked_sort3A_384 = tpu.sort %masked_sort3A_379, %masked_sort3A_380 masked %masked_sort3A_381 : (vector<16xf32>, vector<16xi32>, vector<16xi1>) -> (vector<16xi1>, vector<16xf32>, vector<16xi32>)
        %masked_sort3A_385 = arith.constant dense<true> : vector<16xi1>
        %masked_sort3A_386 = arith.constant -2147483648 : i32
        %masked_sort3A_387 = vector.broadcast %masked_sort3A_386 : i32 to vector<16xi32>
        %masked_sort3A_388 = arith.xori %select_n3A_372, %masked_sort3A_387 : vector<16xi32>
        %masked_sort3A_389, %masked_sort3A_390, %masked_sort3A_391 = tpu.sort %masked_sort3A_388, %select_n3A_371 masked %masked_sort3A_385 : (vector<16xi32>, vector<16xf32>, vector<16xi1>) -> (vector<16xi1>, vector<16xi32>, vector<16xf32>)
        %masked_sort3A_392 = arith.xori %masked_sort3A_390, %masked_sort3A_387 : vector<16xi32>
        %masked_sort3A_393 = arith.constant dense<true> : vector<16xi1>
        %masked_sort3A_394, %masked_sort3A_395, %masked_sort3A_396 = tpu.sort %masked_sort3A_391, %masked_sort3A_392 masked %masked_sort3A_393 : (vector<16xf32>, vector<16xi32>, vector<16xi1>) -> (vector<16xi1>, vector<16xf32>, vector<16xi32>)
        scf.yield %masked_sort3A_383, %masked_sort3A_384, %masked_sort3A_395, %masked_sort3A_396 : vector<16xf32>, vector<16xi32>, vector<16xf32>, vector<16xi32>
      }
      %broadcast_in_dim3A_150 = vector.broadcast %add3A_59 : i32 to vector<16xi32>
      %gather3A = tpu.vector_load_idx %arg13[%broadcast_in_dim3A_150] : memref<128xi32, #tpu.memory_space<vmem>>[vector<16xi32>], vector<16xi32>,
      %gather3A_151 = tpu.vector_load_idx %arg6[%gather3A] : memref<8192xf32, #tpu.memory_space<vmem>>[vector<16xi32>], vector<16xf32>,
      %gather3A_152 = tpu.vector_load_idx %arg7[%gather3A] : memref<8192xf32, #tpu.memory_space<vmem>>[vector<16xi32>], vector<16xf32>,
      %gather3A_153 = tpu.vector_load_idx %arg8[%gather3A] : memref<8192xf32, #tpu.memory_space<vmem>>[vector<16xi32>], vector<16xf32>,
      %mul3A_154 = arith.constant 96 : i32
      %mul3A_155 = arith.muli %add3A_59, %mul3A_154 : i32
      %gather3A_156 = tpu.vector_load_idx %arg6[%while3A_149#1] : memref<8192xf32, #tpu.memory_space<vmem>>[vector<16xi32>], vector<16xf32>,
      %sub3A_157 = arith.subf %gather3A_156, %gather3A_151 : vector<16xf32>
      %add3A_158 = arith.constant 0 : i32
      %add3A_159 = arith.addi %mul3A_155, %add3A_158 : i32
      %swap3A_160 = arith.index_cast %add3A_159 : i32 to index
      %swap3A_161 = tpu.vector_load %arg14[%swap3A_160] {strides = array<i32>} : memref<12288xf32, #tpu.memory_space<vmem>>, vector<16xf32>,
      tpu.vector_store %arg14[%swap3A_160], %sub3A_157 {strides = array<i32>} : memref<12288xf32, #tpu.memory_space<vmem>>, vector<16xf32>,
      %gather3A_162 = tpu.vector_load_idx %arg6[%while3A_149#3] : memref<8192xf32, #tpu.memory_space<vmem>>[vector<16xi32>], vector<16xf32>,
      %sub3A_163 = arith.subf %gather3A_162, %gather3A_151 : vector<16xf32>
      %add3A_164 = arith.constant 16 : i32
      %add3A_165 = arith.addi %mul3A_155, %add3A_164 : i32
      %swap3A_166 = arith.index_cast %add3A_165 : i32 to index
      %swap3A_167 = tpu.vector_load %arg14[%swap3A_166] {strides = array<i32>} : memref<12288xf32, #tpu.memory_space<vmem>>, vector<16xf32>,
      tpu.vector_store %arg14[%swap3A_166], %sub3A_163 {strides = array<i32>} : memref<12288xf32, #tpu.memory_space<vmem>>, vector<16xf32>,
      %gather3A_168 = tpu.vector_load_idx %arg7[%while3A_149#1] : memref<8192xf32, #tpu.memory_space<vmem>>[vector<16xi32>], vector<16xf32>,
      %sub3A_169 = arith.subf %gather3A_168, %gather3A_152 : vector<16xf32>
      %add3A_170 = arith.constant 32 : i32
      %add3A_171 = arith.addi %mul3A_155, %add3A_170 : i32
      %swap3A_172 = arith.index_cast %add3A_171 : i32 to index
      %swap3A_173 = tpu.vector_load %arg14[%swap3A_172] {strides = array<i32>} : memref<12288xf32, #tpu.memory_space<vmem>>, vector<16xf32>,
      tpu.vector_store %arg14[%swap3A_172], %sub3A_169 {strides = array<i32>} : memref<12288xf32, #tpu.memory_space<vmem>>, vector<16xf32>,
      %gather3A_174 = tpu.vector_load_idx %arg7[%while3A_149#3] : memref<8192xf32, #tpu.memory_space<vmem>>[vector<16xi32>], vector<16xf32>,
      %sub3A_175 = arith.subf %gather3A_174, %gather3A_152 : vector<16xf32>
      %add3A_176 = arith.constant 48 : i32
      %add3A_177 = arith.addi %mul3A_155, %add3A_176 : i32
      %swap3A_178 = arith.index_cast %add3A_177 : i32 to index
      %swap3A_179 = tpu.vector_load %arg14[%swap3A_178] {strides = array<i32>} : memref<12288xf32, #tpu.memory_space<vmem>>, vector<16xf32>,
      tpu.vector_store %arg14[%swap3A_178], %sub3A_175 {strides = array<i32>} : memref<12288xf32, #tpu.memory_space<vmem>>, vector<16xf32>,
      %gather3A_180 = tpu.vector_load_idx %arg8[%while3A_149#1] : memref<8192xf32, #tpu.memory_space<vmem>>[vector<16xi32>], vector<16xf32>,
      %sub3A_181 = arith.subf %gather3A_180, %gather3A_153 : vector<16xf32>
      %add3A_182 = arith.constant 64 : i32
      %add3A_183 = arith.addi %mul3A_155, %add3A_182 : i32
      %swap3A_184 = arith.index_cast %add3A_183 : i32 to index
      %swap3A_185 = tpu.vector_load %arg14[%swap3A_184] {strides = array<i32>} : memref<12288xf32, #tpu.memory_space<vmem>>, vector<16xf32>,
      tpu.vector_store %arg14[%swap3A_184], %sub3A_181 {strides = array<i32>} : memref<12288xf32, #tpu.memory_space<vmem>>, vector<16xf32>,
      %gather3A_186 = tpu.vector_load_idx %arg8[%while3A_149#3] : memref<8192xf32, #tpu.memory_space<vmem>>[vector<16xi32>], vector<16xf32>,
      %sub3A_187 = arith.subf %gather3A_186, %gather3A_153 : vector<16xf32>
      %add3A_188 = arith.constant 80 : i32
      %add3A_189 = arith.addi %mul3A_155, %add3A_188 : i32
      %swap3A_190 = arith.index_cast %add3A_189 : i32 to index
      %swap3A_191 = tpu.vector_load %arg14[%swap3A_190] {strides = array<i32>} : memref<12288xf32, #tpu.memory_space<vmem>>, vector<16xf32>,
      tpu.vector_store %arg14[%swap3A_190], %sub3A_187 {strides = array<i32>} : memref<12288xf32, #tpu.memory_space<vmem>>, vector<16xf32>,
      %mul3A_192 = arith.constant 2 : i32
      %mul3A_193 = arith.muli %scan3A_55, %mul3A_192 : i32
      %add3A_194 = arith.constant 1 : i32
      %add3A_195 = arith.addi %mul3A_193, %add3A_194 : i32
      %add3A_196 = arith.constant 1 : i32
      %add3A_197 = arith.addi %add3A_195, %add3A_196 : i32
      %jit3A_198 = arith.constant 128 : i32
      %eq3A_199 = arith.constant 0 : i32
      %eq3A_200 = arith.cmpi eq, %jit3A_198, %eq3A_199 : i32
      %jit3A_201 = arith.constant 1 : i32
      %select_n3A_202 = arith.select %eq3A_200, %jit3A_201, %jit3A_198 : i32
      %rem3A_203 = arith.remsi %add3A_197, %select_n3A_202 : i32
      %ne3A_204 = arith.constant 0 : i32
      %ne3A_205 = arith.cmpi ne, %rem3A_203, %ne3A_204 : i32
      %lt3A_206 = arith.constant 0 : i32
      %lt3A_207 = arith.cmpi slt, %rem3A_203, %lt3A_206 : i32
      %lt3A_208 = arith.constant 0 : i32
      %lt3A_209 = arith.cmpi slt, %select_n3A_202, %lt3A_208 : i32
      %ne3A_210 = arith.xori %lt3A_207, %lt3A_209 : i1
      %and3A_211 = arith.andi %ne3A_210, %ne3A_205 : i1
      %add3A_212 = arith.addi %rem3A_203, %select_n3A_202 : i32
      %select_n3A_213 = arith.select %and3A_211, %add3A_212, %rem3A_203 : i32
      %add3A_214 = arith.addi %mul3A_32, %select_n3A_213 : i32
      %dma_start3A_215 = arith.constant 0 : i32
      %dma_start3A_216 = tpu.memref_slice %arg2[%select_n3A, %add3A_214, %dma_start3A_215] : memref<8x512x8192xf32, #tpu.memory_space<hbm>> -> memref<1x1x8192xf32, #tpu.memory_space<hbm>>
      %dma_start3A_217 = tpu.memref_squeeze %dma_start3A_216 : memref<1x1x8192xf32, #tpu.memory_space<hbm>> -> memref<8192xf32, #tpu.memory_space<hbm>>
      %dma_start3A_218 = arith.constant 0 : i32
      %dma_start3A_219 = tpu.memref_slice %arg2[%select_n3A, %add3A_214, %dma_start3A_218] : memref<8x512x8192xf32, #tpu.memory_space<hbm>> -> memref<1x1x8192xf32, #tpu.memory_space<hbm>>
      %dma_start3A_220 = tpu.memref_squeeze %dma_start3A_219 : memref<1x1x8192xf32, #tpu.memory_space<hbm>> -> memref<8192xf32, #tpu.memory_space<hbm>>
      tpu.enqueue_dma source(%dma_start3A_220 : memref<8192xf32, #tpu.memory_space<hbm>>) target(%arg9 : memref<8192xf32, #tpu.memory_space<vmem>>) target_semaphore(%arg15 : memref<!tpu.dma_semaphore, #tpu.memory_space<semaphore_mem>>)
      %add3A_221 = arith.addi %mul3A_32, %add3A_195 : i32
      %dma_wait3A_222 = arith.constant 0 : i32
      %dma_wait3A_223 = tpu.memref_slice %arg2[%select_n3A, %add3A_221, %dma_wait3A_222] : memref<8x512x8192xf32, #tpu.memory_space<hbm>> -> memref<1x1x8192xf32, #tpu.memory_space<hbm>>
      %dma_wait3A_224 = tpu.memref_squeeze %dma_wait3A_223 : memref<1x1x8192xf32, #tpu.memory_space<hbm>> -> memref<8192xf32, #tpu.memory_space<hbm>>
      %dma_wait3A_225 = arith.constant 0 : i32
      %dma_wait3A_226 = tpu.memref_slice %arg2[%select_n3A, %add3A_221, %dma_wait3A_225] : memref<8x512x8192xf32, #tpu.memory_space<hbm>> -> memref<1x1x8192xf32, #tpu.memory_space<hbm>>
      %dma_wait3A_227 = tpu.memref_squeeze %dma_wait3A_226 : memref<1x1x8192xf32, #tpu.memory_space<hbm>> -> memref<8192xf32, #tpu.memory_space<hbm>>
      tpu.wait_dma2 semaphore(%arg16 : memref<!tpu.dma_semaphore, #tpu.memory_space<semaphore_mem>>) src(%dma_wait3A_227 : memref<8192xf32, #tpu.memory_space<hbm>>) dst(%arg10 : memref<8192xf32, #tpu.memory_space<vmem>>)
      %scan3A_228 = arith.constant 0 : i32
      %scan3A_229 = arith.constant 64 : i32
      %scan3A_230 = arith.addi %scan3A_228, %scan3A_229 : i32
      %scan3A_231 = arith.constant 1 : i32
      %scan3A_232:4 = scf.for %scan3A_334 = %scan3A_228 to %scan3A_230 step %scan3A_231 iter_args(%scan3A_335 = %broadcast_in_dim3A_35, %scan3A_336 = %broadcast_in_dim3A_35, %scan3A_337 = %broadcast_in_dim3A_35, %scan3A_338 = %broadcast_in_dim3A_35) -> (vector<16xf32>, vector<16xf32>, vector<16xf32>, vector<16xf32>)  : i32 {
        %mul3A_339 = arith.constant 8 : i32
        %mul3A_340 = arith.muli %scan3A_334, %mul3A_339 : i32
        %add3A_341 = arith.constant 0 : i32
        %add3A_342 = arith.addi %mul3A_340, %add3A_341 : i32
        %mul3A_343 = arith.constant 16 : i32
        %mul3A_344 = arith.muli %add3A_342, %mul3A_343 : i32
        %get3A = arith.index_cast %mul3A_344 : i32 to index
        %get3A_345 = tpu.vector_load %arg10[%get3A] {strides = array<i32>} : memref<8192xf32, #tpu.memory_space<vmem>>, vector<16xf32>,
        %add3A_346 = arith.constant 0 : i32
        %add3A_347 = arith.addi %mul3A_340, %add3A_346 : i32
        %add3A_348 = arith.constant 1 : i32
        %add3A_349 = arith.addi %add3A_347, %add3A_348 : i32
        %mul3A_350 = arith.constant 16 : i32
        %mul3A_351 = arith.muli %add3A_349, %mul3A_350 : i32
        %get3A_352 = arith.index_cast %mul3A_351 : i32 to index
        %get3A_353 = tpu.vector_load %arg10[%get3A_352] {strides = array<i32>} : memref<8192xf32, #tpu.memory_space<vmem>>, vector<16xf32>,
        %min3A_354 = arith.minimumf %scan3A_335, %get3A_345 : vector<16xf32>
        %max3A_355 = arith.maximumf %scan3A_335, %get3A_345 : vector<16xf32>
        %min3A_356 = arith.minimumf %scan3A_336, %max3A_355 : vector<16xf32>
        %min3A_357 = arith.minimumf %scan3A_337, %get3A_353 : vector<16xf32>
        %max3A_358 = arith.maximumf %scan3A_337, %get3A_353 : vector<16xf32>
        %min3A_359 = arith.minimumf %scan3A_338, %max3A_358 : vector<16xf32>
        %add3A_360 = arith.constant 2 : i32
        %add3A_361 = arith.addi %mul3A_340, %add3A_360 : i32
        %mul3A_362 = arith.constant 16 : i32
        %mul3A_363 = arith.muli %add3A_361, %mul3A_362 : i32
        %get3A_364 = arith.index_cast %mul3A_363 : i32 to index
        %get3A_365 = tpu.vector_load %arg10[%get3A_364] {strides = array<i32>} : memref<8192xf32, #tpu.memory_space<vmem>>, vector<16xf32>,
        %add3A_366 = arith.constant 2 : i32
        %add3A_367 = arith.addi %mul3A_340, %add3A_366 : i32
        %add3A_368 = arith.constant 1 : i32
        %add3A_369 = arith.addi %add3A_367, %add3A_368 : i32
        %mul3A_370 = arith.constant 16 : i32
        %mul3A_371 = arith.muli %add3A_369, %mul3A_370 : i32
        %get3A_372 = arith.index_cast %mul3A_371 : i32 to index
        %get3A_373 = tpu.vector_load %arg10[%get3A_372] {strides = array<i32>} : memref<8192xf32, #tpu.memory_space<vmem>>, vector<16xf32>,
        %min3A_374 = arith.minimumf %min3A_354, %get3A_365 : vector<16xf32>
        %max3A_375 = arith.maximumf %min3A_354, %get3A_365 : vector<16xf32>
        %min3A_376 = arith.minimumf %min3A_356, %max3A_375 : vector<16xf32>
        %min3A_377 = arith.minimumf %min3A_357, %get3A_373 : vector<16xf32>
        %max3A_378 = arith.maximumf %min3A_357, %get3A_373 : vector<16xf32>
        %min3A_379 = arith.minimumf %min3A_359, %max3A_378 : vector<16xf32>
        %add3A_380 = arith.constant 4 : i32
        %add3A_381 = arith.addi %mul3A_340, %add3A_380 : i32
        %mul3A_382 = arith.constant 16 : i32
        %mul3A_383 = arith.muli %add3A_381, %mul3A_382 : i32
        %get3A_384 = arith.index_cast %mul3A_383 : i32 to index
        %get3A_385 = tpu.vector_load %arg10[%get3A_384] {strides = array<i32>} : memref<8192xf32, #tpu.memory_space<vmem>>, vector<16xf32>,
        %add3A_386 = arith.constant 4 : i32
        %add3A_387 = arith.addi %mul3A_340, %add3A_386 : i32
        %add3A_388 = arith.constant 1 : i32
        %add3A_389 = arith.addi %add3A_387, %add3A_388 : i32
        %mul3A_390 = arith.constant 16 : i32
        %mul3A_391 = arith.muli %add3A_389, %mul3A_390 : i32
        %get3A_392 = arith.index_cast %mul3A_391 : i32 to index
        %get3A_393 = tpu.vector_load %arg10[%get3A_392] {strides = array<i32>} : memref<8192xf32, #tpu.memory_space<vmem>>, vector<16xf32>,
        %min3A_394 = arith.minimumf %min3A_374, %get3A_385 : vector<16xf32>
        %max3A_395 = arith.maximumf %min3A_374, %get3A_385 : vector<16xf32>
        %min3A_396 = arith.minimumf %min3A_376, %max3A_395 : vector<16xf32>
        %min3A_397 = arith.minimumf %min3A_377, %get3A_393 : vector<16xf32>
        %max3A_398 = arith.maximumf %min3A_377, %get3A_393 : vector<16xf32>
        %min3A_399 = arith.minimumf %min3A_379, %max3A_398 : vector<16xf32>
        %add3A_400 = arith.constant 6 : i32
        %add3A_401 = arith.addi %mul3A_340, %add3A_400 : i32
        %mul3A_402 = arith.constant 16 : i32
        %mul3A_403 = arith.muli %add3A_401, %mul3A_402 : i32
        %get3A_404 = arith.index_cast %mul3A_403 : i32 to index
        %get3A_405 = tpu.vector_load %arg10[%get3A_404] {strides = array<i32>} : memref<8192xf32, #tpu.memory_space<vmem>>, vector<16xf32>,
        %add3A_406 = arith.constant 6 : i32
        %add3A_407 = arith.addi %mul3A_340, %add3A_406 : i32
        %add3A_408 = arith.constant 1 : i32
        %add3A_409 = arith.addi %add3A_407, %add3A_408 : i32
        %mul3A_410 = arith.constant 16 : i32
        %mul3A_411 = arith.muli %add3A_409, %mul3A_410 : i32
        %get3A_412 = arith.index_cast %mul3A_411 : i32 to index
        %get3A_413 = tpu.vector_load %arg10[%get3A_412] {strides = array<i32>} : memref<8192xf32, #tpu.memory_space<vmem>>, vector<16xf32>,
        %min3A_414 = arith.minimumf %min3A_394, %get3A_405 : vector<16xf32>
        %max3A_415 = arith.maximumf %min3A_394, %get3A_405 : vector<16xf32>
        %min3A_416 = arith.minimumf %min3A_396, %max3A_415 : vector<16xf32>
        %min3A_417 = arith.minimumf %min3A_397, %get3A_413 : vector<16xf32>
        %max3A_418 = arith.maximumf %min3A_397, %get3A_413 : vector<16xf32>
        %min3A_419 = arith.minimumf %min3A_399, %max3A_418 : vector<16xf32>
        scf.yield %min3A_414, %min3A_416, %min3A_417, %min3A_419 : vector<16xf32>, vector<16xf32>, vector<16xf32>, vector<16xf32>
      }
      %scan3A_233 = arith.constant 64 : i32
      %min3A_234 = arith.minimumf %scan3A_232#1, %scan3A_232#3 : vector<16xf32>
      %max3A_235 = arith.maximumf %scan3A_232#0, %scan3A_232#2 : vector<16xf32>
      %min3A_236 = arith.minimumf %min3A_234, %max3A_235 : vector<16xf32>
      %reduce_max3A_237 = arith.constant true
      %reduce_max3A_238 = vector.broadcast %reduce_max3A_237 : i1 to vector<16xi1>
      %reduce_max3A_239 = tpu.scan <max>, %min3A_236 masked %reduce_max3A_238 : vector<16xf32>, vector<16xi1> -> vector<16xf32>
      %reduce_max3A_240 = vector.extract %reduce_max3A_239[15] : f32 from vector<16xf32>
      %scan3A_241 = arith.constant 0 : i32
      %scan3A_242 = arith.constant 0 : i32
      %scan3A_243 = arith.constant 64 : i32
      %scan3A_244 = arith.addi %scan3A_242, %scan3A_243 : i32
      %scan3A_245 = arith.constant 1 : i32
      %scan3A_246 = scf.for %scan3A_334 = %scan3A_242 to %scan3A_244 step %scan3A_245 iter_args(%scan3A_335 = %scan3A_241) -> (i32)  : i32 {
        %mul3A_336 = arith.constant 8 : i32
        %mul3A_337 = arith.muli %scan3A_334, %mul3A_336 : i32
        %add3A_338 = arith.constant 0 : i32
        %add3A_339 = arith.addi %mul3A_337, %add3A_338 : i32
        %mul3A_340 = arith.constant 16 : i32
        %mul3A_341 = arith.muli %add3A_339, %mul3A_340 : i32
        %get3A = arith.index_cast %mul3A_341 : i32 to index
        %get3A_342 = tpu.vector_load %arg10[%get3A] {strides = array<i32>} : memref<8192xf32, #tpu.memory_space<vmem>>, vector<16xf32>,
        %le3A = vector.broadcast %reduce_max3A_240 : f32 to vector<16xf32>
        %le3A_343 = arith.cmpf ole, %get3A_342, %le3A : vector<16xf32>
        %add3A_344 = arith.constant 0 : i32
        %add3A_345 = arith.addi %mul3A_337, %add3A_344 : i32
        %mul3A_346 = arith.constant 16 : i32
        %mul3A_347 = arith.muli %add3A_345, %mul3A_346 : i32
        %add3A_348 = vector.broadcast %mul3A_347 : i32 to vector<16xi32>
        %add3A_349 = arith.addi %iota3A, %add3A_348 : vector<16xi32>
        %min3A_350 = arith.constant 512 : i32
        %min3A_351 = arith.minsi %scan3A_335, %min3A_350 : i32
        %swap3A_352 = arith.index_cast %min3A_351 : i32 to index
        %swap3A_353 = tpu.vector_load %arg11[%swap3A_352] masked %le3A_343 {strides = array<i32>} : memref<544xf32, #tpu.memory_space<vmem>>, vector<16xf32>, vector<16xi1>
        tpu.vector_store %arg11[%swap3A_352], %get3A_342 masked %le3A_343 {strides = array<i32>} : memref<544xf32, #tpu.memory_space<vmem>>, vector<16xf32>, vector<16xi1>
        %swap3A_354 = arith.index_cast %min3A_351 : i32 to index
        %swap3A_355 = tpu.vector_load %arg12[%swap3A_354] masked %le3A_343 {strides = array<i32>} : memref<544xi32, #tpu.memory_space<vmem>>, vector<16xi32>, vector<16xi1>
        tpu.vector_store %arg12[%swap3A_354], %add3A_349 masked %le3A_343 {strides = array<i32>} : memref<544xi32, #tpu.memory_space<vmem>>, vector<16xi32>, vector<16xi1>
        %all_reduce_population_count3A = tpu.all_reduce %le3A_343 {dim = 0 : i64, kind = #tpu.reduction_kind<sum>} : vector<16xi1> -> vector<16xi32>
        %slice3A = vector.extract_strided_slice %all_reduce_population_count3A {offsets = [0], sizes = [1], strides = [1]} : vector<16xi32> to vector<1xi32>
        %squeeze3A = vector.extract %slice3A[0] : i32 from vector<1xi32>
        %add3A_356 = arith.addi %scan3A_335, %squeeze3A : i32
        %add3A_357 = arith.constant 1 : i32
        %add3A_358 = arith.addi %mul3A_337, %add3A_357 : i32
        %mul3A_359 = arith.constant 16 : i32
        %mul3A_360 = arith.muli %add3A_358, %mul3A_359 : i32
        %get3A_361 = arith.index_cast %mul3A_360 : i32 to index
        %get3A_362 = tpu.vector_load %arg10[%get3A_361] {strides = array<i32>} : memref<8192xf32, #tpu.memory_space<vmem>>, vector<16xf32>,
        %le3A_363 = vector.broadcast %reduce_max3A_240 : f32 to vector<16xf32>
        %le3A_364 = arith.cmpf ole, %get3A_362, %le3A_363 : vector<16xf32>
        %add3A_365 = arith.constant 1 : i32
        %add3A_366 = arith.addi %mul3A_337, %add3A_365 : i32
        %mul3A_367 = arith.constant 16 : i32
        %mul3A_368 = arith.muli %add3A_366, %mul3A_367 : i32
        %add3A_369 = vector.broadcast %mul3A_368 : i32 to vector<16xi32>
        %add3A_370 = arith.addi %iota3A, %add3A_369 : vector<16xi32>
        %min3A_371 = arith.constant 512 : i32
        %min3A_372 = arith.minsi %add3A_356, %min3A_371 : i32
        %swap3A_373 = arith.index_cast %min3A_372 : i32 to index
        %swap3A_374 = tpu.vector_load %arg11[%swap3A_373] masked %le3A_364 {strides = array<i32>} : memref<544xf32, #tpu.memory_space<vmem>>, vector<16xf32>, vector<16xi1>
        tpu.vector_store %arg11[%swap3A_373], %get3A_362 masked %le3A_364 {strides = array<i32>} : memref<544xf32, #tpu.memory_space<vmem>>, vector<16xf32>, vector<16xi1>
        %swap3A_375 = arith.index_cast %min3A_372 : i32 to index
        %swap3A_376 = tpu.vector_load %arg12[%swap3A_375] masked %le3A_364 {strides = array<i32>} : memref<544xi32, #tpu.memory_space<vmem>>, vector<16xi32>, vector<16xi1>
        tpu.vector_store %arg12[%swap3A_375], %add3A_370 masked %le3A_364 {strides = array<i32>} : memref<544xi32, #tpu.memory_space<vmem>>, vector<16xi32>, vector<16xi1>
        %all_reduce_population_count3A_377 = tpu.all_reduce %le3A_364 {dim = 0 : i64, kind = #tpu.reduction_kind<sum>} : vector<16xi1> -> vector<16xi32>
        %slice3A_378 = vector.extract_strided_slice %all_reduce_population_count3A_377 {offsets = [0], sizes = [1], strides = [1]} : vector<16xi32> to vector<1xi32>
        %squeeze3A_379 = vector.extract %slice3A_378[0] : i32 from vector<1xi32>
        %add3A_380 = arith.addi %add3A_356, %squeeze3A_379 : i32
        %add3A_381 = arith.constant 2 : i32
        %add3A_382 = arith.addi %mul3A_337, %add3A_381 : i32
        %mul3A_383 = arith.constant 16 : i32
        %mul3A_384 = arith.muli %add3A_382, %mul3A_383 : i32
        %get3A_385 = arith.index_cast %mul3A_384 : i32 to index
        %get3A_386 = tpu.vector_load %arg10[%get3A_385] {strides = array<i32>} : memref<8192xf32, #tpu.memory_space<vmem>>, vector<16xf32>,
        %le3A_387 = vector.broadcast %reduce_max3A_240 : f32 to vector<16xf32>
        %le3A_388 = arith.cmpf ole, %get3A_386, %le3A_387 : vector<16xf32>
        %add3A_389 = arith.constant 2 : i32
        %add3A_390 = arith.addi %mul3A_337, %add3A_389 : i32
        %mul3A_391 = arith.constant 16 : i32
        %mul3A_392 = arith.muli %add3A_390, %mul3A_391 : i32
        %add3A_393 = vector.broadcast %mul3A_392 : i32 to vector<16xi32>
        %add3A_394 = arith.addi %iota3A, %add3A_393 : vector<16xi32>
        %min3A_395 = arith.constant 512 : i32
        %min3A_396 = arith.minsi %add3A_380, %min3A_395 : i32
        %swap3A_397 = arith.index_cast %min3A_396 : i32 to index
        %swap3A_398 = tpu.vector_load %arg11[%swap3A_397] masked %le3A_388 {strides = array<i32>} : memref<544xf32, #tpu.memory_space<vmem>>, vector<16xf32>, vector<16xi1>
        tpu.vector_store %arg11[%swap3A_397], %get3A_386 masked %le3A_388 {strides = array<i32>} : memref<544xf32, #tpu.memory_space<vmem>>, vector<16xf32>, vector<16xi1>
        %swap3A_399 = arith.index_cast %min3A_396 : i32 to index
        %swap3A_400 = tpu.vector_load %arg12[%swap3A_399] masked %le3A_388 {strides = array<i32>} : memref<544xi32, #tpu.memory_space<vmem>>, vector<16xi32>, vector<16xi1>
        tpu.vector_store %arg12[%swap3A_399], %add3A_394 masked %le3A_388 {strides = array<i32>} : memref<544xi32, #tpu.memory_space<vmem>>, vector<16xi32>, vector<16xi1>
        %all_reduce_population_count3A_401 = tpu.all_reduce %le3A_388 {dim = 0 : i64, kind = #tpu.reduction_kind<sum>} : vector<16xi1> -> vector<16xi32>
        %slice3A_402 = vector.extract_strided_slice %all_reduce_population_count3A_401 {offsets = [0], sizes = [1], strides = [1]} : vector<16xi32> to vector<1xi32>
        %squeeze3A_403 = vector.extract %slice3A_402[0] : i32 from vector<1xi32>
        %add3A_404 = arith.addi %add3A_380, %squeeze3A_403 : i32
        %add3A_405 = arith.constant 3 : i32
        %add3A_406 = arith.addi %mul3A_337, %add3A_405 : i32
        %mul3A_407 = arith.constant 16 : i32
        %mul3A_408 = arith.muli %add3A_406, %mul3A_407 : i32
        %get3A_409 = arith.index_cast %mul3A_408 : i32 to index
        %get3A_410 = tpu.vector_load %arg10[%get3A_409] {strides = array<i32>} : memref<8192xf32, #tpu.memory_space<vmem>>, vector<16xf32>,
        %le3A_411 = vector.broadcast %reduce_max3A_240 : f32 to vector<16xf32>
        %le3A_412 = arith.cmpf ole, %get3A_410, %le3A_411 : vector<16xf32>
        %add3A_413 = arith.constant 3 : i32
        %add3A_414 = arith.addi %mul3A_337, %add3A_413 : i32
        %mul3A_415 = arith.constant 16 : i32
        %mul3A_416 = arith.muli %add3A_414, %mul3A_415 : i32
        %add3A_417 = vector.broadcast %mul3A_416 : i32 to vector<16xi32>
        %add3A_418 = arith.addi %iota3A, %add3A_417 : vector<16xi32>
        %min3A_419 = arith.constant 512 : i32
        %min3A_420 = arith.minsi %add3A_404, %min3A_419 : i32
        %swap3A_421 = arith.index_cast %min3A_420 : i32 to index
        %swap3A_422 = tpu.vector_load %arg11[%swap3A_421] masked %le3A_412 {strides = array<i32>} : memref<544xf32, #tpu.memory_space<vmem>>, vector<16xf32>, vector<16xi1>
        tpu.vector_store %arg11[%swap3A_421], %get3A_410 masked %le3A_412 {strides = array<i32>} : memref<544xf32, #tpu.memory_space<vmem>>, vector<16xf32>, vector<16xi1>
        %swap3A_423 = arith.index_cast %min3A_420 : i32 to index
        %swap3A_424 = tpu.vector_load %arg12[%swap3A_423] masked %le3A_412 {strides = array<i32>} : memref<544xi32, #tpu.memory_space<vmem>>, vector<16xi32>, vector<16xi1>
        tpu.vector_store %arg12[%swap3A_423], %add3A_418 masked %le3A_412 {strides = array<i32>} : memref<544xi32, #tpu.memory_space<vmem>>, vector<16xi32>, vector<16xi1>
        %all_reduce_population_count3A_425 = tpu.all_reduce %le3A_412 {dim = 0 : i64, kind = #tpu.reduction_kind<sum>} : vector<16xi1> -> vector<16xi32>
        %slice3A_426 = vector.extract_strided_slice %all_reduce_population_count3A_425 {offsets = [0], sizes = [1], strides = [1]} : vector<16xi32> to vector<1xi32>
        %squeeze3A_427 = vector.extract %slice3A_426[0] : i32 from vector<1xi32>
        %add3A_428 = arith.addi %add3A_404, %squeeze3A_427 : i32
        %add3A_429 = arith.constant 4 : i32
        %add3A_430 = arith.addi %mul3A_337, %add3A_429 : i32
        %mul3A_431 = arith.constant 16 : i32
        %mul3A_432 = arith.muli %add3A_430, %mul3A_431 : i32
        %get3A_433 = arith.index_cast %mul3A_432 : i32 to index
        %get3A_434 = tpu.vector_load %arg10[%get3A_433] {strides = array<i32>} : memref<8192xf32, #tpu.memory_space<vmem>>, vector<16xf32>,
        %le3A_435 = vector.broadcast %reduce_max3A_240 : f32 to vector<16xf32>
        %le3A_436 = arith.cmpf ole, %get3A_434, %le3A_435 : vector<16xf32>
        %add3A_437 = arith.constant 4 : i32
        %add3A_438 = arith.addi %mul3A_337, %add3A_437 : i32
        %mul3A_439 = arith.constant 16 : i32
        %mul3A_440 = arith.muli %add3A_438, %mul3A_439 : i32
        %add3A_441 = vector.broadcast %mul3A_440 : i32 to vector<16xi32>
        %add3A_442 = arith.addi %iota3A, %add3A_441 : vector<16xi32>
        %min3A_443 = arith.constant 512 : i32
        %min3A_444 = arith.minsi %add3A_428, %min3A_443 : i32
        %swap3A_445 = arith.index_cast %min3A_444 : i32 to index
        %swap3A_446 = tpu.vector_load %arg11[%swap3A_445] masked %le3A_436 {strides = array<i32>} : memref<544xf32, #tpu.memory_space<vmem>>, vector<16xf32>, vector<16xi1>
        tpu.vector_store %arg11[%swap3A_445], %get3A_434 masked %le3A_436 {strides = array<i32>} : memref<544xf32, #tpu.memory_space<vmem>>, vector<16xf32>, vector<16xi1>
        %swap3A_447 = arith.index_cast %min3A_444 : i32 to index
        %swap3A_448 = tpu.vector_load %arg12[%swap3A_447] masked %le3A_436 {strides = array<i32>} : memref<544xi32, #tpu.memory_space<vmem>>, vector<16xi32>, vector<16xi1>
        tpu.vector_store %arg12[%swap3A_447], %add3A_442 masked %le3A_436 {strides = array<i32>} : memref<544xi32, #tpu.memory_space<vmem>>, vector<16xi32>, vector<16xi1>
        %all_reduce_population_count3A_449 = tpu.all_reduce %le3A_436 {dim = 0 : i64, kind = #tpu.reduction_kind<sum>} : vector<16xi1> -> vector<16xi32>
        %slice3A_450 = vector.extract_strided_slice %all_reduce_population_count3A_449 {offsets = [0], sizes = [1], strides = [1]} : vector<16xi32> to vector<1xi32>
        %squeeze3A_451 = vector.extract %slice3A_450[0] : i32 from vector<1xi32>
        %add3A_452 = arith.addi %add3A_428, %squeeze3A_451 : i32
        %add3A_453 = arith.constant 5 : i32
        %add3A_454 = arith.addi %mul3A_337, %add3A_453 : i32
        %mul3A_455 = arith.constant 16 : i32
        %mul3A_456 = arith.muli %add3A_454, %mul3A_455 : i32
        %get3A_457 = arith.index_cast %mul3A_456 : i32 to index
        %get3A_458 = tpu.vector_load %arg10[%get3A_457] {strides = array<i32>} : memref<8192xf32, #tpu.memory_space<vmem>>, vector<16xf32>,
        %le3A_459 = vector.broadcast %reduce_max3A_240 : f32 to vector<16xf32>
        %le3A_460 = arith.cmpf ole, %get3A_458, %le3A_459 : vector<16xf32>
        %add3A_461 = arith.constant 5 : i32
        %add3A_462 = arith.addi %mul3A_337, %add3A_461 : i32
        %mul3A_463 = arith.constant 16 : i32
        %mul3A_464 = arith.muli %add3A_462, %mul3A_463 : i32
        %add3A_465 = vector.broadcast %mul3A_464 : i32 to vector<16xi32>
        %add3A_466 = arith.addi %iota3A, %add3A_465 : vector<16xi32>
        %min3A_467 = arith.constant 512 : i32
        %min3A_468 = arith.minsi %add3A_452, %min3A_467 : i32
        %swap3A_469 = arith.index_cast %min3A_468 : i32 to index
        %swap3A_470 = tpu.vector_load %arg11[%swap3A_469] masked %le3A_460 {strides = array<i32>} : memref<544xf32, #tpu.memory_space<vmem>>, vector<16xf32>, vector<16xi1>
        tpu.vector_store %arg11[%swap3A_469], %get3A_458 masked %le3A_460 {strides = array<i32>} : memref<544xf32, #tpu.memory_space<vmem>>, vector<16xf32>, vector<16xi1>
        %swap3A_471 = arith.index_cast %min3A_468 : i32 to index
        %swap3A_472 = tpu.vector_load %arg12[%swap3A_471] masked %le3A_460 {strides = array<i32>} : memref<544xi32, #tpu.memory_space<vmem>>, vector<16xi32>, vector<16xi1>
        tpu.vector_store %arg12[%swap3A_471], %add3A_466 masked %le3A_460 {strides = array<i32>} : memref<544xi32, #tpu.memory_space<vmem>>, vector<16xi32>, vector<16xi1>
        %all_reduce_population_count3A_473 = tpu.all_reduce %le3A_460 {dim = 0 : i64, kind = #tpu.reduction_kind<sum>} : vector<16xi1> -> vector<16xi32>
        %slice3A_474 = vector.extract_strided_slice %all_reduce_population_count3A_473 {offsets = [0], sizes = [1], strides = [1]} : vector<16xi32> to vector<1xi32>
        %squeeze3A_475 = vector.extract %slice3A_474[0] : i32 from vector<1xi32>
        %add3A_476 = arith.addi %add3A_452, %squeeze3A_475 : i32
        %add3A_477 = arith.constant 6 : i32
        %add3A_478 = arith.addi %mul3A_337, %add3A_477 : i32
        %mul3A_479 = arith.constant 16 : i32
        %mul3A_480 = arith.muli %add3A_478, %mul3A_479 : i32
        %get3A_481 = arith.index_cast %mul3A_480 : i32 to index
        %get3A_482 = tpu.vector_load %arg10[%get3A_481] {strides = array<i32>} : memref<8192xf32, #tpu.memory_space<vmem>>, vector<16xf32>,
        %le3A_483 = vector.broadcast %reduce_max3A_240 : f32 to vector<16xf32>
        %le3A_484 = arith.cmpf ole, %get3A_482, %le3A_483 : vector<16xf32>
        %add3A_485 = arith.constant 6 : i32
        %add3A_486 = arith.addi %mul3A_337, %add3A_485 : i32
        %mul3A_487 = arith.constant 16 : i32
        %mul3A_488 = arith.muli %add3A_486, %mul3A_487 : i32
        %add3A_489 = vector.broadcast %mul3A_488 : i32 to vector<16xi32>
        %add3A_490 = arith.addi %iota3A, %add3A_489 : vector<16xi32>
        %min3A_491 = arith.constant 512 : i32
        %min3A_492 = arith.minsi %add3A_476, %min3A_491 : i32
        %swap3A_493 = arith.index_cast %min3A_492 : i32 to index
        %swap3A_494 = tpu.vector_load %arg11[%swap3A_493] masked %le3A_484 {strides = array<i32>} : memref<544xf32, #tpu.memory_space<vmem>>, vector<16xf32>, vector<16xi1>
        tpu.vector_store %arg11[%swap3A_493], %get3A_482 masked %le3A_484 {strides = array<i32>} : memref<544xf32, #tpu.memory_space<vmem>>, vector<16xf32>, vector<16xi1>
        %swap3A_495 = arith.index_cast %min3A_492 : i32 to index
        %swap3A_496 = tpu.vector_load %arg12[%swap3A_495] masked %le3A_484 {strides = array<i32>} : memref<544xi32, #tpu.memory_space<vmem>>, vector<16xi32>, vector<16xi1>
        tpu.vector_store %arg12[%swap3A_495], %add3A_490 masked %le3A_484 {strides = array<i32>} : memref<544xi32, #tpu.memory_space<vmem>>, vector<16xi32>, vector<16xi1>
        %all_reduce_population_count3A_497 = tpu.all_reduce %le3A_484 {dim = 0 : i64, kind = #tpu.reduction_kind<sum>} : vector<16xi1> -> vector<16xi32>
        %slice3A_498 = vector.extract_strided_slice %all_reduce_population_count3A_497 {offsets = [0], sizes = [1], strides = [1]} : vector<16xi32> to vector<1xi32>
        %squeeze3A_499 = vector.extract %slice3A_498[0] : i32 from vector<1xi32>
        %add3A_500 = arith.addi %add3A_476, %squeeze3A_499 : i32
        %add3A_501 = arith.constant 7 : i32
        %add3A_502 = arith.addi %mul3A_337, %add3A_501 : i32
        %mul3A_503 = arith.constant 16 : i32
        %mul3A_504 = arith.muli %add3A_502, %mul3A_503 : i32
        %get3A_505 = arith.index_cast %mul3A_504 : i32 to index
        %get3A_506 = tpu.vector_load %arg10[%get3A_505] {strides = array<i32>} : memref<8192xf32, #tpu.memory_space<vmem>>, vector<16xf32>,
        %le3A_507 = vector.broadcast %reduce_max3A_240 : f32 to vector<16xf32>
        %le3A_508 = arith.cmpf ole, %get3A_506, %le3A_507 : vector<16xf32>
        %add3A_509 = arith.constant 7 : i32
        %add3A_510 = arith.addi %mul3A_337, %add3A_509 : i32
        %mul3A_511 = arith.constant 16 : i32
        %mul3A_512 = arith.muli %add3A_510, %mul3A_511 : i32
        %add3A_513 = vector.broadcast %mul3A_512 : i32 to vector<16xi32>
        %add3A_514 = arith.addi %iota3A, %add3A_513 : vector<16xi32>
        %min3A_515 = arith.constant 512 : i32
        %min3A_516 = arith.minsi %add3A_500, %min3A_515 : i32
        %swap3A_517 = arith.index_cast %min3A_516 : i32 to index
        %swap3A_518 = tpu.vector_load %arg11[%swap3A_517] masked %le3A_508 {strides = array<i32>} : memref<544xf32, #tpu.memory_space<vmem>>, vector<16xf32>, vector<16xi1>
        tpu.vector_store %arg11[%swap3A_517], %get3A_506 masked %le3A_508 {strides = array<i32>} : memref<544xf32, #tpu.memory_space<vmem>>, vector<16xf32>, vector<16xi1>
        %swap3A_519 = arith.index_cast %min3A_516 : i32 to index
        %swap3A_520 = tpu.vector_load %arg12[%swap3A_519] masked %le3A_508 {strides = array<i32>} : memref<544xi32, #tpu.memory_space<vmem>>, vector<16xi32>, vector<16xi1>
        tpu.vector_store %arg12[%swap3A_519], %add3A_514 masked %le3A_508 {strides = array<i32>} : memref<544xi32, #tpu.memory_space<vmem>>, vector<16xi32>, vector<16xi1>
        %all_reduce_population_count3A_521 = tpu.all_reduce %le3A_508 {dim = 0 : i64, kind = #tpu.reduction_kind<sum>} : vector<16xi1> -> vector<16xi32>
        %slice3A_522 = vector.extract_strided_slice %all_reduce_population_count3A_521 {offsets = [0], sizes = [1], strides = [1]} : vector<16xi32> to vector<1xi32>
        %squeeze3A_523 = vector.extract %slice3A_522[0] : i32 from vector<1xi32>
        %add3A_524 = arith.addi %add3A_500, %squeeze3A_523 : i32
        scf.yield %add3A_524 : i32
      }
      %scan3A_247 = arith.constant 64 : i32
      %min3A_248 = arith.constant 512 : i32
      %min3A_249 = arith.minsi %scan3A_246, %min3A_248 : i32
      %swap3A_250 = arith.index_cast %min3A_249 : i32 to index
      %swap3A_251 = tpu.vector_load %arg11[%swap3A_250] {strides = array<i32>} : memref<544xf32, #tpu.memory_space<vmem>>, vector<16xf32>,
      tpu.vector_store %arg11[%swap3A_250], %broadcast_in_dim3A_35 {strides = array<i32>} : memref<544xf32, #tpu.memory_space<vmem>>, vector<16xf32>,
      %swap3A_252 = arith.index_cast %min3A_249 : i32 to index
      %swap3A_253 = tpu.vector_load %arg12[%swap3A_252] {strides = array<i32>} : memref<544xi32, #tpu.memory_space<vmem>>, vector<16xi32>,
      tpu.vector_store %arg12[%swap3A_252], %broadcast_in_dim3A_37 {strides = array<i32>} : memref<544xi32, #tpu.memory_space<vmem>>, vector<16xi32>,
      %add3A_254 = arith.constant 15 : i32
      %add3A_255 = arith.addi %min3A_249, %add3A_254 : i32
      %jit3A_256 = arith.constant 16 : i32
      %div3A_257 = arith.divsi %add3A_255, %jit3A_256 : i32
      %sign3A_258 = arith.constant 0 : i32
      %sign3A_259 = arith.cmpi sgt, %add3A_255, %sign3A_258 : i32
      %sign3A_260 = arith.extui %sign3A_259 : i1 to i32
      %sign3A_261 = arith.constant 0 : i32
      %sign3A_262 = arith.cmpi slt, %add3A_255, %sign3A_261 : i32
      %sign3A_263 = arith.extui %sign3A_262 : i1 to i32
      %sign3A_264 = arith.subi %sign3A_260, %sign3A_263 : i32
      %sign3A_265 = arith.constant 0 : i32
      %sign3A_266 = arith.cmpi sgt, %jit3A_256, %sign3A_265 : i32
      %sign3A_267 = arith.extui %sign3A_266 : i1 to i32
      %sign3A_268 = arith.constant 0 : i32
      %sign3A_269 = arith.cmpi slt, %jit3A_256, %sign3A_268 : i32
      %sign3A_270 = arith.extui %sign3A_269 : i1 to i32
      %sign3A_271 = arith.subi %sign3A_267, %sign3A_270 : i32
      %ne3A_272 = arith.cmpi ne, %sign3A_264, %sign3A_271 : i32
      %rem3A_273 = arith.remsi %add3A_255, %jit3A_256 : i32
      %ne3A_274 = arith.constant 0 : i32
      %ne3A_275 = arith.cmpi ne, %rem3A_273, %ne3A_274 : i32
      %and3A_276 = arith.andi %ne3A_272, %ne3A_275 : i1
      %sub3A_277 = arith.constant 1 : i32
      %sub3A_278 = arith.subi %div3A_257, %sub3A_277 : i32
      %select_n3A_279 = arith.select %and3A_276, %sub3A_278, %div3A_257 : i32
      %while3A_280 = arith.constant 0 : i32
      %while3A_281 = arith.subi %select_n3A_279, %while3A_280 : i32
      %while3A_282 = arith.addi %while3A_280, %while3A_281 : i32
      %while3A_283 = arith.constant 1 : i32
      %while3A_284 = arith.divsi %while3A_281, %while3A_283 : i32
      %while3A_285 = arith.muli %while3A_284, %while3A_283 : i32
      %while3A_286 = arith.addi %while3A_280, %while3A_285 : i32
      %while3A_287 = arith.constant 1 : i32
      %while3A_288:4 = scf.for %while3A_334 = %while3A_280 to %while3A_286 step %while3A_287 iter_args(%while3A_335 = %broadcast_in_dim3A_35, %while3A_336 = %broadcast_in_dim3A_37, %while3A_337 = %broadcast_in_dim3A_35, %while3A_338 = %broadcast_in_dim3A_37) -> (vector<16xf32>, vector<16xi32>, vector<16xf32>, vector<16xi32>)  : i32 {
        %mul3A_339 = arith.constant 16 : i32
        %mul3A_340 = arith.muli %while3A_334, %mul3A_339 : i32
        %get3A = arith.index_cast %mul3A_340 : i32 to index
        %get3A_341 = tpu.vector_load %arg11[%get3A] {strides = array<i32>} : memref<544xf32, #tpu.memory_space<vmem>>, vector<16xf32>,
        %mul3A_342 = arith.constant 16 : i32
        %mul3A_343 = arith.muli %while3A_334, %mul3A_342 : i32
        %get3A_344 = arith.index_cast %mul3A_343 : i32 to index
        %get3A_345 = tpu.vector_load %arg12[%get3A_344] {strides = array<i32>} : memref<544xi32, #tpu.memory_space<vmem>>, vector<16xi32>,
        %masked_sort3A = arith.constant dense<true> : vector<16xi1>
        %masked_sort3A_346, %masked_sort3A_347, %masked_sort3A_348 = tpu.sort %get3A_341, %get3A_345 masked %masked_sort3A : (vector<16xf32>, vector<16xi32>, vector<16xi1>) -> (vector<16xi1>, vector<16xf32>, vector<16xi32>)
        %rev3A = arith.constant 15 : i32
        %rev3A_349 = vector.broadcast %rev3A : i32 to vector<16xi32>
        %rev3A_350 = tpu.iota {dimensions = array<i32: 0>} : vector<16xi32>
        %rev3A_351 = arith.subi %rev3A_349, %rev3A_350 : vector<16xi32>
        %rev3A_352 = tpu.dynamic_gather %masked_sort3A_347[%rev3A_351] in [0] : vector<16xf32>, vector<16xi32> -> vector<16xf32>
        %rev3A_353 = arith.constant 15 : i32
        %rev3A_354 = vector.broadcast %rev3A_353 : i32 to vector<16xi32>
        %rev3A_355 = tpu.iota {dimensions = array<i32: 0>} : vector<16xi32>
        %rev3A_356 = arith.subi %rev3A_354, %rev3A_355 : vector<16xi32>
        %rev3A_357 = tpu.dynamic_gather %masked_sort3A_348[%rev3A_356] in [0] : vector<16xi32>, vector<16xi32> -> vector<16xi32>
        %lt3A_358 = arith.cmpf olt, %rev3A_352, %while3A_337 : vector<16xf32>
        %eq3A_359 = arith.cmpf oeq, %rev3A_352, %while3A_337 : vector<16xf32>
        %lt3A_360 = arith.cmpi slt, %rev3A_357, %while3A_338 : vector<16xi32>
        %and3A_361 = arith.andi %eq3A_359, %lt3A_360 : vector<16xi1>
        %or3A = arith.ori %lt3A_358, %and3A_361 : vector<16xi1>
        %select_n3A_362 = arith.select %or3A, %rev3A_352, %while3A_337 : vector<16xi1>, vector<16xf32>
        %select_n3A_363 = arith.select %or3A, %rev3A_357, %while3A_338 : vector<16xi1>, vector<16xi32>
        %lt3A_364 = arith.cmpf olt, %select_n3A_362, %while3A_335 : vector<16xf32>
        %eq3A_365 = arith.cmpf oeq, %select_n3A_362, %while3A_335 : vector<16xf32>
        %lt3A_366 = arith.cmpi slt, %select_n3A_363, %while3A_336 : vector<16xi32>
        %and3A_367 = arith.andi %eq3A_365, %lt3A_366 : vector<16xi1>
        %or3A_368 = arith.ori %lt3A_364, %and3A_367 : vector<16xi1>
        %select_n3A_369 = arith.select %or3A_368, %select_n3A_362, %while3A_335 : vector<16xi1>, vector<16xf32>
        %select_n3A_370 = arith.select %or3A_368, %select_n3A_363, %while3A_336 : vector<16xi1>, vector<16xi32>
        %select_n3A_371 = arith.select %or3A_368, %while3A_335, %select_n3A_362 : vector<16xi1>, vector<16xf32>
        %select_n3A_372 = arith.select %or3A_368, %while3A_336, %select_n3A_363 : vector<16xi1>, vector<16xi32>
        %masked_sort3A_373 = arith.constant dense<true> : vector<16xi1>
        %masked_sort3A_374 = arith.constant -2147483648 : i32
        %masked_sort3A_375 = vector.broadcast %masked_sort3A_374 : i32 to vector<16xi32>
        %masked_sort3A_376 = arith.xori %select_n3A_370, %masked_sort3A_375 : vector<16xi32>
        %masked_sort3A_377, %masked_sort3A_378, %masked_sort3A_379 = tpu.sort %masked_sort3A_376, %select_n3A_369 masked %masked_sort3A_373 : (vector<16xi32>, vector<16xf32>, vector<16xi1>) -> (vector<16xi1>, vector<16xi32>, vector<16xf32>)
        %masked_sort3A_380 = arith.xori %masked_sort3A_378, %masked_sort3A_375 : vector<16xi32>
        %masked_sort3A_381 = arith.constant dense<true> : vector<16xi1>
        %masked_sort3A_382, %masked_sort3A_383, %masked_sort3A_384 = tpu.sort %masked_sort3A_379, %masked_sort3A_380 masked %masked_sort3A_381 : (vector<16xf32>, vector<16xi32>, vector<16xi1>) -> (vector<16xi1>, vector<16xf32>, vector<16xi32>)
        %masked_sort3A_385 = arith.constant dense<true> : vector<16xi1>
        %masked_sort3A_386 = arith.constant -2147483648 : i32
        %masked_sort3A_387 = vector.broadcast %masked_sort3A_386 : i32 to vector<16xi32>
        %masked_sort3A_388 = arith.xori %select_n3A_372, %masked_sort3A_387 : vector<16xi32>
        %masked_sort3A_389, %masked_sort3A_390, %masked_sort3A_391 = tpu.sort %masked_sort3A_388, %select_n3A_371 masked %masked_sort3A_385 : (vector<16xi32>, vector<16xf32>, vector<16xi1>) -> (vector<16xi1>, vector<16xi32>, vector<16xf32>)
        %masked_sort3A_392 = arith.xori %masked_sort3A_390, %masked_sort3A_387 : vector<16xi32>
        %masked_sort3A_393 = arith.constant dense<true> : vector<16xi1>
        %masked_sort3A_394, %masked_sort3A_395, %masked_sort3A_396 = tpu.sort %masked_sort3A_391, %masked_sort3A_392 masked %masked_sort3A_393 : (vector<16xf32>, vector<16xi32>, vector<16xi1>) -> (vector<16xi1>, vector<16xf32>, vector<16xi32>)
        scf.yield %masked_sort3A_383, %masked_sort3A_384, %masked_sort3A_395, %masked_sort3A_396 : vector<16xf32>, vector<16xi32>, vector<16xf32>, vector<16xi32>
      }
      %while3A_289 = arith.constant 1 : i32
      %while3A_290:4 = scf.for %while3A_334 = %while3A_286 to %while3A_282 step %while3A_289 iter_args(%while3A_335 = %while3A_288#0, %while3A_336 = %while3A_288#1, %while3A_337 = %while3A_288#2, %while3A_338 = %while3A_288#3) -> (vector<16xf32>, vector<16xi32>, vector<16xf32>, vector<16xi32>)  : i32 {
        %mul3A_339 = arith.constant 16 : i32
        %mul3A_340 = arith.muli %while3A_334, %mul3A_339 : i32
        %get3A = arith.index_cast %mul3A_340 : i32 to index
        %get3A_341 = tpu.vector_load %arg11[%get3A] {strides = array<i32>} : memref<544xf32, #tpu.memory_space<vmem>>, vector<16xf32>,
        %mul3A_342 = arith.constant 16 : i32
        %mul3A_343 = arith.muli %while3A_334, %mul3A_342 : i32
        %get3A_344 = arith.index_cast %mul3A_343 : i32 to index
        %get3A_345 = tpu.vector_load %arg12[%get3A_344] {strides = array<i32>} : memref<544xi32, #tpu.memory_space<vmem>>, vector<16xi32>,
        %masked_sort3A = arith.constant dense<true> : vector<16xi1>
        %masked_sort3A_346, %masked_sort3A_347, %masked_sort3A_348 = tpu.sort %get3A_341, %get3A_345 masked %masked_sort3A : (vector<16xf32>, vector<16xi32>, vector<16xi1>) -> (vector<16xi1>, vector<16xf32>, vector<16xi32>)
        %rev3A = arith.constant 15 : i32
        %rev3A_349 = vector.broadcast %rev3A : i32 to vector<16xi32>
        %rev3A_350 = tpu.iota {dimensions = array<i32: 0>} : vector<16xi32>
        %rev3A_351 = arith.subi %rev3A_349, %rev3A_350 : vector<16xi32>
        %rev3A_352 = tpu.dynamic_gather %masked_sort3A_347[%rev3A_351] in [0] : vector<16xf32>, vector<16xi32> -> vector<16xf32>
        %rev3A_353 = arith.constant 15 : i32
        %rev3A_354 = vector.broadcast %rev3A_353 : i32 to vector<16xi32>
        %rev3A_355 = tpu.iota {dimensions = array<i32: 0>} : vector<16xi32>
        %rev3A_356 = arith.subi %rev3A_354, %rev3A_355 : vector<16xi32>
        %rev3A_357 = tpu.dynamic_gather %masked_sort3A_348[%rev3A_356] in [0] : vector<16xi32>, vector<16xi32> -> vector<16xi32>
        %lt3A_358 = arith.cmpf olt, %rev3A_352, %while3A_337 : vector<16xf32>
        %eq3A_359 = arith.cmpf oeq, %rev3A_352, %while3A_337 : vector<16xf32>
        %lt3A_360 = arith.cmpi slt, %rev3A_357, %while3A_338 : vector<16xi32>
        %and3A_361 = arith.andi %eq3A_359, %lt3A_360 : vector<16xi1>
        %or3A = arith.ori %lt3A_358, %and3A_361 : vector<16xi1>
        %select_n3A_362 = arith.select %or3A, %rev3A_352, %while3A_337 : vector<16xi1>, vector<16xf32>
        %select_n3A_363 = arith.select %or3A, %rev3A_357, %while3A_338 : vector<16xi1>, vector<16xi32>
        %lt3A_364 = arith.cmpf olt, %select_n3A_362, %while3A_335 : vector<16xf32>
        %eq3A_365 = arith.cmpf oeq, %select_n3A_362, %while3A_335 : vector<16xf32>
        %lt3A_366 = arith.cmpi slt, %select_n3A_363, %while3A_336 : vector<16xi32>
        %and3A_367 = arith.andi %eq3A_365, %lt3A_366 : vector<16xi1>
        %or3A_368 = arith.ori %lt3A_364, %and3A_367 : vector<16xi1>
        %select_n3A_369 = arith.select %or3A_368, %select_n3A_362, %while3A_335 : vector<16xi1>, vector<16xf32>
        %select_n3A_370 = arith.select %or3A_368, %select_n3A_363, %while3A_336 : vector<16xi1>, vector<16xi32>
        %select_n3A_371 = arith.select %or3A_368, %while3A_335, %select_n3A_362 : vector<16xi1>, vector<16xf32>
        %select_n3A_372 = arith.select %or3A_368, %while3A_336, %select_n3A_363 : vector<16xi1>, vector<16xi32>
        %masked_sort3A_373 = arith.constant dense<true> : vector<16xi1>
        %masked_sort3A_374 = arith.constant -2147483648 : i32
        %masked_sort3A_375 = vector.broadcast %masked_sort3A_374 : i32 to vector<16xi32>
        %masked_sort3A_376 = arith.xori %select_n3A_370, %masked_sort3A_375 : vector<16xi32>
        %masked_sort3A_377, %masked_sort3A_378, %masked_sort3A_379 = tpu.sort %masked_sort3A_376, %select_n3A_369 masked %masked_sort3A_373 : (vector<16xi32>, vector<16xf32>, vector<16xi1>) -> (vector<16xi1>, vector<16xi32>, vector<16xf32>)
        %masked_sort3A_380 = arith.xori %masked_sort3A_378, %masked_sort3A_375 : vector<16xi32>
        %masked_sort3A_381 = arith.constant dense<true> : vector<16xi1>
        %masked_sort3A_382, %masked_sort3A_383, %masked_sort3A_384 = tpu.sort %masked_sort3A_379, %masked_sort3A_380 masked %masked_sort3A_381 : (vector<16xf32>, vector<16xi32>, vector<16xi1>) -> (vector<16xi1>, vector<16xf32>, vector<16xi32>)
        %masked_sort3A_385 = arith.constant dense<true> : vector<16xi1>
        %masked_sort3A_386 = arith.constant -2147483648 : i32
        %masked_sort3A_387 = vector.broadcast %masked_sort3A_386 : i32 to vector<16xi32>
        %masked_sort3A_388 = arith.xori %select_n3A_372, %masked_sort3A_387 : vector<16xi32>
        %masked_sort3A_389, %masked_sort3A_390, %masked_sort3A_391 = tpu.sort %masked_sort3A_388, %select_n3A_371 masked %masked_sort3A_385 : (vector<16xi32>, vector<16xf32>, vector<16xi1>) -> (vector<16xi1>, vector<16xi32>, vector<16xf32>)
        %masked_sort3A_392 = arith.xori %masked_sort3A_390, %masked_sort3A_387 : vector<16xi32>
        %masked_sort3A_393 = arith.constant dense<true> : vector<16xi1>
        %masked_sort3A_394, %masked_sort3A_395, %masked_sort3A_396 = tpu.sort %masked_sort3A_391, %masked_sort3A_392 masked %masked_sort3A_393 : (vector<16xf32>, vector<16xi32>, vector<16xi1>) -> (vector<16xi1>, vector<16xf32>, vector<16xi32>)
        scf.yield %masked_sort3A_383, %masked_sort3A_384, %masked_sort3A_395, %masked_sort3A_396 : vector<16xf32>, vector<16xi32>, vector<16xf32>, vector<16xi32>
      }
      %broadcast_in_dim3A_291 = vector.broadcast %add3A_195 : i32 to vector<16xi32>
      %gather3A_292 = tpu.vector_load_idx %arg13[%broadcast_in_dim3A_291] : memref<128xi32, #tpu.memory_space<vmem>>[vector<16xi32>], vector<16xi32>,
      %gather3A_293 = tpu.vector_load_idx %arg6[%gather3A_292] : memref<8192xf32, #tpu.memory_space<vmem>>[vector<16xi32>], vector<16xf32>,
      %gather3A_294 = tpu.vector_load_idx %arg7[%gather3A_292] : memref<8192xf32, #tpu.memory_space<vmem>>[vector<16xi32>], vector<16xf32>,
      %gather3A_295 = tpu.vector_load_idx %arg8[%gather3A_292] : memref<8192xf32, #tpu.memory_space<vmem>>[vector<16xi32>], vector<16xf32>,
      %mul3A_296 = arith.constant 96 : i32
      %mul3A_297 = arith.muli %add3A_195, %mul3A_296 : i32
      %gather3A_298 = tpu.vector_load_idx %arg6[%while3A_290#1] : memref<8192xf32, #tpu.memory_space<vmem>>[vector<16xi32>], vector<16xf32>,
      %sub3A_299 = arith.subf %gather3A_298, %gather3A_293 : vector<16xf32>
      %add3A_300 = arith.constant 0 : i32
      %add3A_301 = arith.addi %mul3A_297, %add3A_300 : i32
      %swap3A_302 = arith.index_cast %add3A_301 : i32 to index
      %swap3A_303 = tpu.vector_load %arg14[%swap3A_302] {strides = array<i32>} : memref<12288xf32, #tpu.memory_space<vmem>>, vector<16xf32>,
      tpu.vector_store %arg14[%swap3A_302], %sub3A_299 {strides = array<i32>} : memref<12288xf32, #tpu.memory_space<vmem>>, vector<16xf32>,
      %gather3A_304 = tpu.vector_load_idx %arg6[%while3A_290#3] : memref<8192xf32, #tpu.memory_space<vmem>>[vector<16xi32>], vector<16xf32>,
      %sub3A_305 = arith.subf %gather3A_304, %gather3A_293 : vector<16xf32>
      %add3A_306 = arith.constant 16 : i32
      %add3A_307 = arith.addi %mul3A_297, %add3A_306 : i32
      %swap3A_308 = arith.index_cast %add3A_307 : i32 to index
      %swap3A_309 = tpu.vector_load %arg14[%swap3A_308] {strides = array<i32>} : memref<12288xf32, #tpu.memory_space<vmem>>, vector<16xf32>,
      tpu.vector_store %arg14[%swap3A_308], %sub3A_305 {strides = array<i32>} : memref<12288xf32, #tpu.memory_space<vmem>>, vector<16xf32>,
      %gather3A_310 = tpu.vector_load_idx %arg7[%while3A_290#1] : memref<8192xf32, #tpu.memory_space<vmem>>[vector<16xi32>], vector<16xf32>,
      %sub3A_311 = arith.subf %gather3A_310, %gather3A_294 : vector<16xf32>
      %add3A_312 = arith.constant 32 : i32
      %add3A_313 = arith.addi %mul3A_297, %add3A_312 : i32
      %swap3A_314 = arith.index_cast %add3A_313 : i32 to index
      %swap3A_315 = tpu.vector_load %arg14[%swap3A_314] {strides = array<i32>} : memref<12288xf32, #tpu.memory_space<vmem>>, vector<16xf32>,
      tpu.vector_store %arg14[%swap3A_314], %sub3A_311 {strides = array<i32>} : memref<12288xf32, #tpu.memory_space<vmem>>, vector<16xf32>,
      %gather3A_316 = tpu.vector_load_idx %arg7[%while3A_290#3] : memref<8192xf32, #tpu.memory_space<vmem>>[vector<16xi32>], vector<16xf32>,
      %sub3A_317 = arith.subf %gather3A_316, %gather3A_294 : vector<16xf32>
      %add3A_318 = arith.constant 48 : i32
      %add3A_319 = arith.addi %mul3A_297, %add3A_318 : i32
      %swap3A_320 = arith.index_cast %add3A_319 : i32 to index
      %swap3A_321 = tpu.vector_load %arg14[%swap3A_320] {strides = array<i32>} : memref<12288xf32, #tpu.memory_space<vmem>>, vector<16xf32>,
      tpu.vector_store %arg14[%swap3A_320], %sub3A_317 {strides = array<i32>} : memref<12288xf32, #tpu.memory_space<vmem>>, vector<16xf32>,
      %gather3A_322 = tpu.vector_load_idx %arg8[%while3A_290#1] : memref<8192xf32, #tpu.memory_space<vmem>>[vector<16xi32>], vector<16xf32>,
      %sub3A_323 = arith.subf %gather3A_322, %gather3A_295 : vector<16xf32>
      %add3A_324 = arith.constant 64 : i32
      %add3A_325 = arith.addi %mul3A_297, %add3A_324 : i32
      %swap3A_326 = arith.index_cast %add3A_325 : i32 to index
      %swap3A_327 = tpu.vector_load %arg14[%swap3A_326] {strides = array<i32>} : memref<12288xf32, #tpu.memory_space<vmem>>, vector<16xf32>,
      tpu.vector_store %arg14[%swap3A_326], %sub3A_323 {strides = array<i32>} : memref<12288xf32, #tpu.memory_space<vmem>>, vector<16xf32>,
      %gather3A_328 = tpu.vector_load_idx %arg8[%while3A_290#3] : memref<8192xf32, #tpu.memory_space<vmem>>[vector<16xi32>], vector<16xf32>,
      %sub3A_329 = arith.subf %gather3A_328, %gather3A_295 : vector<16xf32>
      %add3A_330 = arith.constant 80 : i32
      %add3A_331 = arith.addi %mul3A_297, %add3A_330 : i32
      %swap3A_332 = arith.index_cast %add3A_331 : i32 to index
      %swap3A_333 = tpu.vector_load %arg14[%swap3A_332] {strides = array<i32>} : memref<12288xf32, #tpu.memory_space<vmem>>, vector<16xf32>,
      tpu.vector_store %arg14[%swap3A_332], %sub3A_329 {strides = array<i32>} : memref<12288xf32, #tpu.memory_space<vmem>>, vector<16xf32>,
    }
    %scan3A_47 = arith.constant 64 : i32
    %dma_wait3A = arith.constant 0 : i32
    %dma_wait3A_48 = tpu.memref_slice %arg2[%select_n3A, %mul3A_32, %dma_wait3A] : memref<8x512x8192xf32, #tpu.memory_space<hbm>> -> memref<1x1x8192xf32, #tpu.memory_space<hbm>>
    %dma_wait3A_49 = tpu.memref_squeeze %dma_wait3A_48 : memref<1x1x8192xf32, #tpu.memory_space<hbm>> -> memref<8192xf32, #tpu.memory_space<hbm>>
    %dma_wait3A_50 = arith.constant 0 : i32
    %dma_wait3A_51 = tpu.memref_slice %arg2[%select_n3A, %mul3A_32, %dma_wait3A_50] : memref<8x512x8192xf32, #tpu.memory_space<hbm>> -> memref<1x1x8192xf32, #tpu.memory_space<hbm>>
    %dma_wait3A_52 = tpu.memref_squeeze %dma_wait3A_51 : memref<1x1x8192xf32, #tpu.memory_space<hbm>> -> memref<8192xf32, #tpu.memory_space<hbm>>
    tpu.wait_dma2 semaphore(%arg15 : memref<!tpu.dma_semaphore, #tpu.memory_space<semaphore_mem>>) src(%dma_wait3A_52 : memref<8192xf32, #tpu.memory_space<hbm>>) dst(%arg9 : memref<8192xf32, #tpu.memory_space<vmem>>)
    %mul3A_53 = arith.constant 12288 : i32
    %mul3A_54 = arith.muli %add3A, %mul3A_53 : i32
    "tpu.region"() ({
      %run_scoped3A_55 = tpu.sem_alloc : memref<!tpu.dma_semaphore, #tpu.memory_space<semaphore_mem>>
      %dma_start3A_56 = tpu.memref_slice %arg5[%mul3A_54] : memref<393216xf32, #tpu.memory_space<hbm>> -> memref<12288xf32, #tpu.memory_space<hbm>>
      %dma_start3A_57 = tpu.memref_slice %arg5[%mul3A_54] : memref<393216xf32, #tpu.memory_space<hbm>> -> memref<12288xf32, #tpu.memory_space<hbm>>
      tpu.enqueue_dma source(%arg14 : memref<12288xf32, #tpu.memory_space<vmem>>) target(%dma_start3A_57 : memref<12288xf32, #tpu.memory_space<hbm>>) target_semaphore(%run_scoped3A_55 : memref<!tpu.dma_semaphore, #tpu.memory_space<semaphore_mem>>)
      %dma_wait3A_58 = tpu.memref_slice %arg5[%mul3A_54] : memref<393216xf32, #tpu.memory_space<hbm>> -> memref<12288xf32, #tpu.memory_space<hbm>>
      %dma_wait3A_59 = tpu.memref_slice %arg5[%mul3A_54] : memref<393216xf32, #tpu.memory_space<hbm>> -> memref<12288xf32, #tpu.memory_space<hbm>>
      tpu.wait_dma2 semaphore(%run_scoped3A_55 : memref<!tpu.dma_semaphore, #tpu.memory_space<semaphore_mem>>) src(%arg14 : memref<12288xf32, #tpu.memory_space<vmem>>) dst(%dma_wait3A_59 : memref<12288xf32, #tpu.memory_space<hbm>>)
      tpu.yield
    }) : () -> ()
    return
  }
}

module attributes {stable_mosaic.version = 14 : i64} {
  func.func @_dist_body(%arg0: i32, %arg1: i32, %arg2: memref<1x64x3xf32, #tpu.memory_space<vmem>>, %arg3: memref<1x3x8192xf32, #tpu.memory_space<vmem>>, %arg4: memref<1x64x8192xf32, #tpu.memory_space<vmem>>) attributes {dimension_semantics = [#tpu.dimension_semantics<arbitrary>, #tpu.dimension_semantics<arbitrary>], iteration_bounds = array<i64: 8, 8>, scalar_prefetch = 0 : i64, scratch_operands = 0 : i64, tpu.core_type = #tpu.core_type<tc>, window_params = [{transform_indices = @transform_0, window_bounds = array<i64: 1, 64, 3>}, {transform_indices = @transform_1, window_bounds = array<i64: 1, 3, 8192>}, {transform_indices = @transform_2, window_bounds = array<i64: 1, 64, 8192>}]} {
    %get3A = arith.constant 0 : index
    %get3A_0 = arith.constant 0 : index
    %get3A_1 = arith.constant 0 : index
    %get3A_2 = vector.load %arg2[%get3A, %get3A_0, %get3A_1] : memref<1x64x3xf32, #tpu.memory_space<vmem>>, vector<1x64x3xf32>
    %get3A_3 = vector.shape_cast %get3A_2 : vector<1x64x3xf32> to vector<64x3xf32>
    %get3A_4 = arith.constant 0 : index
    %get3A_5 = arith.constant 0 : index
    %get3A_6 = arith.constant 0 : index
    %get3A_7 = vector.load %arg3[%get3A_4, %get3A_5, %get3A_6] : memref<1x3x8192xf32, #tpu.memory_space<vmem>>, vector<1x3x8192xf32>
    %get3A_8 = vector.shape_cast %get3A_7 : vector<1x3x8192xf32> to vector<3x8192xf32>
    %dot_general3A = arith.constant dense<0.000000e+00> : vector<64x8192xf32>
    %dot_general3A_9 = tpu.matmul %get3A_3, %get3A_8, %dot_general3A {dimension_numbers = #tpu.dot_dimension_numbers<[1], [0], [0], [1], [0, 0, 1, 1], [], []>, transpose_lhs_hint = false} : vector<64x3xf32>, vector<3x8192xf32>, vector<64x8192xf32> -> vector<64x8192xf32>
    %mul3A = arith.constant -2.000000e+00 : f32
    %mul3A_10 = vector.broadcast %mul3A : f32 to vector<64x8192xf32>
    %mul3A_11 = arith.mulf %mul3A_10, %dot_general3A_9 : vector<64x8192xf32>
    %slice3A = vector.extract_strided_slice %get3A_3 {offsets = [0, 0], sizes = [64, 1], strides = [1, 1]} : vector<64x3xf32> to vector<64x1xf32>
    %slice3A_12 = vector.extract_strided_slice %get3A_3 {offsets = [0, 1], sizes = [64, 1], strides = [1, 1]} : vector<64x3xf32> to vector<64x1xf32>
    %slice3A_13 = vector.extract_strided_slice %get3A_3 {offsets = [0, 2], sizes = [64, 1], strides = [1, 1]} : vector<64x3xf32> to vector<64x1xf32>
    %mul3A_14 = arith.mulf %slice3A, %slice3A : vector<64x1xf32>
    %mul3A_15 = arith.mulf %slice3A_12, %slice3A_12 : vector<64x1xf32>
    %add3A = arith.addf %mul3A_14, %mul3A_15 : vector<64x1xf32>
    %mul3A_16 = arith.mulf %slice3A_13, %slice3A_13 : vector<64x1xf32>
    %add3A_17 = arith.addf %add3A, %mul3A_16 : vector<64x1xf32>
    %slice3A_18 = vector.extract_strided_slice %get3A_8 {offsets = [0, 0], sizes = [1, 8192], strides = [1, 1]} : vector<3x8192xf32> to vector<1x8192xf32>
    %slice3A_19 = vector.extract_strided_slice %get3A_8 {offsets = [1, 0], sizes = [1, 8192], strides = [1, 1]} : vector<3x8192xf32> to vector<1x8192xf32>
    %slice3A_20 = vector.extract_strided_slice %get3A_8 {offsets = [2, 0], sizes = [1, 8192], strides = [1, 1]} : vector<3x8192xf32> to vector<1x8192xf32>
    %mul3A_21 = arith.mulf %slice3A_18, %slice3A_18 : vector<1x8192xf32>
    %mul3A_22 = arith.mulf %slice3A_19, %slice3A_19 : vector<1x8192xf32>
    %add3A_23 = arith.addf %mul3A_21, %mul3A_22 : vector<1x8192xf32>
    %mul3A_24 = arith.mulf %slice3A_20, %slice3A_20 : vector<1x8192xf32>
    %add3A_25 = arith.addf %add3A_23, %mul3A_24 : vector<1x8192xf32>
    %add3A_26 = vector.broadcast %add3A_17 : vector<64x1xf32> to vector<64x8192xf32>
    %add3A_27 = arith.addf %mul3A_11, %add3A_26 : vector<64x8192xf32>
    %add3A_28 = vector.broadcast %add3A_25 : vector<1x8192xf32> to vector<64x8192xf32>
    %add3A_29 = arith.addf %add3A_27, %add3A_28 : vector<64x8192xf32>
    %swap3A = arith.constant 0 : index
    %swap3A_30 = arith.constant 0 : index
    %swap3A_31 = arith.constant 0 : index
    %swap3A_32 = vector.load %arg4[%swap3A, %swap3A_30, %swap3A_31] : memref<1x64x8192xf32, #tpu.memory_space<vmem>>, vector<1x64x8192xf32>
    %swap3A_33 = vector.shape_cast %swap3A_32 : vector<1x64x8192xf32> to vector<64x8192xf32>
    %swap3A_34 = vector.shape_cast %add3A_29 : vector<64x8192xf32> to vector<1x64x8192xf32>
    tpu.vector_store %arg4[%swap3A, %swap3A_30, %swap3A_31], %swap3A_34 {strides = array<i32>} : memref<1x64x8192xf32, #tpu.memory_space<vmem>>, vector<1x64x8192xf32>,
    return
  }
  func.func @transform_0(%arg0: i32, %arg1: i32) -> (i32, i32, i32) {
    %c0_i32 = arith.constant 0 : i32
    %c0_i32_0 = arith.constant 0 : i32
    return %arg0, %arg1, %c0_i32 : i32, i32, i32
  }
  func.func @transform_1(%arg0: i32, %arg1: i32) -> (i32, i32, i32) {
    %c0_i32 = arith.constant 0 : i32
    %c0_i32_0 = arith.constant 0 : i32
    %c0_i32_1 = arith.constant 0 : i32
    return %arg0, %c0_i32, %c0_i32_0 : i32, i32, i32
  }
  func.func @transform_2(%arg0: i32, %arg1: i32) -> (i32, i32, i32) {
    %c0_i32 = arith.constant 0 : i32
    %c0_i32_0 = arith.constant 0 : i32
    return %arg0, %arg1, %c0_i32 : i32, i32, i32
  }
}

module attributes {stable_mosaic.version = 14 : i64} {
  func.func @_fps_body(%arg0: memref<8x8192xf32, #tpu.memory_space<vmem>>, %arg1: memref<8x8192xf32, #tpu.memory_space<vmem>>, %arg2: memref<8x8192xf32, #tpu.memory_space<vmem>>, %arg3: memref<8x128xi32, #tpu.memory_space<vmem>>, %arg4: memref<8x512xi32, #tpu.memory_space<vmem>>) attributes {dimension_semantics = [], scalar_prefetch = 0 : i64, scratch_operands = 0 : i64, tpu.core_type = #tpu.core_type<tc>} {
    %get3A = arith.constant 0 : index
    %get3A_0 = arith.constant 0 : index
    %get3A_1 = vector.load %arg0[%get3A, %get3A_0] : memref<8x8192xf32, #tpu.memory_space<vmem>>, vector<8x8192xf32>
    %get3A_2 = arith.constant 0 : index
    %get3A_3 = arith.constant 0 : index
    %get3A_4 = vector.load %arg1[%get3A_2, %get3A_3] : memref<8x8192xf32, #tpu.memory_space<vmem>>, vector<8x8192xf32>
    %get3A_5 = arith.constant 0 : index
    %get3A_6 = arith.constant 0 : index
    %get3A_7 = vector.load %arg2[%get3A_5, %get3A_6] : memref<8x8192xf32, #tpu.memory_space<vmem>>, vector<8x8192xf32>
    %iota3A = tpu.iota {dimensions = array<i32: 1>} : vector<8x8192xi32>
    %iota3A_8 = tpu.iota {dimensions = array<i32: 1>} : vector<8x512xi32>
    %broadcast_in_dim3A = arith.constant 1.000000e+10 : f32
    %broadcast_in_dim3A_9 = vector.broadcast %broadcast_in_dim3A : f32 to vector<8x8192xf32>
    %broadcast_in_dim3A_10 = arith.constant 0 : i32
    %broadcast_in_dim3A_11 = vector.broadcast %broadcast_in_dim3A_10 : i32 to vector<8x512xi32>
    %get3A_12 = arith.constant 0 : index
    %get3A_13 = arith.constant 0 : index
    %get3A_14 = vector.load %arg3[%get3A_12, %get3A_13] : memref<8x128xi32, #tpu.memory_space<vmem>>, vector<8x1xi32>
    %scan3A = arith.constant 0 : i32
    %scan3A_15 = arith.constant 512 : i32
    %scan3A_16 = arith.addi %scan3A, %scan3A_15 : i32
    %scan3A_17 = arith.constant 1 : i32
    %scan3A_18:3 = scf.for %scan3A_22 = %scan3A to %scan3A_16 step %scan3A_17 iter_args(%scan3A_23 = %broadcast_in_dim3A_9, %scan3A_24 = %get3A_14, %scan3A_25 = %broadcast_in_dim3A_11) -> (vector<8x8192xf32>, vector<8x1xi32>, vector<8x512xi32>)  : i32 {
      %eq3A = vector.broadcast %scan3A_22 : i32 to vector<8x512xi32>
      %eq3A_26 = arith.cmpi eq, %iota3A_8, %eq3A : vector<8x512xi32>
      %broadcast_in_dim3A_27 = vector.shape_cast %scan3A_24 : vector<8x1xi32> to vector<8x1xi32>
      %broadcast_in_dim3A_28 = vector.broadcast %broadcast_in_dim3A_27 : vector<8x1xi32> to vector<8x512xi32>
      %jit3A = arith.constant 0 : i32
      %broadcast_in_dim3A_29 = vector.broadcast %jit3A : i32 to vector<8x512xi32>
      %select_n3A = arith.select %eq3A_26, %broadcast_in_dim3A_28, %broadcast_in_dim3A_29 : vector<8x512xi1>, vector<8x512xi32>
      %add3A = arith.addi %scan3A_25, %select_n3A : vector<8x512xi32>
      %eq3A_30 = vector.broadcast %scan3A_24 : vector<8x1xi32> to vector<8x8192xi32>
      %eq3A_31 = arith.cmpi eq, %iota3A, %eq3A_30 : vector<8x8192xi32>
      %jit3A_32 = arith.constant 0.000000e+00 : f32
      %broadcast_in_dim3A_33 = vector.broadcast %jit3A_32 : f32 to vector<8x8192xf32>
      %select_n3A_34 = arith.select %eq3A_31, %get3A_1, %broadcast_in_dim3A_33 : vector<8x8192xi1>, vector<8x8192xf32>
      %reduce_sum3A = arith.constant dense<0.000000e+00> : vector<8xf32>
      %reduce_sum3A_35 = vector.multi_reduction <add>, %select_n3A_34, %reduce_sum3A [1] : vector<8x8192xf32> to vector<8xf32>
      %broadcast_in_dim3A_36 = vector.shape_cast %reduce_sum3A_35 : vector<8xf32> to vector<8x1xf32>
      %jit3A_37 = arith.constant 0.000000e+00 : f32
      %broadcast_in_dim3A_38 = vector.broadcast %jit3A_37 : f32 to vector<8x8192xf32>
      %select_n3A_39 = arith.select %eq3A_31, %get3A_4, %broadcast_in_dim3A_38 : vector<8x8192xi1>, vector<8x8192xf32>
      %reduce_sum3A_40 = arith.constant dense<0.000000e+00> : vector<8xf32>
      %reduce_sum3A_41 = vector.multi_reduction <add>, %select_n3A_39, %reduce_sum3A_40 [1] : vector<8x8192xf32> to vector<8xf32>
      %broadcast_in_dim3A_42 = vector.shape_cast %reduce_sum3A_41 : vector<8xf32> to vector<8x1xf32>
      %jit3A_43 = arith.constant 0.000000e+00 : f32
      %broadcast_in_dim3A_44 = vector.broadcast %jit3A_43 : f32 to vector<8x8192xf32>
      %select_n3A_45 = arith.select %eq3A_31, %get3A_7, %broadcast_in_dim3A_44 : vector<8x8192xi1>, vector<8x8192xf32>
      %reduce_sum3A_46 = arith.constant dense<0.000000e+00> : vector<8xf32>
      %reduce_sum3A_47 = vector.multi_reduction <add>, %select_n3A_45, %reduce_sum3A_46 [1] : vector<8x8192xf32> to vector<8xf32>
      %broadcast_in_dim3A_48 = vector.shape_cast %reduce_sum3A_47 : vector<8xf32> to vector<8x1xf32>
      %sub3A = vector.broadcast %broadcast_in_dim3A_36 : vector<8x1xf32> to vector<8x8192xf32>
      %sub3A_49 = arith.subf %get3A_1, %sub3A : vector<8x8192xf32>
      %sub3A_50 = vector.broadcast %broadcast_in_dim3A_42 : vector<8x1xf32> to vector<8x8192xf32>
      %sub3A_51 = arith.subf %get3A_4, %sub3A_50 : vector<8x8192xf32>
      %sub3A_52 = vector.broadcast %broadcast_in_dim3A_48 : vector<8x1xf32> to vector<8x8192xf32>
      %sub3A_53 = arith.subf %get3A_7, %sub3A_52 : vector<8x8192xf32>
      %mul3A = arith.mulf %sub3A_49, %sub3A_49 : vector<8x8192xf32>
      %mul3A_54 = arith.mulf %sub3A_51, %sub3A_51 : vector<8x8192xf32>
      %add3A_55 = arith.addf %mul3A, %mul3A_54 : vector<8x8192xf32>
      %mul3A_56 = arith.mulf %sub3A_53, %sub3A_53 : vector<8x8192xf32>
      %add3A_57 = arith.addf %add3A_55, %mul3A_56 : vector<8x8192xf32>
      %min3A = arith.minimumf %scan3A_23, %add3A_57 : vector<8x8192xf32>
      %reduce_max3A = arith.constant dense<0xFF800000> : vector<8xf32>
      %reduce_max3A_58 = vector.multi_reduction <maximumf>, %min3A, %reduce_max3A [1] : vector<8x8192xf32> to vector<8xf32>
      %broadcast_in_dim3A_59 = vector.shape_cast %reduce_max3A_58 : vector<8xf32> to vector<8x1xf32>
      %eq3A_60 = vector.broadcast %broadcast_in_dim3A_59 : vector<8x1xf32> to vector<8x8192xf32>
      %eq3A_61 = arith.cmpf oeq, %min3A, %eq3A_60 : vector<8x8192xf32>
      %jit3A_62 = arith.constant 8192 : i32
      %broadcast_in_dim3A_63 = vector.broadcast %jit3A_62 : i32 to vector<8x8192xi32>
      %select_n3A_64 = arith.select %eq3A_61, %iota3A, %broadcast_in_dim3A_63 : vector<8x8192xi1>, vector<8x8192xi32>
      %reduce_min3A = arith.constant dense<2147483647> : vector<8xi32>
      %reduce_min3A_65 = vector.multi_reduction <minsi>, %select_n3A_64, %reduce_min3A [1] : vector<8x8192xi32> to vector<8xi32>
      %broadcast_in_dim3A_66 = vector.shape_cast %reduce_min3A_65 : vector<8xi32> to vector<8x1xi32>
      scf.yield %min3A, %broadcast_in_dim3A_66, %add3A : vector<8x8192xf32>, vector<8x1xi32>, vector<8x512xi32>
    }
    %scan3A_19 = arith.constant 512 : i32
    %swap3A = arith.constant 0 : index
    %swap3A_20 = arith.constant 0 : index
    %swap3A_21 = vector.load %arg4[%swap3A, %swap3A_20] : memref<8x512xi32, #tpu.memory_space<vmem>>, vector<8x512xi32>
    tpu.vector_store %arg4[%swap3A, %swap3A_20], %scan3A_18#2 {strides = array<i32>} : memref<8x512xi32, #tpu.memory_space<vmem>>, vector<8x512xi32>,
    return
  }
}

</mosaic_0001>

<sc_bundles>
// kernel: gather_offload_async_start
scs
__scs_entry_jumppad:
0x0: {  	(pc) =	sbr.rel $0x88, $3  }
0x1: {  	(tag) =	ssettag $0x0;
	lr =	simm.s32 $0x1  }
0x2: {  	[smem:$0x3FA0] =	sst lr;
	_ =	strace $0xD0000000  }
0x3: {  	_ = 	snop  }
0x4: {  	_ = 	snop  }
0x5: {  	_ = 	snop  }
0x6: {  	_ = 	snop  }
0x7: {  	_ = 	snop  }
__scs_overlays_trampoline_lowered:
0x8: {  	[smem:$0x3FAF] =	sst s0  }
0x9: {  	[smem:$0x3FB0] =	sst s1  }
0xa: {  	[smem:$0x3FB1] =	sst s2  }
0xb: {  	[smem:$0x3FB2] =	sst s3  }
0xc: {  	[smem:$0x3FB3] =	sst s4  }
0xd: {  	[smem:$0x3FB4] =	sst s5  }
0xe: {  	[smem:$0x3FB5] =	sst s6  }
0xf: {  	[smem:$0x3FB6] =	sst s7  }
0x10: {  	[smem:$0x3FB7] =	sst s8  }
0x11: {  	[smem:$0x3FB8] =	sst s9;
	s0 =	simm.s32 @!p0 $0x0  }
0x12: {  	s1 =	sld [smem:$0x3F9E];
	s0 =	simm.s32 @p0 $0x1  }
0x13: {  	[smem:$0x3FB9] =	sst s0;
	s0 =	simm.s32 @!p1 $0x0  }
0x14: {  	s2 =	sld [smem:$0x3F9D];
	s0 =	simm.s32 @p1 $0x1  }
0x15: {  	[smem:$0x3FBA] =	sst s0;
	s0 =	simm.s32 @!p2 $0x0  }
0x16: {  	s3 =	sld [smem:$0x3FDB];
	s0 =	simm.s32 @p2 $0x1  }
0x17: {  	s4 =	simm.s32 $0x1BF5;
	[smem:$0x3FBC] =	sst s0  }
0x18: {  	s0 =	sld [smem:$0x3F9F];
	_ =	swait.ge [sflag:s4], $0x0  }
0x19: {  	s7 =	sld [smem:$0x3FA0]  }
0x1a: {  	s8 =	sadd.s32 $0xFFFFE003, lr  }
0x1b: {  	s9 =	sadd.s32 $0xFFFFFEF7, lr;
	s5 =	simm.s32 $0xFFFFFFFF;
	p2 =	slt.u32 s8, $0xFFFFF086  }
0x1c: {  	p1 =	slt.u32 s9, $0xF7A;
	s5 =	simm.s32 @!p2 $0x0  }
0x1d: {  	s5 =	simm.s32 @p1 $0x1;
	p0 =	seq.s32 s7, s2  }
0x1e: {  	s7 =	smul.u32 @!p0 $0xF7A, s2;
	p2 =	seq.s32 @!p0 s5, $0x0  }
0x1f: {  	s9 =	smul.u32 $0xF7A, s1;
	s8 =	simm.s32 @!p0 $0x1BF5;
	p2 =	por !p2, p0  }
0x20: {  	[sflag:s8] =	ssyncset.s32 @!p0 $0xFFFFF086;
	s6 =	sadd.s32 @!p0 s3, s7;
	s7 =	simm.s32 @!p0 $0x108  }
0x21: {  	s3 =	sadd.s32 s3, s9;
	s6 =	sadd.s32 @!p0 $0x88, s6;
	s7 =	simm.s32 @p2 $0x1082  }
0x22: {  	[simem:s7], [sflag:s8] =	dma.local @!p0 [hbm:s6], $0xF7A  }
0x23: {  	s9 =	sor.u32 $0xD0000000, s2;
	s6 =	simm.s32 $0x108;
	_ =	swait.ge @!p0 [sflag:s8], $0x0  }
0x24: {  	s3 =	sadd.s32 $0x88, s3;
	s6 =	simm.s32 @!p1 $0x1082;
	[sflag:s4] =	ssyncset.s32 $0xFFFFF086  }
0x25: {  	[simem:s6], [sflag:s4] =	dma.local [hbm:s3], $0xF7A  }
0x26: {  	[smem:$0x3FA0] =	sst s1;
	(tag) =	ssettag s2;
	_ =	strace s9  }
0x27: {  	s1 =	sld [smem:$0x3FB0]  }
0x28: {  	s2 =	sld [smem:$0x3FB1]  }
0x29: {  	s4 =	sld [smem:$0x3FB3]  }
0x2a: {  	p0 =	seq.s32 s5, $0x0;
	s5 =	sld [smem:$0x3FB4]  }
0x2b: {  	s6 =	sld [smem:$0x3FB5]  }
0x2c: {  	s7 =	sld [smem:$0x3FB6]  }
0x2d: {  	s3 =	simm.s32 $0x108;
	s8 =	sld [smem:$0x3FB7]  }
0x2e: {  	s3 =	simm.s32 @!p0 $0x1082;
	s9 =	sld [smem:$0x3FB8]  }
0x2f: {  	lr =	sadd.s32 s0, s3;
	s0 =	sld [smem:$0x3FAF]  }
0x30: {  	s3 =	sld [smem:$0x3FB2]  }
0x31: {  	[smem:$0x3FBB] =	sst s10  }
0x32: {  	s10 =	sld [smem:$0x3FB9];
	_ =	sdelay $0x3  }
0x33: {  	p0 =	seq.s32 s10, $0x1;
	s10 =	sld [smem:$0x3FBB];
	_ =	sdelay $0x3  }
0x34: {  	[smem:$0x3FBB] =	sst s10  }
0x35: {  	s10 =	sld [smem:$0x3FBA];
	_ =	sdelay $0x3  }
0x36: {  	p1 =	seq.s32 s10, $0x1;
	s10 =	sld [smem:$0x3FBB];
	_ =	sdelay $0x3  }
0x37: {  	[smem:$0x3FBB] =	sst s10  }
0x38: {  	s10 =	sld [smem:$0x3FBC]  }
0x39: {  	_ = 	snop;
	(pc) =	sbr.ind lr, $3  }
0x3a: {  	_ = 	snop  }
0x3b: {  	_ = 	snop  }
0x3c: {  	p2 =	seq.s32 s10, $0x1;
	s10 =	sld [smem:$0x3FBB]  }
0x3d: {  	_ =	shalt  }
0x3e: {  	_ =	shalt  }
0x3f: {  	_ =	shalt  }
0x40: {  	_ =	shalt  }
0x41: {  	_ =	shalt  }
0x42: {  	_ =	shalt  }
0x43: {  	_ =	shalt  }
0x44: {  	_ =	shalt  }
0x45: {  	_ =	shalt  }
0x46: {  	_ =	shalt  }
0x47: {  	_ =	shalt  }
0x48: {  	_ =	shalt  }
0x49: {  	_ =	shalt  }
0x4a: {  	_ =	shalt  }
0x4b: {  	_ =	shalt  }
0x4c: {  	_ =	shalt  }
0x4d: {  	_ =	shalt  }
0x4e: {  	_ =	shalt  }
0x4f: {  	_ =	shalt  }
0x50: {  	_ =	shalt  }
0x51: {  	_ =	shalt  }
0x52: {  	_ =	shalt  }
0x53: {  	_ =	shalt  }
0x54: {  	_ =	shalt  }
0x55: {  	_ =	shalt  }
0x56: {  	_ =	shalt  }
0x57: {  	_ =	shalt  }
0x58: {  	_ =	shalt  }
0x59: {  	_ =	shalt  }
0x5a: {  	_ =	shalt  }
0x5b: {  	_ =	shalt  }
0x5c: {  	_ =	shalt  }
0x5d: {  	_ =	shalt  }
0x5e: {  	_ =	shalt  }
0x5f: {  	_ =	shalt  }
0x60: {  	_ =	shalt  }
0x61: {  	_ =	shalt  }
0x62: {  	_ =	shalt  }
0x63: {  	_ =	shalt  }
0x64: {  	_ =	shalt  }
0x65: {  	_ =	shalt  }
0x66: {  	_ =	shalt  }
0x67: {  	_ =	shalt  }
0x68: {  	_ =	shalt  }
0x69: {  	_ =	shalt  }
0x6a: {  	_ =	shalt  }
0x6b: {  	_ =	shalt  }
0x6c: {  	_ =	shalt  }
0x6d: {  	_ =	shalt  }
0x6e: {  	_ =	shalt  }
0x6f: {  	_ =	shalt  }
0x70: {  	_ =	shalt  }
0x71: {  	_ =	shalt  }
0x72: {  	_ =	shalt  }
0x73: {  	_ =	shalt  }
0x74: {  	_ =	shalt  }
0x75: {  	_ =	shalt  }
0x76: {  	_ =	shalt  }
0x77: {  	_ =	shalt  }
0x78: {  	_ =	shalt  }
0x79: {  	_ =	shalt  }
0x7a: {  	_ =	shalt  }
0x7b: {  	_ =	shalt  }
0x7c: {  	_ =	shalt  }
0x7d: {  	_ =	shalt  }
0x7e: {  	_ =	shalt  }
0x7f: {  	_ =	shalt  }
0x80: {  	_ =	shalt  }
0x81: {  	_ =	shalt  }
0x82: {  	_ =	shalt  }
0x83: {  	_ =	shalt  }
0x84: {  	_ =	shalt  }
0x85: {  	_ =	shalt  }
0x86: {  	_ =	shalt  }
0x87: {  	_ =	shalt  }
.Lfunc_end0:
.L_simem_size_0:
called_computation_lowered:
.L_overlay_start_0:
0x88: {  	s2 =	sld [smem:$0x3FD9]  }
0x89: {  	s3 =	sld [smem:$0x3FFE];
	_ =	sdelay $0x1  }
0x8a: {  	s1 =	srdreg.scid  }
0x8b: {  	s0 =	sand.u32 $0x1, s1  }
0x8c: {  	s14 =	sshll.u32 s0, $0xA;
	s2 =	sadd.s32 s3, s2  }
0x8d: {  	s2 =	sadd.s32 s2, s14  }
0x8e: {  	[smem:$0x3FC7] =	sst s2  }
0x8f: {  	_ = 	snop  }
0x90: {  	s2 =	sld [smem:$0x3FD0];
	_ =	sdelay $0x2  }
0x91: {  	s15 =	simm.s32 $0xA;
	s4 =	simm.s32 $0x10  }
0x92: {  	[smem:s4], [sflag:s15] =	dma.local [hbm:s2], $0x1  }
0x93: {  	_ =	swait.eq [sflag:s15], $0x1  }
0x94: {  	[sflag:s15] =	ssyncset.done $0x0  }
0x95: {  	[sflag:s15] =	ssyncadd.s32 $0xFFFFFFFF  }
0x96: {  	s16 =	sld [smem:$0x11];
	(tm) =	ssettm $0x1  }
0x97: {  	s17 =	sld [smem:$0x3FFB];
	_ =	sdelay $0x3  }
0x98: {  	_ =	strace s17  }
0x99: {  	s3 =	sld [smem:$0x3FFC];
	_ =	sdelay $0x3  }
0x9a: {  	_ =	strace s3  }
0x9b: {  	s3 =	sld [smem:$0x3FFD];
	_ =	sdelay $0x3  }
0x9c: {  	_ =	strace s3  }
0x9d: {  	_ =	strace $0x8FFFFFFF  }
0x9e: {  	s18 =	sld [smem:$0x3FDB];
	_ =	sdelay $0x1  }
0x9f: {  	s19 =	simm.s32 $_scs_section_size  }
0xa0: {  	s5 =	simm.s32 $_size__tile_overlayer_lowered;
	s6 =	simm.s32 $_tile_overlayer_lowered  }
0xa1: {  	s22 =	simm.s32 $0x1BFF;
	s21 =	sshll.u32 s6, $0x1;
	s3 =	sadd.s32 s19, s18  }
0xa2: {  	s7 =	simm.s32 $0x0;
	s20 =	sshll.u32 s5, $0x1;
	s5 =	sadd.s32 s21, s3  }
0xa3: {  	[timem:s7], [sflag:s22] =	dma.local [hbm:s5], s20  }
0xa4: {  	_ =	swait.ge [sflag:s22], s20  }
0xa5: {  	s4 =	ssub.s32 $0x0, s20;
	[sflag:s22] =	ssyncset.done $0x0  }
0xa6: {  	[sflag:s22] =	ssyncadd.s32 s4;
	_ =	sdelay $0x1  }
0xa7: {  	s23 =	simm.s32 $0x1B8B  }
0xa8: {  	_ =	swait.ge [sflag:s23], $0x1  }
0xa9: {  	[sflag:s23] =	ssyncset.done $0x0  }
0xaa: {  	s25 =	simm.s32 $0x1B8E;
	s24 =	sld [smem:$0x3FFE];
	[sflag:s23] =	ssyncadd.s32 $0xFFFFFFFF  }
0xab: {  	s26 =	simm.s32 $execute0_lowered;
	[smem:$0x3FD2] =	sst s25  }
0xac: {  	s5 =	sshll.u32 s26, $0x1;
	_ =	strace $0x80000046;
	[dreg:$0x1] =	wrdreg $0xFFFFFFFF  }
0xad: {  	s28 =	simm.s32 $_size_execute0_lowered;
	s3 =	sadd.s32 s3, s5;
	[dreg:$0x0] =	wrdreg $0x0  }
0xae: {  	s5 =	sshll.u32 s28, $0x1;
	[dreg:$0x2] =	wrdreg s3  }
0xaf: {  	[dreg:$0x3] =	wrdreg s5  }
0xb0: {  	[dreg:$0x4] =	wrdreg $0xC0  }
0xb1: {  	_ =	task [dreg:s7], $0x5FFFF  }
0xb2: {  	[dreg:$0x1] =	wrdreg $0xFFFFFFFF  }
0xb3: {  	[dreg:$0x0] =	wrdreg $0x60  }
0xb4: {  	[dreg:$0x2] =	wrdreg s24  }
0xb5: {  	[dreg:$0x3] =	wrdreg s16  }
0xb6: {  	[dreg:$0x4] =	wrdreg $0x9  }
0xb7: {  	_ =	task.clear_ibuf [dreg:s7], $0x5FFFF;
	_ =	strace $0x90000046  }
0xb8: {  	s29 =	simm.s32 $0x9;
	_ =	strace $0x80000048  }
0xb9: {  	_ =	swait.ge [sflag:s29], $0x1  }
0xba: {  	[sflag:s29] =	ssyncadd.s32 $0xFFFFFFFF  }
0xbb: {  	_ =	strace $0x90000048  }
0xbc: {  	_ =	sfence  }
0xbd: {  	s30 =	sld [smem:$0x0];
	_ =	sdelay $0x2  }
0xbe: {  	s31 =	sshll.u32 s1, $0xD;
	s1 =	sshrl.u32 s1, $0x2  }
0xbf: {  	s3 =	sand.u32 $0x4000, s31;
	s1 =	sadd.s32 s1, s30  }
0xc0: {  	s0 =	sor.u32 s3, s0;
	s1 =	sshll.u32 s1, $0x11  }
0xc1: {  	s0 =	sor.u32 s1, s0  }
0xc2: {  	s0 =	sadd.s32 $0x8F2B, s0  }
0xc3: {  	[sflag:s0] =	ssyncadd.remote.s32 $0x1  }
0xc4: {  	_ =	sfence.sel $0xFFFF  }
0xc5: {  	[dreg:$0x0] =	wrdreg $0xFFFFFFFF;
	(pc) =	sbr.abs _section_cstart, $3  }
0xc6: {  	[dreg:$0x1] =	wrdreg $0xFFFFFFFF  }
0xc7: {  	_ =	task.clear_ibuf [dreg:s7], $0x2FFFF;
	_ =	strace $0x9FFFFFFF  }
0xc8: {  	(tm) =	ssettm $0x7FFFFFFF  }
0xc9: {  	_ =	shalt  }
tec
execute0_lowered:
.L_overlay_start_1:
0x0: {  	(tag) =	ssettag $0x1  }
0x1: {  	s7 =	rddreg [dreg:$0x0]  }
0x2: {  	s2 =	rddreg [dreg:$0x1]  }
0x3: {  	s0 =	rddreg [dreg:$0x2]  }
0x4: {  	s1 =	srdreg.scid;
	_ =	strace $0x80000047;
	s4 =	simm.s32 $0x1  }
0x5: {  	s9 =	simm.s32 $0x3;
	s12 =	simm.s32 $0x0;
	s5 =	sshll.u32 s1, $0x4  }
.Ltmp0:
0x6: {  	s1 =	stileid.u32;
	s5 =	sand.u32 $0x10, s5;
	(pc) =	sbr.rel .LBB2_1-.Ltmp0, $4  }
0x7: {  	s10 =	simm.s32 $0x0;
	s3 =	sadd.s32 $0x1000, s7;
	s6 =	sor.u32 s1, s5  }
0x8: {  	[sflag:s4] =	ssyncpa.u1 $0x0;
	s5 =	simm.s32 $0x2;
	s6 =	sshll.u32 s6, $0x7  }
0x9: {  	s7 =	sadd.s32 $0x101200, s7;
	[sflag:s5] =	ssyncpa.u1 $0x0;
	s8 =	sadd.s32 $0x80, s6  }
0xa: {  	vm0 =	vmmov $0xff;
	vm1 =	vcmask $0x3F20;
	[sflag:s9] =	ssyncpa.u1 $0x0;
	s9 =	simm.s32 $0x80;
	s11 =	smov.u32 s6  }
.LBB2_9:
0xb: {  	p0 =	seq.s32 s10, $0x2  }
.Ltmp1:
0xc: {  	_ = 	snop;
	(pc) =	sbr.rel @p0 .LBB2_11-.Ltmp1, $1  }
0xd: {  	_ =	sdelay $0x3  }
.LBB2_10:
0xe: {  	s12 =	sadd.s32 $0x80, s11  }
0xf: {  	s13 =	smov.u32 s6;
	p0 =	slt.s32 s12, s8  }
0x10: {  	s13 =	smov.u32 @p0 s12  }
0x11: {  	s10 =	sadd.s32 $0x1, s10;
	s12 =	smov.u32 s11;
	s11 =	smov.u32 s13  }
.LBB2_1:
0x12: {  	p0 =	sne.s32 s10, $0x0  }
.Ltmp2:
0x13: {  	_ = 	snop;
	(pc) =	sbr.rel @!p0 .LBB2_2-.Ltmp2, $1  }
0x14: {  	_ =	sdelay $0x3  }
0x15: {  	s13 =	sand.u32 $0x1, s10  }
0x16: {  	p0 =	seq.s32 s13, $0x0  }
.Ltmp3:
0x17: {  	_ = 	snop;
	(pc) =	sbr.rel @p0 .LBB2_9-.Ltmp3, $1  }
0x18: {  	_ =	sdelay $0x3  }
0x19: {  	_ =	swait.ge [sflag:s5], $0x80  }
0x1a: {  	[sflag:s5] =	ssyncset.done $0x0  }
0x1b: {  	s13 =	simm.s32 $0x0;
	[sflag:s5] =	ssyncadd.s32 $0xFFFFFF80  }
0x1c: {  	v0 =	vld.msk [tilespmem:s13+$0x80 ss:$0x1], $0xffff;
	_ =	sdelay $0x4  }
0x1d: {  	v1 =	vshll.u32 v0, $0x4  }
0x1e: {  	vm2 =	veq.s32 v0, $0x80000000;
	v0 =	vshll.u32 v0, $0x14;
	v1 =	vand.u32 $0xFFF80, v1  }
0x1f: {  	v0 =	vand.u32 $0x700000, v0;
	v1 =	vsel vm2, $0xFFFFFF80, v1  }
0x20: {  	v0 =	vsel vm2, $0xFFF00000, v0;
	v2 =	vand.u32 $0xFFFFFC00, v1  }
0x21: {  	v1 =	vand.u32 $0x380, v1;
	v0 =	vadd.s32 v0, v2  }
0x22: {  	v0 =	vor.u32 v1, v0  }
0x23: {  	v0 =	vshrl.u32 v0, $0x3;
	_ =	sdelay $0x3  }
0x24: {  	s13 =	simm.s32 $0x4100  }
0x25: {  	[tilespmem:s13], [sflag:$0x1] =	stream.indirect_vreg.gather [hbm:s3], $0x80, v0, vm0, $0x38;
	[tilespmem:$0x8100] =	vst v63  }
0x26: {  	s14 =	simm.s32 $0x4500;
	s31 =	simm.s32 $0x10  }
0x27: {  	[tilespmem:s14], [sflag:$0x1] =	stream.indirect_vreg.gather [hbm:s3], $0x80, v0, vm1, $0x38;
	[tilespmem:$0x8100] =	vst v63  }
0x28: {  	s14 =	simm.s32 $0x80;
	v0 =	vld.msk [tilespmem:s31+$0x80 ss:$0x1], $0xffff  }
.LBB2_5:
0x29: {  	p0 =	sne.s32 s14, $0x1C0;
	_ =	sdelay $0x4  }
0x2a: {  	v1 =	vshll.u32 v0, $0x4  }
0x2b: {  	vm2 =	veq.s32 v0, $0x80000000;
	v0 =	vshll.u32 v0, $0x14;
	v1 =	vand.u32 $0xFFF80, v1  }
0x2c: {  	v0 =	vand.u32 $0x700000, v0;
	v1 =	vsel vm2, $0xFFFFFF80, v1  }
0x2d: {  	v0 =	vsel vm2, $0xFFF00000, v0;
	v2 =	vand.u32 $0xFFFFFC00, v1  }
0x2e: {  	v1 =	vand.u32 $0x380, v1;
	v0 =	vadd.s32 v0, v2  }
0x2f: {  	v0 =	vor.u32 v1, v0  }
0x30: {  	v0 =	vshrl.u32 v0, $0x3;
	_ =	sdelay $0x3  }
.Ltmp4:
0x31: {  	s13 =	sadd.s32 $0x800, s13;
	(pc) =	sbr.rel @p0 .LBB2_5-.Ltmp4, $4  }
0x32: {  	[tilespmem:s13], [sflag:$0x1] =	stream.indirect_vreg.gather [hbm:s3], $0x80, v0, vm0, $0x38;
	[tilespmem:$0x8100] =	vst v63  }
0x33: {  	s15 =	sshra.s32 s14, $0x2;
	s16 =	sadd.s32 $0x400, s13  }
0x34: {  	[tilespmem:s16], [sflag:$0x1] =	stream.indirect_vreg.gather [hbm:s3], $0x80, v0, vm1, $0x38;
	[tilespmem:$0x8100] =	vst v63  }
0x35: {  	s14 =	sadd.s32 $0x40, s14;
	v0 =	vld.msk [tilespmem:s15+$0x80 ss:$0x1], $0xffff  }
0x36: {  	_ =	sdelay $0x3  }
0x37: {  	v1 =	vshll.u32 v0, $0x4  }
0x38: {  	vm2 =	veq.s32 v0, $0x80000000;
	v63 =	vshll.u32 v0, $0x14;
	v1 =	vand.u32 $0xFFF80, v1  }
0x39: {  	v0 =	vand.u32 $0x700000, v63;
	v1 =	vsel vm2, $0xFFFFFF80, v1  }
0x3a: {  	v0 =	vsel vm2, $0xFFF00000, v0;
	v2 =	vand.u32 $0xFFFFFC00, v1  }
0x3b: {  	v1 =	vand.u32 $0x380, v1;
	v0 =	vadd.s32 v0, v2  }
0x3c: {  	v0 =	vor.u32 v1, v0  }
0x3d: {  	v0 =	vshrl.u32 v0, $0x3;
	_ =	sdelay $0x3  }
0x3e: {  	s13 =	sadd.s32 $0x800, s13  }
0x3f: {  	[tilespmem:s13], [sflag:$0x1] =	stream.indirect_vreg.gather [hbm:s3], $0x80, v0, vm0, $0x38;
	[tilespmem:$0x8100] =	vst v63  }
0x40: {  	s13 =	sadd.s32 $0x400, s13  }
0x41: {  	[tilespmem:s13], [sflag:$0x1] =	stream.indirect_vreg.gather [hbm:s3], $0x80, v0, vm1, $0x38;
	[tilespmem:$0x8100] =	vst v63  }
0x42: {  	s12 =	sshll.u32 s12, $0x4;
	s14 =	simm.s32 $0x80;
	_ =	swait.ge [sflag:s4], $0x4000  }
0x43: {  	s15 =	simm.s32 $0x4500;
	s12 =	sadd.s32 s12, s7;
	[sflag:s4] =	ssyncset.done $0x0  }
0x44: {  	s16 =	sadd.s32 $0x0, s12;
	s13 =	simm.s32 $0x4100;
	[sflag:s4] =	ssyncadd.s32 $0xFFFFC000  }
.LBB2_7:
0x45: {  	[hbm:s16] =	stream.linear.scatter [tilespmem:s13], [sflag:$0x3], $0x400, $0x38;
	[tilespmem:$0x8100] =	vst v63  }
0x46: {  	s16 =	smov.u32 s14;
	s13 =	smov.u32 s15;
	p0 =	sne.s32 s14, $0x780  }
.Ltmp5:
0x47: {  	s14 =	sadd.s32 $0x80, s14;
	(pc) =	sbr.rel @p0 .LBB2_7-.Ltmp5, $2  }
0x48: {  	_ =	sdelay $0x2  }
0x49: {  	s15 =	sadd.s32 $0x400, s15;
	s16 =	sadd.s32 s16, s12  }
.Ltmp6:
0x4a: {  	(pc) =	sbr.rel .LBB2_9-.Ltmp6, $2  }
0x4b: {  	_ =	sdelay $0x2  }
0x4c: {  	[hbm:s16] =	stream.linear.scatter [tilespmem:s13], [sflag:$0x3], $0x400, $0x38;
	[tilespmem:$0x8100] =	vst v63  }
.LBB2_2:
.Ltmp7:
0x4d: {  	(pc) =	sbr.rel .LBB2_10-.Ltmp7, $4  }
0x4e: {  	_ = 	snop  }
0x4f: {  	s12 =	sshrl.u32 s11, $0x3  }
0x50: {  	s13 =	sand.u32 $0x7, s11;
	s12 =	sadd.s32 s2, s12  }
0x51: {  	[tilespmem:s9], [sflag:$0x2] =	stream.linear.gather [hbm4b:s12+s13], $0x80, $0x38;
	[tilespmem:$0x8100] =	vst v63  }
.LBB2_11:
0x52: {  	s2 =	simm.s32 $0x3  }
0x53: {  	_ =	swait.ge [sflag:s2], $0x4000  }
0x54: {  	[sflag:s2] =	ssyncset.done $0x0  }
0x55: {  	[sflag:s2] =	ssyncadd.s32 $0xFFFFC000  }
0x56: {  	_ =	sfence.sel $0x180000  }
0x57: {  	s3 =	simm.s32 $0x2;
	[bflag:$0x0] =	sbarrier.arrive $0xFFFF  }
0x58: {  	[sflag:s3] =	ssyncpa.u1 $0x1  }
0x59: {  	s31 =	simm.s32 $0x1;
	[sflag:s2] =	ssyncpa.u1 $0x1  }
0x5a: {  	[sflag:s31] =	ssyncpa.u1 $0x1  }
0x5b: {  	p0 =	sne.s32 s1, $0x0;
	_ =	strace $0x90000047  }
0x5c: {  	s0 =	sadd.s32 @!p0 $0x100000, s0;
	[bflag:$0x2] =	sbarrier.arrive $0xFFFF  }
0x5d: {  	[sflag:s0] =	ssyncadd.tile.s32 @!p0 $0x1;
	_ =	shalt  }
.Lfunc_end2:
_tile_overlayer_lowered:
.L_overlay_start_2:
0x5e: {  	(tag) =	ssettag $0x2  }
0x5f: {  	s0 =	rddreg [dreg:$0x0];
	s2 =	stileid.u32  }
0x60: {  	s1 =	rddreg [dreg:$0x1];
	p0 =	sne.s32 s2, $0x0  }
0x61: {  	s3 =	rddreg [dreg:$0x2];
	[bflag:$0x3] =	sbarrier.arrive $0xFFFF;
	s2 =	simm.s32 @!p0 $0x1C01  }
0x62: {  	[timem:s3], [sflag:s2] =	dma.local @!p0 [hbm:s0], s1  }
0x63: {  	s0 =	simm.s32 @!p0 $0x1  }
0x64: {  	_ =	swait.ge @!p0 [sflag:s0], s1  }
0x65: {  	s1 =	ssub.s32 @!p0 $0x0, s1;
	[sflag:s0] =	ssyncset.done @!p0 $0x0  }
0x66: {  	[sflag:s0] =	ssyncadd.s32 @!p0 s1  }
0x67: {  	[bflag:$0x3] =	sbarrier.arrive $0xFFFF  }
0x68: {  	_ =	shalt  }

// kernel: kernel.7.cloned.1.call-start
scs
__scs_entry_jumppad:
0x0: {  	(pc) =	sbr.rel $0x88, $3  }
0x1: {  	(tag) =	ssettag $0x0;
	lr =	simm.s32 $0x1  }
0x2: {  	[smem:$0x3FA0] =	sst lr;
	_ =	strace $0xD0000000  }
0x3: {  	_ = 	snop  }
0x4: {  	_ = 	snop  }
0x5: {  	_ = 	snop  }
0x6: {  	_ = 	snop  }
0x7: {  	_ = 	snop  }
__scs_overlays_trampoline_lowered:
0x8: {  	[smem:$0x3FAF] =	sst s0  }
0x9: {  	[smem:$0x3FB0] =	sst s1  }
0xa: {  	[smem:$0x3FB1] =	sst s2  }
0xb: {  	[smem:$0x3FB2] =	sst s3  }
0xc: {  	[smem:$0x3FB3] =	sst s4  }
0xd: {  	[smem:$0x3FB4] =	sst s5  }
0xe: {  	[smem:$0x3FB5] =	sst s6  }
0xf: {  	[smem:$0x3FB6] =	sst s7  }
0x10: {  	[smem:$0x3FB7] =	sst s8  }
0x11: {  	[smem:$0x3FB8] =	sst s9;
	s0 =	simm.s32 @!p0 $0x0  }
0x12: {  	s1 =	sld [smem:$0x3F9E];
	s0 =	simm.s32 @p0 $0x1  }
0x13: {  	[smem:$0x3FB9] =	sst s0;
	s0 =	simm.s32 @!p1 $0x0  }
0x14: {  	s2 =	sld [smem:$0x3F9D];
	s0 =	simm.s32 @p1 $0x1  }
0x15: {  	[smem:$0x3FBA] =	sst s0;
	s0 =	simm.s32 @!p2 $0x0  }
0x16: {  	s3 =	sld [smem:$0x3FDB];
	s0 =	simm.s32 @p2 $0x1  }
0x17: {  	s4 =	simm.s32 $0x1BF5;
	[smem:$0x3FBC] =	sst s0  }
0x18: {  	s0 =	sld [smem:$0x3F9F];
	_ =	swait.ge [sflag:s4], $0x0  }
0x19: {  	s7 =	sld [smem:$0x3FA0]  }
0x1a: {  	s8 =	sadd.s32 $0xFFFFE003, lr  }
0x1b: {  	s9 =	sadd.s32 $0xFFFFFEF7, lr;
	s5 =	simm.s32 $0xFFFFFFFF;
	p2 =	slt.u32 s8, $0xFFFFF086  }
0x1c: {  	p1 =	slt.u32 s9, $0xF7A;
	s5 =	simm.s32 @!p2 $0x0  }
0x1d: {  	s5 =	simm.s32 @p1 $0x1;
	p0 =	seq.s32 s7, s2  }
0x1e: {  	s7 =	smul.u32 @!p0 $0xF7A, s2;
	p2 =	seq.s32 @!p0 s5, $0x0  }
0x1f: {  	s9 =	smul.u32 $0xF7A, s1;
	s8 =	simm.s32 @!p0 $0x1BF5;
	p2 =	por !p2, p0  }
0x20: {  	[sflag:s8] =	ssyncset.s32 @!p0 $0xFFFFF086;
	s6 =	sadd.s32 @!p0 s3, s7;
	s7 =	simm.s32 @!p0 $0x108  }
0x21: {  	s3 =	sadd.s32 s3, s9;
	s6 =	sadd.s32 @!p0 $0x88, s6;
	s7 =	simm.s32 @p2 $0x1082  }
0x22: {  	[simem:s7], [sflag:s8] =	dma.local @!p0 [hbm:s6], $0xF7A  }
0x23: {  	s9 =	sor.u32 $0xD0000000, s2;
	s6 =	simm.s32 $0x108;
	_ =	swait.ge @!p0 [sflag:s8], $0x0  }
0x24: {  	s3 =	sadd.s32 $0x88, s3;
	s6 =	simm.s32 @!p1 $0x1082;
	[sflag:s4] =	ssyncset.s32 $0xFFFFF086  }
0x25: {  	[simem:s6], [sflag:s4] =	dma.local [hbm:s3], $0xF7A  }
0x26: {  	[smem:$0x3FA0] =	sst s1;
	(tag) =	ssettag s2;
	_ =	strace s9  }
0x27: {  	s1 =	sld [smem:$0x3FB0]  }
0x28: {  	s2 =	sld [smem:$0x3FB1]  }
0x29: {  	s4 =	sld [smem:$0x3FB3]  }
0x2a: {  	p0 =	seq.s32 s5, $0x0;
	s5 =	sld [smem:$0x3FB4]  }
0x2b: {  	s6 =	sld [smem:$0x3FB5]  }
0x2c: {  	s7 =	sld [smem:$0x3FB6]  }
0x2d: {  	s3 =	simm.s32 $0x108;
	s8 =	sld [smem:$0x3FB7]  }
0x2e: {  	s3 =	simm.s32 @!p0 $0x1082;
	s9 =	sld [smem:$0x3FB8]  }
0x2f: {  	lr =	sadd.s32 s0, s3;
	s0 =	sld [smem:$0x3FAF]  }
0x30: {  	s3 =	sld [smem:$0x3FB2]  }
0x31: {  	[smem:$0x3FBB] =	sst s10  }
0x32: {  	s10 =	sld [smem:$0x3FB9];
	_ =	sdelay $0x3  }
0x33: {  	p0 =	seq.s32 s10, $0x1;
	s10 =	sld [smem:$0x3FBB];
	_ =	sdelay $0x3  }
0x34: {  	[smem:$0x3FBB] =	sst s10  }
0x35: {  	s10 =	sld [smem:$0x3FBA];
	_ =	sdelay $0x3  }
0x36: {  	p1 =	seq.s32 s10, $0x1;
	s10 =	sld [smem:$0x3FBB];
	_ =	sdelay $0x3  }
0x37: {  	[smem:$0x3FBB] =	sst s10  }
0x38: {  	s10 =	sld [smem:$0x3FBC]  }
0x39: {  	_ = 	snop;
	(pc) =	sbr.ind lr, $3  }
0x3a: {  	_ = 	snop  }
0x3b: {  	_ = 	snop  }
0x3c: {  	p2 =	seq.s32 s10, $0x1;
	s10 =	sld [smem:$0x3FBB]  }
0x3d: {  	_ =	shalt  }
0x3e: {  	_ =	shalt  }
0x3f: {  	_ =	shalt  }
0x40: {  	_ =	shalt  }
0x41: {  	_ =	shalt  }
0x42: {  	_ =	shalt  }
0x43: {  	_ =	shalt  }
0x44: {  	_ =	shalt  }
0x45: {  	_ =	shalt  }
0x46: {  	_ =	shalt  }
0x47: {  	_ =	shalt  }
0x48: {  	_ =	shalt  }
0x49: {  	_ =	shalt  }
0x4a: {  	_ =	shalt  }
0x4b: {  	_ =	shalt  }
0x4c: {  	_ =	shalt  }
0x4d: {  	_ =	shalt  }
0x4e: {  	_ =	shalt  }
0x4f: {  	_ =	shalt  }
0x50: {  	_ =	shalt  }
0x51: {  	_ =	shalt  }
0x52: {  	_ =	shalt  }
0x53: {  	_ =	shalt  }
0x54: {  	_ =	shalt  }
0x55: {  	_ =	shalt  }
0x56: {  	_ =	shalt  }
0x57: {  	_ =	shalt  }
0x58: {  	_ =	shalt  }
0x59: {  	_ =	shalt  }
0x5a: {  	_ =	shalt  }
0x5b: {  	_ =	shalt  }
0x5c: {  	_ =	shalt  }
0x5d: {  	_ =	shalt  }
0x5e: {  	_ =	shalt  }
0x5f: {  	_ =	shalt  }
0x60: {  	_ =	shalt  }
0x61: {  	_ =	shalt  }
0x62: {  	_ =	shalt  }
0x63: {  	_ =	shalt  }
0x64: {  	_ =	shalt  }
0x65: {  	_ =	shalt  }
0x66: {  	_ =	shalt  }
0x67: {  	_ =	shalt  }
0x68: {  	_ =	shalt  }
0x69: {  	_ =	shalt  }
0x6a: {  	_ =	shalt  }
0x6b: {  	_ =	shalt  }
0x6c: {  	_ =	shalt  }
0x6d: {  	_ =	shalt  }
0x6e: {  	_ =	shalt  }
0x6f: {  	_ =	shalt  }
0x70: {  	_ =	shalt  }
0x71: {  	_ =	shalt  }
0x72: {  	_ =	shalt  }
0x73: {  	_ =	shalt  }
0x74: {  	_ =	shalt  }
0x75: {  	_ =	shalt  }
0x76: {  	_ =	shalt  }
0x77: {  	_ =	shalt  }
0x78: {  	_ =	shalt  }
0x79: {  	_ =	shalt  }
0x7a: {  	_ =	shalt  }
0x7b: {  	_ =	shalt  }
0x7c: {  	_ =	shalt  }
0x7d: {  	_ =	shalt  }
0x7e: {  	_ =	shalt  }
0x7f: {  	_ =	shalt  }
0x80: {  	_ =	shalt  }
0x81: {  	_ =	shalt  }
0x82: {  	_ =	shalt  }
0x83: {  	_ =	shalt  }
0x84: {  	_ =	shalt  }
0x85: {  	_ =	shalt  }
0x86: {  	_ =	shalt  }
0x87: {  	_ =	shalt  }
.Lfunc_end0:
.L_simem_size_0:
called_computation.1_lowered:
.L_overlay_start_0:
0x88: {  	s2 =	sld [smem:$0x3FD9]  }
0x89: {  	s3 =	sld [smem:$0x3FFE];
	_ =	sdelay $0x1  }
0x8a: {  	s1 =	srdreg.scid  }
0x8b: {  	s0 =	sand.u32 $0x1, s1  }
0x8c: {  	s14 =	sshll.u32 s0, $0xA;
	s2 =	sadd.s32 s3, s2  }
0x8d: {  	s2 =	sadd.s32 s2, s14  }
0x8e: {  	[smem:$0x3FC7] =	sst s2  }
0x8f: {  	_ = 	snop  }
0x90: {  	s2 =	sld [smem:$0x3FD0];
	_ =	sdelay $0x2  }
0x91: {  	s4 =	simm.s32 $0xA;
	s5 =	simm.s32 $0x10;
	s15 =	sld [smem:$0x3FC9]  }
0x92: {  	[smem:s5], [sflag:s4] =	dma.local [hbm:s2], $0x1  }
0x93: {  	_ =	swait.eq [sflag:s4], $0x1  }
0x94: {  	[sflag:s4] =	ssyncset.done $0x0  }
0x95: {  	[sflag:s4] =	ssyncadd.s32 $0xFFFFFFFF  }
0x96: {  	s16 =	sld [smem:$0x10];
	(tm) =	ssettm $0x1  }
0x97: {  	s17 =	sld [smem:$0x3FFB];
	_ =	sdelay $0x3  }
0x98: {  	_ =	strace s17  }
0x99: {  	s4 =	sld [smem:$0x3FFC];
	_ =	sdelay $0x3  }
0x9a: {  	_ =	strace s4  }
0x9b: {  	s4 =	sld [smem:$0x3FFD];
	_ =	sdelay $0x3  }
0x9c: {  	_ =	strace s4  }
0x9d: {  	_ =	strace $0x8FFFFFFF  }
0x9e: {  	s18 =	sld [smem:$0x3FDB];
	_ =	sdelay $0x1  }
0x9f: {  	s19 =	simm.s32 $_scs_section_size  }
0xa0: {  	s6 =	simm.s32 $_size__tile_overlayer_lowered;
	s7 =	simm.s32 $_tile_overlayer_lowered  }
0xa1: {  	s22 =	simm.s32 $0x1BFF;
	s21 =	sshll.u32 s7, $0x1;
	s4 =	sadd.s32 s19, s18  }
0xa2: {  	s8 =	simm.s32 $0x0;
	s20 =	sshll.u32 s6, $0x1;
	s6 =	sadd.s32 s21, s4  }
0xa3: {  	[timem:s8], [sflag:s22] =	dma.local [hbm:s6], s20  }
0xa4: {  	_ =	swait.ge [sflag:s22], s20  }
0xa5: {  	s5 =	ssub.s32 $0x0, s20;
	[sflag:s22] =	ssyncset.done $0x0  }
0xa6: {  	[sflag:s22] =	ssyncadd.s32 s5;
	_ =	sdelay $0x1  }
0xa7: {  	s23 =	simm.s32 $0x1B8B  }
0xa8: {  	_ =	swait.ge [sflag:s23], $0x1  }
0xa9: {  	[sflag:s23] =	ssyncset.done $0x0  }
0xaa: {  	s25 =	simm.s32 $0x1B8E;
	s24 =	sld [smem:$0x3FFE];
	[sflag:s23] =	ssyncadd.s32 $0xFFFFFFFF  }
0xab: {  	s26 =	simm.s32 $execute0_lowered;
	[smem:$0x3FD2] =	sst s25  }
0xac: {  	s6 =	sshll.u32 s26, $0x1;
	_ =	strace $0x80000049;
	[dreg:$0x1] =	wrdreg $0xFFFFFFFF  }
0xad: {  	s28 =	simm.s32 $_size_execute0_lowered;
	s4 =	sadd.s32 s4, s6;
	[dreg:$0x0] =	wrdreg $0x0  }
0xae: {  	s6 =	sshll.u32 s28, $0x1;
	[dreg:$0x2] =	wrdreg s4  }
0xaf: {  	[dreg:$0x3] =	wrdreg s6  }
0xb0: {  	[dreg:$0x4] =	wrdreg $0xC0  }
0xb1: {  	_ =	task [dreg:s8], $0x5FFFF  }
0xb2: {  	[dreg:$0x1] =	wrdreg $0xFFFFFFFF  }
0xb3: {  	[dreg:$0x0] =	wrdreg $0x60  }
0xb4: {  	[dreg:$0x2] =	wrdreg s24  }
0xb5: {  	[dreg:$0x3] =	wrdreg s15  }
0xb6: {  	[dreg:$0x4] =	wrdreg s16  }
0xb7: {  	[dreg:$0x5] =	wrdreg $0x9  }
0xb8: {  	_ =	task.clear_ibuf [dreg:s8], $0x6FFFF;
	_ =	strace $0x90000049  }
0xb9: {  	s29 =	simm.s32 $0x9;
	_ =	strace $0x8000004B  }
0xba: {  	_ =	swait.ge [sflag:s29], $0x1  }
0xbb: {  	[sflag:s29] =	ssyncadd.s32 $0xFFFFFFFF  }
0xbc: {  	_ =	strace $0x9000004B  }
0xbd: {  	_ =	sfence  }
0xbe: {  	s30 =	sld [smem:$0x0];
	_ =	sdelay $0x2  }
0xbf: {  	s31 =	sshll.u32 s1, $0xD;
	s1 =	sshrl.u32 s1, $0x2  }
0xc0: {  	s3 =	sand.u32 $0x4000, s31;
	s1 =	sadd.s32 s1, s30  }
0xc1: {  	s0 =	sor.u32 s3, s0;
	s1 =	sshll.u32 s1, $0x11  }
0xc2: {  	s0 =	sor.u32 s1, s0  }
0xc3: {  	s0 =	sadd.s32 $0x8F2B, s0  }
0xc4: {  	[sflag:s0] =	ssyncadd.remote.s32 $0x1  }
0xc5: {  	_ =	sfence.sel $0xFFFF  }
0xc6: {  	[dreg:$0x0] =	wrdreg $0xFFFFFFFF;
	(pc) =	sbr.abs _section_cstart, $3  }
0xc7: {  	[dreg:$0x1] =	wrdreg $0xFFFFFFFF  }
0xc8: {  	_ =	task.clear_ibuf [dreg:s8], $0x2FFFF;
	_ =	strace $0x9FFFFFFF  }
0xc9: {  	(tm) =	ssettm $0x7FFFFFFF  }
tec
execute0_lowered:
.L_overlay_start_1:
0x0: {  	(tag) =	ssettag $0x1  }
0x1: {  	s0 =	rddreg [dreg:$0x0]  }
0x2: {  	s1 =	rddreg [dreg:$0x1]  }
0x3: {  	s11 =	rddreg [dreg:$0x2];
	s2 =	simm.s32 $0x0  }
0x4: {  	s5 =	stileid.u32;
	s4 =	srdreg.scid;
	s14 =	simm.s32 $0x400  }
0x5: {  	s15 =	simm.s32 $0x3;
	s16 =	simm.s32 $0x2000;
	s17 =	simm.s32 $0x4000  }
0x6: {  	s18 =	simm.s32 $0xA500;
	s19 =	simm.s32 $0x6000;
	s20 =	simm.s32 $0x8000  }
0x7: {  	s21 =	simm.s32 $0x1;
	s22 =	simm.s32 $0x2;
	s24 =	simm.s32 $0x0  }
0x8: {  	[smem:$0x7FF] =	sst s2;
	s3 =	sadd.s32 $0x101200, s0;
	s7 =	sshrl.u32 s5, $0x1  }
0x9: {  	s4 =	sand.u32 $0x1, s4;
	s5 =	sshll.u32 s5, $0x1;
	_ =	strace $0x8000004A  }
0xa: {  	s6 =	sshll.u32 s7, $0x4;
	s8 =	ssub.s32 $0x2, s4;
	s9 =	sor.u32 s4, s5  }
0xb: {  	s7 =	sshll.u32 s7, $0x16;
	s0 =	sadd.s32 s6, s0;
	s29 =	sshrl.u32 s8, $0x1  }
0xc: {  	s10 =	sand.u32 $0x3, s9;
	s5 =	sadd.s32 s1, s6;
	s13 =	smul.u32 $0x600, s9  }
.Ltmp0:
0xd: {  	s12 =	ssub.s32 s8, s29;
	s4 =	sshll.u32 s10, $0x7;
	(pc) =	sbr.rel .LBB2_1-.Ltmp0, $4  }
0xe: {  	v0 =	vlaneseq.u32;
	s1 =	sadd.s32 $0x2000, s5;
	s30 =	sshll.u32 s10, $0x14;
	s8 =	sadd.s32 $0x4000, s5  }
0xf: {  	v1 =	vmul.u32 $0xFFFFFFFF, v0;
	[dreg:$0x4] =	wrdreg s1;
	s0 =	sadd.s32 s4, s0;
	s1 =	sor.u32 s7, s30  }
0x10: {  	s11 =	sadd.s32 s11, s13;
	s12 =	smax.u32 s12, $0x1;
	s31 =	sshrl.u32 s1, $0x3  }
0x11: {  	v1 =	vadd.s32 $0xF, v1;
	s13 =	simm.s32 $0x80;
	s9 =	sadd.s32 $0x101000, s0;
	s10 =	sadd.s32 s3, s31  }
.LBB2_25:
0x12: {  	_ =	swait.ge [sflag:s21], $0x2000;
	s24 =	sadd.s32 $0x1, s24  }
0x13: {  	[sflag:s21] =	ssyncset.done $0x0;
	p0 =	sne.s32 s24, s12  }
.Ltmp1:
0x14: {  	s0 =	simm.s32 $0xA580;
	[sflag:s21] =	ssyncadd.s32 $0xFFFFE000;
	(pc) =	sbr.rel @!p0 .LBB2_26-.Ltmp1, $4  }
0x15: {  	[hbm4b:s11+s2] =	stream.linear.scatter [tilespmem:s0], [sflag:$0x3], $0x3000, $0x38;
	[tilespmem:$0xD580] =	vst v63  }
0x16: {  	_ =	swait.ge [sflag:s15], $0x3000  }
0x17: {  	[sflag:s15] =	ssyncset.done $0x0  }
0x18: {  	[sflag:s15] =	ssyncadd.s32 $0xFFFFD000  }
.LBB2_1:
0x19: {  	[tilespmem:s2], [sflag:$0x3] =	stream.strided.gather [hbm4b:s5+s13], $0x2000, s14, s13, $0x38;
	[tilespmem:$0xD580] =	vst v63  }
0x1a: {  	_ =	swait.ge [sflag:s15], $0x2000  }
0x1b: {  	[sflag:s15] =	ssyncset.done $0x0  }
0x1c: {  	s0 =	rddreg [dreg:$0x4];
	[sflag:s15] =	ssyncadd.s32 $0xFFFFE000  }
0x1d: {  	[tilespmem:s16], [sflag:$0x3] =	stream.strided.gather [hbm4b:s0+s13], $0x2000, s14, s13, $0x38;
	[tilespmem:$0xD580] =	vst v63  }
0x1e: {  	_ =	swait.ge [sflag:s15], $0x2000  }
0x1f: {  	[sflag:s15] =	ssyncset.done $0x0  }
0x20: {  	[sflag:s15] =	ssyncadd.s32 $0xFFFFE000  }
0x21: {  	[tilespmem:s17], [sflag:$0x3] =	stream.strided.gather [hbm4b:s8+s13], $0x2000, s14, s13, $0x38;
	[tilespmem:$0xD580] =	vst v63  }
0x22: {  	_ =	swait.ge [sflag:s15], $0x2000  }
0x23: {  	[sflag:s15] =	ssyncset.done $0x0  }
0x24: {  	[sflag:s15] =	ssyncadd.s32 $0xFFFFE000  }
0x25: {  	[tilespmem:s18], [sflag:$0x3] =	stream.linear.gather [hbm4b:s9+s2], $0x80, $0x38;
	[tilespmem:$0xD580] =	vst v63  }
.Ltmp2:
0x26: {  	_ = 	snop;
	(pc) =	sbr.rel .LBB2_2-.Ltmp2, $4  }
0x27: {  	_ =	swait.ge [sflag:s15], $0x80  }
0x28: {  	[sflag:s15] =	ssyncset.done $0x0  }
0x29: {  	s25 =	simm.s32 $0x0;
	[sflag:s15] =	ssyncadd.s32 $0xFFFFFF80  }
0x2a: {  	[tilespmem:s19], [sflag:$0x1] =	stream.strided.gather [hbm4b:s10+s13], $0x2000, s14, s13, $0x38;
	[tilespmem:$0xD580] =	vst v63  }
.LBB2_18:
0x2b: {  	v3 =	vimm.s32 $0x40000000  }
.LBB2_24:
0x2c: {  	v4 =	vmov s26;
	_ =	sdelay $0x4  }
0x2d: {  	v4 =	vld.idx.msk [tilespmem:v4+s18+$0x0], $0xffff;
	_ =	sdelay $0x6  }
0x2e: {  	v6 =	vld.idx.msk [tilespmem:v2+s2+$0x0], $0xffff  }
0x2f: {  	v5 =	vld.idx.msk [tilespmem:v4+s2+$0x0], $0xffff;
	_ =	sdelay $0x3  }
0x30: {  	s0 =	smul.u32 $0x180, s26  }
0x31: {  	v6 =	vsub.f32 v6, v5  }
0x32: {  	s0 =	sshra.s32 s0, $0x2;
	v7 =	vld.idx.msk [tilespmem:v4+s16+$0x0], $0xffff  }
0x33: {  	v4 =	vld.idx.msk [tilespmem:v4+s17+$0x0], $0xffff;
	[tilespmem:s0+$0xA580] =	vst v6  }
0x34: {  	v6 =	vld.idx.msk [tilespmem:v3+s2+$0x0], $0xffff;
	_ =	sdelay $0x4  }
0x35: {  	v5 =	vsub.f32 v6, v5;
	_ =	sdelay $0x1  }
0x36: {  	[tilespmem:s0+$0xA590] =	vst v5  }
0x37: {  	v5 =	vld.idx.msk [tilespmem:v2+s16+$0x0], $0xffff;
	_ =	sdelay $0x4  }
0x38: {  	v5 =	vsub.f32 v5, v7;
	_ =	sdelay $0x1  }
0x39: {  	[tilespmem:s0+$0xA5A0] =	vst v5  }
0x3a: {  	v5 =	vld.idx.msk [tilespmem:v3+s16+$0x0], $0xffff;
	_ =	sdelay $0x4  }
0x3b: {  	v5 =	vsub.f32 v5, v7;
	_ =	sdelay $0x1  }
0x3c: {  	[tilespmem:s0+$0xA5B0] =	vst v5  }
0x3d: {  	v2 =	vld.idx.msk [tilespmem:v2+s17+$0x0], $0xffff;
	_ =	sdelay $0x4  }
0x3e: {  	v2 =	vsub.f32 v2, v4;
	_ =	sdelay $0x1  }
0x3f: {  	[tilespmem:s0+$0xA5C0] =	vst v2  }
0x40: {  	v2 =	vld.idx.msk [tilespmem:v3+s17+$0x0], $0xffff  }
0x41: {  	s25 =	sadd.s32 $0x1, s25  }
0x42: {  	p0 =	sne.s32 s25, $0x40  }
.Ltmp3:
0x43: {  	_ = 	snop;
	(pc) =	sbr.rel @!p0 .LBB2_25-.Ltmp3, $3  }
0x44: {  	_ = 	snop  }
0x45: {  	v2 =	vsub.f32 v2, v4;
	_ =	sdelay $0x1  }
0x46: {  	[tilespmem:s0+$0xA5D0] =	vst v2  }
.LBB2_2:
0x47: {  	s28 =	sshll.u32 s25, $0x1  }
0x48: {  	s26 =	sshllo.u32 s25, $0x1;
	s0 =	sand.u32 $0x78, s28  }
0x49: {  	s1 =	sshll.u32 s26, $0x7;
	s0 =	sor.u32 s4, s0  }
0x4a: {  	s1 =	sand.u32 $0x380, s1;
	s0 =	sshll.u32 s0, $0xD  }
0x4b: {  	s0 =	sor.u32 s1, s0  }
0x4c: {  	s0 =	sor.u32 s7, s0  }
0x4d: {  	s0 =	sshrl.u32 s0, $0x3  }
0x4e: {  	s0 =	sadd.s32 s3, s0  }
0x4f: {  	[tilespmem:s20], [sflag:$0x2] =	stream.strided.gather [hbm4b:s0+s13], $0x2000, s14, s13, $0x38;
	[tilespmem:$0xD580] =	vst v63  }
0x50: {  	_ =	swait.ge [sflag:s21], $0x2000  }
0x51: {  	[sflag:s21] =	ssyncset.done $0x0  }
0x52: {  	s31 =	simm.s32 $0x0;
	[sflag:s21] =	ssyncadd.s32 $0xFFFFE000  }
0x53: {  	v3 =	vld [tilespmem:s31+$0x6000]  }
0x54: {  	v5 =	vld [tilespmem:s31+$0x6010]  }
0x55: {  	v4 =	vld [tilespmem:s31+$0x6020]  }
0x56: {  	v6 =	vld [tilespmem:s31+$0x6040]  }
0x57: {  	v10 =	vld [tilespmem:s31+$0x6030]  }
0x58: {  	v2 =	vld [tilespmem:s31+$0x6070]  }
0x59: {  	v9 =	vimm.f32 $+Inf;
	v8 =	vld [tilespmem:s31+$0x6060]  }
0x5a: {  	s0 =	simm.s32 $0x80;
	v14 =	vld [tilespmem:s31+$0x6050];
	v7 =	vmin.f32 v9, v3;
	v3 =	vmax.f32 v9, v3  }
0x5b: {  	v13 =	vld [tilespmem:s0+$0x6000];
	v15 =	vmin.f32 v9, v5;
	v5 =	vmax.f32 v9, v5;
	v3 =	vmin.f32 v9, v3  }
0x5c: {  	v11 =	vmin.f32 v7, v4;
	v7 =	vmax.f32 v7, v4;
	v4 =	vld [tilespmem:s0+$0x6010];
	v17 =	vmin.f32 v15, v10  }
0x5d: {  	v12 =	vmax.f32 v11, v6;
	v3 =	vmin.f32 v3, v7;
	v11 =	vmin.f32 v11, v6;
	v7 =	vld [tilespmem:s0+$0x6020]  }
0x5e: {  	v6 =	vld [tilespmem:s0+$0x6040];
	v12 =	vmin.f32 v3, v12;
	v16 =	vmin.f32 v11, v8;
	v8 =	vmax.f32 v11, v8  }
0x5f: {  	v10 =	vmax.f32 v15, v10;
	v3 =	vld [tilespmem:s0+$0x6070];
	v11 =	vmin.f32 v9, v5;
	v12 =	vmin.f32 v12, v8  }
0x60: {  	v5 =	vld [tilespmem:s0+$0x6060];
	v9 =	vmin.f32 v16, v13;
	v15 =	vmax.f32 v16, v13;
	v13 =	vmin.f32 v17, v14  }
0x61: {  	s29 =	simm.s32 $0x400;
	v8 =	vld [tilespmem:s0+$0x6030];
	v11 =	vmin.f32 v11, v10;
	v14 =	vmax.f32 v17, v14;
	v10 =	vmax.f32 v13, v2  }
.LBB2_3:
0x62: {  	p0 =	sne.s32 s29, $0x7E00;
	v12 =	vmin.f32 v12, v15;
	v15 =	vmin.f32 v9, v7;
	v16 =	vld [tilespmem:s0+$0x6050];
	s0 =	sshra.s32 s29, $0x2;
	s29 =	sadd.s32 $0x200, s29;
	v13 =	vmin.f32 v13, v2  }
0x63: {  	v19 =	vmax.f32 v9, v7;
	v7 =	vmin.f32 v11, v14;
	v17 =	vld [tilespmem:s0+$0x6000];
	v9 =	vmax.f32 v15, v6  }
0x64: {  	v11 =	vmin.f32 v12, v19;
	v12 =	vmin.f32 v15, v6;
	v10 =	vmin.f32 v7, v10;
	v18 =	vld [tilespmem:s0+$0x6010];
	v2 =	vmovc v3  }
.Ltmp4:
0x65: {  	v14 =	vmin.f32 v13, v4;
	v9 =	vmin.f32 v11, v9;
	v7 =	vld [tilespmem:s0+$0x6020];
	v11 =	vmin.f32 v12, v5;
	(pc) =	sbr.rel @p0 .LBB2_3-.Ltmp4, $4  }
0x66: {  	v4 =	vmax.f32 v13, v4;
	v5 =	vmax.f32 v12, v5;
	v6 =	vld [tilespmem:s0+$0x6040];
	v19 =	vmin.f32 v14, v8  }
0x67: {  	v20 =	vmin.f32 v10, v4;
	v10 =	vmax.f32 v14, v8;
	v12 =	vmin.f32 v9, v5;
	v3 =	vld [tilespmem:s0+$0x6070]  }
0x68: {  	v13 =	vmin.f32 v19, v16;
	v9 =	vmin.f32 v11, v17;
	v15 =	vmax.f32 v11, v17;
	v5 =	vld [tilespmem:s0+$0x6060]  }
0x69: {  	v14 =	vmax.f32 v19, v16;
	v11 =	vmin.f32 v20, v10;
	v10 =	vmax.f32 v13, v2;
	v8 =	vld [tilespmem:s0+$0x6030];
	v4 =	vmovc v18  }
0x6a: {  	v12 =	vmin.f32 v12, v15  }
0x6b: {  	v55 =	vmin.f32 v9, v7;
	v16 =	vld [tilespmem:s0+$0x6050];
	v2 =	vmin.f32 v13, v2;
	v56 =	vmax.f32 v9, v7  }
0x6c: {  	v11 =	vmin.f32 v11, v14;
	v57 =	vmax.f32 v55, v6;
	v7 =	vmin.f32 v12, v56  }
0x6d: {  	v10 =	vmin.f32 v11, v10;
	v59 =	vmin.f32 v2, v4;
	v2 =	vmax.f32 v2, v4  }
0x6e: {  	v58 =	vmin.f32 v55, v6;
	v7 =	vmin.f32 v7, v57;
	v2 =	vmin.f32 v10, v2  }
0x6f: {  	v60 =	vmin.f32 v58, v5;
	v4 =	vmin.f32 v59, v8;
	v61 =	vmax.f32 v59, v8  }
0x70: {  	v62 =	vmin.f32 v4, v16;
	v2 =	vmin.f32 v2, v61;
	v4 =	vmax.f32 v4, v16  }
0x71: {  	v5 =	vmax.f32 v58, v5;
	v63 =	vmax.f32 v62, v3;
	v2 =	vmin.f32 v2, v4  }
0x72: {  	v4 =	vmin.f32 v7, v5;
	v3 =	vmin.f32 v62, v3;
	v2 =	vmin.f32 v2, v63  }
0x73: {  	v3 =	vmax.f32 v60, v3;
	v2 =	vmin.f32 v4, v2  }
0x74: {  	v2 =	vmin.f32 v2, v3  }
0x75: {  	(xrf0) =	vmax.scan.msk.f32 $0xffff, v2;
	_ =	sdelay $0x2  }
0x76: {  	s23 =	simm.s32 $0x6040  }
0x77: {  	v3 =	vld [tilespmem:s23+$0xFFFFFFC0];
	_ =	sdelay $0x1  }
0x78: {  	v2, _, _ =	vpop (xrf0)  }
0x79: {  	v2 =	vbroadcast v2, $0xF  }
0x7a: {  	s1 =	simm.s32 $0x0;
	p0 =	por $0x1, $0x1  }
0x7b: {  	v4 =	vor.u32 s1, v0;
	s1 =	simm.s32 @!p0 $0x200;
	vm0 =	vle.f32 v3, v2  }
0x7c: {  	[tilespmem:s1+$0xA000] =	vst.msk vm0, v3;
	v3 =	vmpcnt.ones.xlane vm0  }
0x7d: {  	[tilespmem:s1+$0xA280] =	vst.msk vm0, v4  }
0x7e: {  	v4 =	vld [tilespmem:s23+$0xFFFFFFD0];
	(v2sf) =	vpush v3, $0x0;
	_ =	sdelay $0x4  }
0x7f: {  	vm9 =	vle.f32 v4, v2  }
0x80: {  	v3 =	vmpcnt.ones.xlane vm9;
	_ =	sdelay $0x1  }
0x81: {  	(v2sf) =	vpush v3, $0x0;
	_ =	sdelay $0x6  }
0x82: {  	s6 =	spop (v2sf)  }
0x83: {  	s1 =	sadd.s32 $0x0, s6  }
0x84: {  	p0 =	slt.s32 s1, $0x200;
	s29 =	smov.u32 s1  }
0x85: {  	s30 =	simm.s32 $0x10;
	s29 =	simm.s32 @!p0 $0x200  }
0x86: {  	v3 =	vor.u32 s30, v0;
	[tilespmem:s29+$0xA000] =	vst.msk vm9, v4  }
0x87: {  	[tilespmem:s29+$0xA280] =	vst.msk vm9, v3  }
0x88: {  	v3 =	vld [tilespmem:s23+$0xFFFFFFE0];
	_ =	sdelay $0x1  }
0x89: {  	s29 =	spop (v2sf)  }
0x8a: {  	s1 =	sadd.s32 s1, s29  }
0x8b: {  	p0 =	slt.s32 s1, $0x200;
	s29 =	smov.u32 s1  }
0x8c: {  	s30 =	simm.s32 $0x20;
	vm10 =	vle.f32 v3, v2;
	s29 =	simm.s32 @!p0 $0x200  }
0x8d: {  	v4 =	vor.u32 s30, v0;
	[tilespmem:s29+$0xA000] =	vst.msk vm10, v3;
	v3 =	vmpcnt.ones.xlane vm10  }
0x8e: {  	[tilespmem:s29+$0xA280] =	vst.msk vm10, v4  }
0x8f: {  	v4 =	vld [tilespmem:s23+$0xFFFFFFF0];
	(v2sf) =	vpush v3, $0x0;
	_ =	sdelay $0x4  }
0x90: {  	vm11 =	vle.f32 v4, v2  }
0x91: {  	v3 =	vmpcnt.ones.xlane vm11;
	_ =	sdelay $0x1  }
0x92: {  	(v2sf) =	vpush v3, $0x0;
	_ =	sdelay $0x6  }
0x93: {  	s29 =	spop (v2sf)  }
0x94: {  	s1 =	sadd.s32 s1, s29  }
0x95: {  	p0 =	slt.s32 s1, $0x200;
	s29 =	smov.u32 s1  }
0x96: {  	s30 =	simm.s32 $0x30;
	s29 =	simm.s32 @!p0 $0x200  }
0x97: {  	v3 =	vor.u32 s30, v0;
	[tilespmem:s29+$0xA000] =	vst.msk vm11, v4  }
0x98: {  	[tilespmem:s29+$0xA280] =	vst.msk vm11, v3  }
0x99: {  	v3 =	vld [tilespmem:s23+$0x0];
	_ =	sdelay $0x1  }
0x9a: {  	s29 =	spop (v2sf)  }
0x9b: {  	s1 =	sadd.s32 s1, s29  }
0x9c: {  	p0 =	slt.s32 s1, $0x200;
	s29 =	smov.u32 s1  }
0x9d: {  	s30 =	simm.s32 $0x40;
	vm12 =	vle.f32 v3, v2;
	s29 =	simm.s32 @!p0 $0x200  }
0x9e: {  	v4 =	vor.u32 s30, v0;
	[tilespmem:s29+$0xA000] =	vst.msk vm12, v3;
	v3 =	vmpcnt.ones.xlane vm12  }
0x9f: {  	[tilespmem:s29+$0xA280] =	vst.msk vm12, v4  }
0xa0: {  	v4 =	vld [tilespmem:s23+$0x10];
	(v2sf) =	vpush v3, $0x0;
	_ =	sdelay $0x4  }
0xa1: {  	vm13 =	vle.f32 v4, v2  }
0xa2: {  	v3 =	vmpcnt.ones.xlane vm13;
	_ =	sdelay $0x1  }
0xa3: {  	(v2sf) =	vpush v3, $0x0;
	_ =	sdelay $0x6  }
0xa4: {  	s29 =	spop (v2sf)  }
0xa5: {  	s1 =	sadd.s32 s1, s29  }
0xa6: {  	p0 =	slt.s32 s1, $0x200;
	s29 =	smov.u32 s1  }
0xa7: {  	s30 =	simm.s32 $0x50;
	s29 =	simm.s32 @!p0 $0x200  }
0xa8: {  	v3 =	vor.u32 s30, v0;
	[tilespmem:s29+$0xA000] =	vst.msk vm13, v4  }
0xa9: {  	[tilespmem:s29+$0xA280] =	vst.msk vm13, v3  }
0xaa: {  	v3 =	vld [tilespmem:s23+$0x20];
	_ =	sdelay $0x1  }
0xab: {  	s29 =	spop (v2sf)  }
0xac: {  	s1 =	sadd.s32 s1, s29  }
0xad: {  	p0 =	slt.s32 s1, $0x200;
	s29 =	smov.u32 s1  }
0xae: {  	s30 =	simm.s32 $0x60;
	vm14 =	vle.f32 v3, v2;
	s29 =	simm.s32 @!p0 $0x200  }
0xaf: {  	v4 =	vor.u32 s30, v0;
	[tilespmem:s29+$0xA000] =	vst.msk vm14, v3  }
0xb0: {  	v3 =	vmpcnt.ones.xlane vm14;
	[tilespmem:s29+$0xA280] =	vst.msk vm14, v4  }
0xb1: {  	v4 =	vld [tilespmem:s23+$0x30]  }
0xb2: {  	(v2sf) =	vpush v3, $0x0;
	_ =	sdelay $0x3  }
0xb3: {  	vm15 =	vle.f32 v4, v2  }
0xb4: {  	v3 =	vmpcnt.ones.xlane vm15;
	_ =	sdelay $0x1  }
0xb5: {  	(v2sf) =	vpush v3, $0x0;
	_ =	sdelay $0x7  }
0xb6: {  	s23 =	spop (v2sf)  }
0xb7: {  	s1 =	sadd.s32 s1, s23  }
0xb8: {  	p0 =	slt.s32 s1, $0x200;
	s0 =	smov.u32 s1  }
0xb9: {  	s29 =	simm.s32 $0x70;
	s0 =	simm.s32 @!p0 $0x200  }
0xba: {  	v3 =	vor.u32 s29, v0;
	[tilespmem:s0+$0xA000] =	vst.msk vm15, v4  }
0xbb: {  	s30 =	simm.s32 $0x60C0;
	[tilespmem:s0+$0xA280] =	vst.msk vm15, v3  }
0xbc: {  	v3 =	vld [tilespmem:s30+$0xFFFFFFC0]  }
0xbd: {  	s31 =	simm.s32 $0x100;
	s29 =	simm.s32 $0x80;
	s0 =	spop (v2sf)  }
.LBB2_5:
0xbe: {  	p0 =	sne.s32 s31, $0x1F80  }
0xbf: {  	s23 =	sadd.s32 s1, s0;
	s0 =	smov.u32 s31;
	s31 =	sadd.s32 $0x80, s31  }
0xc0: {  	p1 =	slt.s32 s23, $0x200;
	s1 =	smov.u32 s23  }
0xc1: {  	vm0 =	vle.f32 v3, v2;
	s1 =	simm.s32 @!p1 $0x200  }
0xc2: {  	v4 =	vor.u32 s29, v0;
	[tilespmem:s1+$0xA000] =	vst.msk vm0, v3;
	v3 =	vmpcnt.ones.xlane vm0  }
0xc3: {  	[tilespmem:s1+$0xA280] =	vst.msk vm0, v4  }
0xc4: {  	v4 =	vld [tilespmem:s30+$0xFFFFFFD0];
	(v2sf) =	vpush v3, $0x0;
	_ =	sdelay $0x4  }
0xc5: {  	vm0 =	vle.f32 v4, v2  }
0xc6: {  	v3 =	vmpcnt.ones.xlane vm0;
	_ =	sdelay $0x1  }
0xc7: {  	(v2sf) =	vpush v3, $0x0;
	_ =	sdelay $0x6  }
0xc8: {  	s1 =	spop (v2sf)  }
0xc9: {  	s6 =	sadd.s32 s23, s1  }
0xca: {  	p1 =	slt.s32 s6, $0x200;
	s1 =	smov.u32 s6  }
0xcb: {  	s23 =	sadd.s32 $0x10, s29;
	s1 =	simm.s32 @!p1 $0x200  }
0xcc: {  	v3 =	vor.u32 s23, v0;
	[tilespmem:s1+$0xA000] =	vst.msk vm0, v4  }
0xcd: {  	[tilespmem:s1+$0xA280] =	vst.msk vm0, v3  }
0xce: {  	v3 =	vld [tilespmem:s30+$0xFFFFFFE0];
	_ =	sdelay $0x1  }
0xcf: {  	s1 =	spop (v2sf)  }
0xd0: {  	s1 =	sadd.s32 s6, s1  }
0xd1: {  	p1 =	slt.s32 s1, $0x200;
	s23 =	smov.u32 s1  }
0xd2: {  	s6 =	sadd.s32 $0x20, s29;
	vm0 =	vle.f32 v3, v2;
	s23 =	simm.s32 @!p1 $0x200  }
0xd3: {  	v4 =	vor.u32 s6, v0;
	[tilespmem:s23+$0xA000] =	vst.msk vm0, v3;
	v3 =	vmpcnt.ones.xlane vm0  }
0xd4: {  	[tilespmem:s23+$0xA280] =	vst.msk vm0, v4  }
0xd5: {  	v4 =	vld [tilespmem:s30+$0xFFFFFFF0];
	(v2sf) =	vpush v3, $0x0;
	_ =	sdelay $0x4  }
0xd6: {  	vm0 =	vle.f32 v4, v2  }
0xd7: {  	v3 =	vmpcnt.ones.xlane vm0;
	_ =	sdelay $0x1  }
0xd8: {  	(v2sf) =	vpush v3, $0x0;
	_ =	sdelay $0x6  }
0xd9: {  	s6 =	spop (v2sf)  }
0xda: {  	s1 =	sadd.s32 s1, s6  }
0xdb: {  	p1 =	slt.s32 s1, $0x200;
	s23 =	smov.u32 s1  }
0xdc: {  	s6 =	sadd.s32 $0x30, s29;
	s23 =	simm.s32 @!p1 $0x200  }
0xdd: {  	v3 =	vor.u32 s6, v0;
	[tilespmem:s23+$0xA000] =	vst.msk vm0, v4  }
0xde: {  	[tilespmem:s23+$0xA280] =	vst.msk vm0, v3  }
0xdf: {  	v3 =	vld [tilespmem:s30+$0x0];
	_ =	sdelay $0x1  }
0xe0: {  	s6 =	spop (v2sf)  }
0xe1: {  	s1 =	sadd.s32 s1, s6  }
0xe2: {  	p1 =	slt.s32 s1, $0x200;
	s23 =	smov.u32 s1  }
0xe3: {  	s6 =	sadd.s32 $0x40, s29;
	vm0 =	vle.f32 v3, v2;
	s23 =	simm.s32 @!p1 $0x200  }
0xe4: {  	v4 =	vor.u32 s6, v0;
	[tilespmem:s23+$0xA000] =	vst.msk vm0, v3;
	v3 =	vmpcnt.ones.xlane vm0  }
0xe5: {  	[tilespmem:s23+$0xA280] =	vst.msk vm0, v4  }
0xe6: {  	v4 =	vld [tilespmem:s30+$0x10];
	(v2sf) =	vpush v3, $0x0;
	_ =	sdelay $0x4  }
0xe7: {  	vm0 =	vle.f32 v4, v2  }
0xe8: {  	v3 =	vmpcnt.ones.xlane vm0;
	_ =	sdelay $0x1  }
0xe9: {  	(v2sf) =	vpush v3, $0x0;
	_ =	sdelay $0x6  }
0xea: {  	s6 =	spop (v2sf)  }
0xeb: {  	s1 =	sadd.s32 s1, s6  }
0xec: {  	p1 =	slt.s32 s1, $0x200;
	s23 =	smov.u32 s1  }
0xed: {  	s6 =	sadd.s32 $0x50, s29;
	s23 =	simm.s32 @!p1 $0x200  }
0xee: {  	v3 =	vor.u32 s6, v0;
	[tilespmem:s23+$0xA000] =	vst.msk vm0, v4  }
0xef: {  	[tilespmem:s23+$0xA280] =	vst.msk vm0, v3  }
0xf0: {  	v3 =	vld [tilespmem:s30+$0x20];
	_ =	sdelay $0x1  }
0xf1: {  	s6 =	spop (v2sf)  }
0xf2: {  	s1 =	sadd.s32 s1, s6  }
0xf3: {  	p1 =	slt.s32 s1, $0x200;
	s23 =	smov.u32 s1  }
0xf4: {  	s6 =	sadd.s32 $0x60, s29;
	vm0 =	vle.f32 v3, v2;
	s23 =	simm.s32 @!p1 $0x200  }
0xf5: {  	v4 =	vor.u32 s6, v0;
	[tilespmem:s23+$0xA000] =	vst.msk vm0, v3;
	v3 =	vmpcnt.ones.xlane vm0  }
0xf6: {  	[tilespmem:s23+$0xA280] =	vst.msk vm0, v4  }
0xf7: {  	v4 =	vld [tilespmem:s30+$0x30];
	(v2sf) =	vpush v3, $0x0;
	_ =	sdelay $0x4  }
0xf8: {  	vm0 =	vle.f32 v4, v2  }
0xf9: {  	v3 =	vmpcnt.ones.xlane vm0;
	_ =	sdelay $0x1  }
0xfa: {  	(v2sf) =	vpush v3, $0x0;
	_ =	sdelay $0x6  }
0xfb: {  	s6 =	spop (v2sf)  }
0xfc: {  	s1 =	sadd.s32 s1, s6  }
0xfd: {  	p1 =	slt.s32 s1, $0x200;
	s23 =	smov.u32 s1  }
0xfe: {  	s6 =	sadd.s32 $0x70, s29;
	s29 =	smov.u32 s0;
	s23 =	simm.s32 @!p1 $0x200  }
.Ltmp5:
0xff: {  	v3 =	vor.u32 s6, v0;
	[tilespmem:s23+$0xA000] =	vst.msk vm0, v4;
	(pc) =	sbr.rel @p0 .LBB2_5-.Ltmp5, $3  }
0x100: {  	s30 =	sadd.s32 $0x80, s30;
	[tilespmem:s23+$0xA280] =	vst.msk vm0, v3  }
0x101: {  	v3 =	vld [tilespmem:s30+$0xFFFFFFC0];
	_ =	sdelay $0x1  }
0x102: {  	s0 =	spop (v2sf)  }
0x103: {  	s0 =	sadd.s32 s1, s0  }
0x104: {  	p0 =	slt.s32 s0, $0x200;
	s1 =	smov.u32 s0  }
0x105: {  	vm0 =	vle.f32 v3, v2;
	s1 =	simm.s32 @!p0 $0x200  }
0x106: {  	v4 =	vor.u32 s29, v0;
	[tilespmem:s1+$0xA000] =	vst.msk vm0, v3;
	v3 =	vmpcnt.ones.xlane vm0  }
0x107: {  	[tilespmem:s1+$0xA280] =	vst.msk vm0, v4  }
0x108: {  	v4 =	vld [tilespmem:s30+$0xFFFFFFD0];
	(v2sf) =	vpush v3, $0x0;
	_ =	sdelay $0x4  }
0x109: {  	vm9 =	vle.f32 v4, v2  }
0x10a: {  	v3 =	vmpcnt.ones.xlane vm9;
	_ =	sdelay $0x1  }
0x10b: {  	(v2sf) =	vpush v3, $0x0;
	_ =	sdelay $0x6  }
0x10c: {  	s6 =	spop (v2sf)  }
0x10d: {  	s0 =	sadd.s32 s0, s6  }
0x10e: {  	p0 =	slt.s32 s0, $0x200;
	s1 =	smov.u32 s0  }
0x10f: {  	s6 =	sadd.s32 $0x10, s29;
	s1 =	simm.s32 @!p0 $0x200  }
0x110: {  	v3 =	vor.u32 s6, v0;
	[tilespmem:s1+$0xA000] =	vst.msk vm9, v4  }
0x111: {  	[tilespmem:s1+$0xA280] =	vst.msk vm9, v3  }
0x112: {  	v3 =	vld [tilespmem:s30+$0xFFFFFFE0];
	_ =	sdelay $0x1  }
0x113: {  	s23 =	spop (v2sf)  }
0x114: {  	s0 =	sadd.s32 s0, s23  }
0x115: {  	p0 =	slt.s32 s0, $0x200;
	s1 =	smov.u32 s0  }
0x116: {  	s31 =	sadd.s32 $0x20, s29;
	vm10 =	vle.f32 v3, v2;
	s1 =	simm.s32 @!p0 $0x200  }
0x117: {  	v4 =	vor.u32 s31, v0;
	[tilespmem:s1+$0xA000] =	vst.msk vm10, v3;
	v3 =	vmpcnt.ones.xlane vm10  }
0x118: {  	[tilespmem:s1+$0xA280] =	vst.msk vm10, v4  }
0x119: {  	v4 =	vld [tilespmem:s30+$0xFFFFFFF0];
	(v2sf) =	vpush v3, $0x0;
	_ =	sdelay $0x4  }
0x11a: {  	vm11 =	vle.f32 v4, v2  }
0x11b: {  	v3 =	vmpcnt.ones.xlane vm11;
	_ =	sdelay $0x1  }
0x11c: {  	(v2sf) =	vpush v3, $0x0;
	_ =	sdelay $0x6  }
0x11d: {  	s23 =	spop (v2sf)  }
0x11e: {  	s0 =	sadd.s32 s0, s23  }
0x11f: {  	p0 =	slt.s32 s0, $0x200;
	s1 =	smov.u32 s0  }
0x120: {  	s31 =	sadd.s32 $0x30, s29;
	s1 =	simm.s32 @!p0 $0x200  }
0x121: {  	v3 =	vor.u32 s31, v0;
	[tilespmem:s1+$0xA000] =	vst.msk vm11, v4  }
0x122: {  	[tilespmem:s1+$0xA280] =	vst.msk vm11, v3  }
0x123: {  	v3 =	vld [tilespmem:s30+$0x0];
	_ =	sdelay $0x1  }
0x124: {  	s23 =	spop (v2sf)  }
0x125: {  	s0 =	sadd.s32 s0, s23  }
0x126: {  	p0 =	slt.s32 s0, $0x200;
	s1 =	smov.u32 s0  }
0x127: {  	s31 =	sadd.s32 $0x40, s29;
	vm12 =	vle.f32 v3, v2;
	s1 =	simm.s32 @!p0 $0x200  }
0x128: {  	v4 =	vor.u32 s31, v0;
	[tilespmem:s1+$0xA000] =	vst.msk vm12, v3;
	v3 =	vmpcnt.ones.xlane vm12  }
0x129: {  	[tilespmem:s1+$0xA280] =	vst.msk vm12, v4  }
0x12a: {  	v4 =	vld [tilespmem:s30+$0x10];
	(v2sf) =	vpush v3, $0x0;
	_ =	sdelay $0x4  }
0x12b: {  	vm13 =	vle.f32 v4, v2  }
0x12c: {  	v3 =	vmpcnt.ones.xlane vm13;
	_ =	sdelay $0x1  }
0x12d: {  	(v2sf) =	vpush v3, $0x0;
	_ =	sdelay $0x6  }
0x12e: {  	s23 =	spop (v2sf)  }
0x12f: {  	s0 =	sadd.s32 s0, s23  }
0x130: {  	p0 =	slt.s32 s0, $0x200;
	s1 =	smov.u32 s0  }
0x131: {  	s31 =	sadd.s32 $0x50, s29;
	s1 =	simm.s32 @!p0 $0x200  }
0x132: {  	v3 =	vor.u32 s31, v0;
	[tilespmem:s1+$0xA000] =	vst.msk vm13, v4  }
0x133: {  	[tilespmem:s1+$0xA280] =	vst.msk vm13, v3  }
0x134: {  	v3 =	vld [tilespmem:s30+$0x20];
	_ =	sdelay $0x1  }
0x135: {  	s23 =	spop (v2sf)  }
0x136: {  	s0 =	sadd.s32 s0, s23  }
0x137: {  	p0 =	slt.s32 s0, $0x200;
	s1 =	smov.u32 s0  }
0x138: {  	s31 =	sadd.s32 $0x60, s29;
	vm14 =	vle.f32 v3, v2;
	s1 =	simm.s32 @!p0 $0x200  }
0x139: {  	v4 =	vor.u32 s31, v0;
	[tilespmem:s1+$0xA000] =	vst.msk vm14, v3  }
0x13a: {  	[tilespmem:s1+$0xA280] =	vst.msk vm14, v4  }
0x13b: {  	v3 =	vld [tilespmem:s30+$0x30];
	_ =	sdelay $0x4  }
0x13c: {  	v4 =	vmpcnt.ones.xlane vm14;
	vm15 =	vle.f32 v3, v2  }
0x13d: {  	v2 =	vmpcnt.ones.xlane vm15  }
0x13e: {  	(v2sf) =	vpush v4, $0x0  }
0x13f: {  	(v2sf) =	vpush v2, $0x0;
	_ =	sdelay $0xd  }
0x140: {  	s6 =	spop (v2sf)  }
0x141: {  	s0 =	sadd.s32 s0, s6;
	s23 =	spop (v2sf)  }
0x142: {  	s1 =	sadd.s32 s0, s23  }
0x143: {  	p0 =	slt.s32 s1, $0x200  }
0x144: {  	p1 =	slt.s32 s1, $0xFFFFFFF2;
	s1 =	simm.s32 @!p0 $0x200  }
0x145: {  	s6 =	sadd.s32 $0xF, s1  }
0x146: {  	s31 =	sadd.s32 $0x70, s29;
	s23 =	sand.u32 $0xF, s6  }
0x147: {  	p0 =	slt.s32 s0, $0x200;
	s30 =	sshra.s32 s6, $0x1F;
	p6 =	sne.s32 s23, $0x0  }
0x148: {  	s0 =	simm.s32 @!p0 $0x200;
	s23 =	sshrl.u32 s30, $0x1C;
	p0 =	por !p1, !p6  }
0x149: {  	s6 =	sadd.s32 s23, s6;
	s23 =	simm.s32 $0x1;
	p0 =	por !p0, !p0  }
0x14a: {  	v2 =	vor.u32 s31, v0;
	[tilespmem:s0+$0xA000] =	vst.msk vm15, v3;
	s6 =	sshra.s32 s6, $0x4;
	s23 =	simm.s32 @!p0 $0x0  }
0x14b: {  	[tilespmem:s0+$0xA280] =	vst.msk vm15, v2;
	s0 =	ssub.s32 s6, s23  }
0x14c: {  	p0 =	slt.s32 s0, $0x1  }
.Ltmp6:
0x14d: {  	_ = 	snop;
	(pc) =	sbr.rel @p0 .LBB2_7-.Ltmp6, $4  }
0x14e: {  	_ = 	snop  }
0x14f: {  	v2 =	vimm.f32 $+Inf  }
0x150: {  	v3 =	vimm.s32 $0x40000000;
	[tilespmem:s1+$0xA000] =	vst v2  }
0x151: {  	[tilespmem:s1+$0xA280] =	vst v3  }
0x152: {  	p1 =	sne.s32 s0, $0x1  }
.Ltmp7:
0x153: {  	_ = 	snop;
	(pc) =	sbr.rel @!p1 .LBB2_9-.Ltmp7, $4  }
0x154: {  	_ = 	snop  }
0x155: {  	s1 =	simm.s32 $0xA000  }
0x156: {  	s6 =	simm.s32 $0xA280;
	v4 =	vld [tilespmem:s1+$0x0]  }
0x157: {  	p0 =	por $0x0, $0x0;
	v5 =	vld [tilespmem:s6+$0x0];
	s1 =	sadd.s32 $0xFFFFFFFF, s0  }
0x158: {  	_ =	sdelay $0x3  }
0x159: {  	(xrf1) =	vsort.ascd.msk.f32 $0xffff, v4, v5;
	_ =	sdelay $0xd  }
0x15a: {  	v4, v5, _ =	vpop (xrf1)  }
0x15b: {  	v4 =	vperm.xlane v4, v1;
	v5 =	vperm.xlane v5, v1;
	_ =	sdelay $0x1  }
0x15c: {  	vm0 =	veq.f32 v4, v2;
	vm1 =	vlt.s32 v5, v3  }
0x15d: {  	vm2 =	vlt.f32 v4, v2;
	vm0 =	vmand vm0, vm1  }
0x15e: {  	vm0 =	vmor vm2, vm0  }
0x15f: {  	v4 =	vsel vm0, v4, v2;
	v5 =	vsel vm0, v5, v3  }
0x160: {  	vm13 =	veq.f32 v4, v2;
	vm14 =	vlt.s32 v5, v3  }
0x161: {  	vm15 =	vlt.f32 v4, v2;
	vm0 =	vmand vm13, vm14  }
0x162: {  	vm0 =	vmor vm15, vm0  }
0x163: {  	v6 =	vsel vm0, v3, v5  }
0x164: {  	v5 =	vsel vm0, v5, v3;
	v7 =	vsel vm0, v2, v4;
	v6 =	vxor.u32 $0x80000000, v6  }
0x165: {  	v8 =	vsel vm0, v4, v2;
	v5 =	vxor.u32 $0x80000000, v5;
	(xrf1) =	vsort.ascd.msk.u32 $0xffff, v6, v7  }
0x166: {  	(xrf1) =	vsort.ascd.msk.u32 $0xffff, v5, v8;
	_ =	sdelay $0x2  }
0x167: {  	p1 =	sne.s32 s1, $0x1  }
.Ltmp8:
0x168: {  	_ = 	snop;
	(pc) =	sbr.rel @!p1 .LBB2_12-.Ltmp8, $4  }
0x169: {  	_ = 	snop  }
0x16a: {  	s0 =	simm.s32 $0xA010  }
0x16b: {  	s29 =	simm.s32 $0xA290;
	v4 =	vld [tilespmem:s0+$0x0]  }
0x16c: {  	s30 =	sadd.s32 $0xFFFFFFFF, s1;
	p0 =	por $0x1, $0x1;
	v5 =	vld [tilespmem:s29+$0x0]  }
.LBB2_11:
0x16d: {  	p1 =	sne.s32 s30, $0x1;
	_ =	sdelay $0x3  }
0x16e: {  	(xrf1) =	vsort.ascd.msk.f32 $0xffff, v4, v5;
	v4, v5, _ =	vpop (xrf1)  }
0x16f: {  	v4 =	vxor.u32 $0x80000000, v4;
	v6, v7, _ =	vpop (xrf1)  }
0x170: {  	v6 =	vxor.u32 $0x80000000, v6;
	(xrf1) =	vsort.ascd.msk.f32 $0xffff, v5, v4  }
0x171: {  	(xrf1) =	vsort.ascd.msk.f32 $0xffff, v7, v6;
	_ =	sdelay $0xa  }
0x172: {  	v4, v5, _ =	vpop (xrf1)  }
0x173: {  	v4 =	vperm.xlane v4, v1;
	v5 =	vperm.xlane v5, v1  }
0x174: {  	v6, v7, _ =	vpop (xrf1)  }
0x175: {  	vm0 =	veq.f32 v4, v6;
	vm1 =	vlt.s32 v5, v7;
	v8, v9, _ =	vpop (xrf1)  }
0x176: {  	vm2 =	vlt.f32 v4, v6;
	vm0 =	vmand vm0, vm1  }
0x177: {  	vm0 =	vmor vm2, vm0  }
0x178: {  	v4 =	vsel vm0, v4, v6;
	v5 =	vsel vm0, v5, v7  }
0x179: {  	vm0 =	veq.f32 v4, v8;
	vm1 =	vlt.s32 v5, v9  }
0x17a: {  	vm2 =	vlt.f32 v4, v8;
	vm0 =	vmand vm0, vm1  }
0x17b: {  	vm0 =	vmor vm2, vm0  }
0x17c: {  	v6 =	vsel vm0, v4, v8;
	v7 =	vsel vm0, v5, v9;
	v5 =	vsel vm0, v9, v5  }
0x17d: {  	v4 =	vsel vm0, v8, v4;
	v7 =	vxor.u32 $0x80000000, v7;
	v5 =	vxor.u32 $0x80000000, v5  }
0x17e: {  	(xrf1) =	vsort.ascd.msk.u32 $0xffff, v5, v4  }
0x17f: {  	(xrf1) =	vsort.ascd.msk.u32 $0xffff, v7, v6;
	_ =	sdelay $0x3  }
.Ltmp9:
0x180: {  	(pc) =	sbr.rel @p1 .LBB2_11-.Ltmp9, $4  }
0x181: {  	_ = 	snop  }
0x182: {  	s0 =	sadd.s32 $0x10, s0  }
0x183: {  	s29 =	sadd.s32 $0x10, s29;
	v4 =	vld [tilespmem:s0+$0x0]  }
0x184: {  	s30 =	sadd.s32 $0xFFFFFFFF, s30;
	v5 =	vld [tilespmem:s29+$0x0]  }
.LBB2_12:
0x185: {  	_ =	sdelay $0x3  }
0x186: {  	v6, v7, _ =	vpop @p0 (xrf1)  }
0x187: {  	(xrf1) =	vsort.ascd.msk.f32 $0xffff, v4, v5;
	v4 =	vxor.u32 @p0 $0x80000000, v6  }
0x188: {  	(xrf1) =	vsort.ascd.msk.f32 @p0 $0xffff, v7, v4;
	_ =	sdelay $0x2  }
0x189: {  	v4, v5, _ =	vpop @p0 (xrf1)  }
0x18a: {  	v4 =	vxor.u32 @p0 $0x80000000, v4  }
0x18b: {  	(xrf1) =	vsort.ascd.msk.f32 @p0 $0xffff, v5, v4;
	_ =	sdelay $0x7  }
0x18c: {  	v4, v5, _ =	vpop (xrf1)  }
0x18d: {  	v4 =	vperm.xlane v4, v1;
	v5 =	vperm.xlane v5, v1;
	v6, v7, _ =	vpop @p0 (xrf1)  }
0x18e: {  	v6 =	vpsel p0, v6, v2;
	v7 =	vpsel p0, v7, v3  }
0x18f: {  	vm0 =	veq.f32 v4, v6;
	vm1 =	vlt.s32 v5, v7  }
0x190: {  	vm2 =	vlt.f32 v4, v6;
	vm0 =	vmand vm0, vm1  }
0x191: {  	vm0 =	vmor vm2, vm0  }
0x192: {  	v8, v9, _ =	vpop @p0 (xrf1);
	v4 =	vsel vm0, v4, v6  }
0x193: {  	v5 =	vsel vm0, v5, v7;
	v6 =	vpsel p0, v8, v2;
	v3 =	vpsel p0, v9, v3  }
0x194: {  	vm13 =	veq.f32 v4, v6;
	vm14 =	vlt.s32 v5, v3  }
0x195: {  	vm15 =	vlt.f32 v4, v6;
	vm0 =	vmand vm13, vm14  }
0x196: {  	vm0 =	vmor vm15, vm0  }
0x197: {  	v7 =	vsel vm0, v3, v5  }
0x198: {  	v3 =	vsel vm0, v5, v3;
	v5 =	vsel vm0, v6, v4;
	v7 =	vxor.u32 $0x80000000, v7  }
0x199: {  	(xrf1) =	vsort.ascd.msk.u32 $0xffff, v7, v5  }
0x19a: {  	v4 =	vsel vm0, v4, v6;
	v3 =	vxor.u32 $0x80000000, v3  }
0x19b: {  	(xrf1) =	vsort.ascd.msk.u32 $0xffff, v3, v4;
	_ =	sdelay $0xb  }
0x19c: {  	v3, v4, _ =	vpop (xrf1)  }
0x19d: {  	v3 =	vxor.u32 $0x80000000, v3  }
0x19e: {  	v5, v6, _ =	vpop (xrf1);
	(xrf1) =	vsort.ascd.msk.f32 $0xffff, v4, v3  }
0x19f: {  	v5 =	vxor.u32 $0x80000000, v5  }
0x1a0: {  	(xrf1) =	vsort.ascd.msk.f32 $0xffff, v6, v5;
	_ =	sdelay $0x9  }
.Ltmp10:
0x1a1: {  	_ = 	snop;
	(pc) =	sbr.rel .LBB2_13-.Ltmp10, $3  }
0x1a2: {  	_ = 	snop  }
0x1a3: {  	v3, v4, _ =	vpop (xrf1);
	_ =	sdelay $0x1  }
0x1a4: {  	v5, v3, _ =	vpop (xrf1)  }
.LBB2_7:
0x1a5: {  	v4 =	vimm.s32 $0x40000000  }
.LBB2_13:
0x1a6: {  	v5 =	vmov s28  }
0x1a7: {  	v5 =	vand.u32 $0xFFFFFFFE, v5  }
0x1a8: {  	v5 =	vbroadcast v5, $0x0;
	_ =	sdelay $0x5  }
0x1a9: {  	v5 =	vld.idx.msk [tilespmem:v5+s18+$0x0], $0xffff;
	_ =	sdelay $0x5  }
0x1aa: {  	s0 =	simm.s32 $0x0  }
0x1ab: {  	v7 =	vld.idx.msk [tilespmem:v3+s0+$0x0], $0xffff  }
0x1ac: {  	v6 =	vld.idx.msk [tilespmem:v5+s0+$0x0], $0xffff;
	_ =	sdelay $0x3  }
0x1ad: {  	s1 =	smul.u32 $0x300, s25  }
0x1ae: {  	v7 =	vsub.f32 v7, v6  }
0x1af: {  	s1 =	sshra.s32 s1, $0x2;
	v8 =	vld.idx.msk [tilespmem:v5+s16+$0x0], $0xffff  }
0x1b0: {  	v5 =	vld.idx.msk [tilespmem:v5+s17+$0x0], $0xffff;
	[tilespmem:s1+$0xA580] =	vst v7  }
0x1b1: {  	v7 =	vld.idx.msk [tilespmem:v4+s0+$0x0], $0xffff;
	_ =	sdelay $0x4  }
0x1b2: {  	v6 =	vsub.f32 v7, v6;
	_ =	sdelay $0x1  }
0x1b3: {  	[tilespmem:s1+$0xA590] =	vst v6  }
0x1b4: {  	v6 =	vld.idx.msk [tilespmem:v3+s16+$0x0], $0xffff;
	_ =	sdelay $0x4  }
0x1b5: {  	v6 =	vsub.f32 v6, v8;
	_ =	sdelay $0x1  }
0x1b6: {  	[tilespmem:s1+$0xA5A0] =	vst v6  }
0x1b7: {  	v6 =	vld.idx.msk [tilespmem:v4+s16+$0x0], $0xffff;
	_ =	sdelay $0x4  }
0x1b8: {  	v6 =	vsub.f32 v6, v8;
	_ =	sdelay $0x1  }
0x1b9: {  	[tilespmem:s1+$0xA5B0] =	vst v6  }
0x1ba: {  	v3 =	vld.idx.msk [tilespmem:v3+s17+$0x0], $0xffff;
	_ =	sdelay $0x4  }
0x1bb: {  	v3 =	vsub.f32 v3, v5;
	_ =	sdelay $0x1  }
0x1bc: {  	[tilespmem:s1+$0xA5C0] =	vst v3  }
0x1bd: {  	s30 =	sadd.s32 $0x2, s28;
	v3 =	vld.idx.msk [tilespmem:v4+s17+$0x0], $0xffff  }
0x1be: {  	s6 =	sand.u32 $0x78, s30  }
0x1bf: {  	s6 =	sor.u32 s4, s6;
	s0 =	sshll.u32 s30, $0x7  }
0x1c0: {  	s6 =	sshll.u32 s6, $0xD;
	s0 =	sand.u32 $0x300, s0  }
0x1c1: {  	s0 =	sor.u32 s0, s6  }
0x1c2: {  	s0 =	sor.u32 s7, s0;
	v3 =	vsub.f32 v3, v5  }
0x1c3: {  	s0 =	sshrl.u32 s0, $0x3  }
0x1c4: {  	s0 =	sadd.s32 s3, s0;
	[tilespmem:s1+$0xA5D0] =	vst v3  }
0x1c5: {  	[tilespmem:s19], [sflag:$0x1] =	stream.strided.gather [hbm4b:s0+s13], $0x2000, s14, s13, $0x38;
	[tilespmem:$0xD580] =	vst v63  }
0x1c6: {  	_ =	swait.ge [sflag:s22], $0x2000  }
0x1c7: {  	[sflag:s22] =	ssyncset.done $0x0  }
0x1c8: {  	s31 =	simm.s32 $0x0;
	[sflag:s22] =	ssyncadd.s32 $0xFFFFE000  }
0x1c9: {  	v4 =	vld [tilespmem:s31+$0x8000]  }
0x1ca: {  	v8 =	vld [tilespmem:s31+$0x8010]  }
0x1cb: {  	v5 =	vld [tilespmem:s31+$0x8020]  }
0x1cc: {  	v6 =	vld [tilespmem:s31+$0x8040]  }
0x1cd: {  	v10 =	vld [tilespmem:s31+$0x8030]  }
0x1ce: {  	v3 =	vld [tilespmem:s31+$0x8070]  }
0x1cf: {  	v9 =	vld [tilespmem:s31+$0x8060]  }
0x1d0: {  	s0 =	simm.s32 $0x80;
	v14 =	vld [tilespmem:s31+$0x8050];
	v7 =	vmin.f32 v2, v4;
	v4 =	vmax.f32 v2, v4  }
0x1d1: {  	v13 =	vld [tilespmem:s0+$0x8000];
	v15 =	vmin.f32 v2, v8;
	v8 =	vmax.f32 v2, v8;
	v4 =	vmin.f32 v2, v4  }
0x1d2: {  	v11 =	vmin.f32 v7, v5;
	v7 =	vmax.f32 v7, v5;
	v5 =	vld [tilespmem:s0+$0x8010];
	v17 =	vmin.f32 v15, v10  }
0x1d3: {  	v12 =	vmax.f32 v11, v6;
	v4 =	vmin.f32 v4, v7;
	v11 =	vmin.f32 v11, v6;
	v7 =	vld [tilespmem:s0+$0x8020]  }
0x1d4: {  	v6 =	vld [tilespmem:s0+$0x8040];
	v12 =	vmin.f32 v4, v12;
	v16 =	vmin.f32 v11, v9;
	v9 =	vmax.f32 v11, v9  }
0x1d5: {  	v10 =	vmax.f32 v15, v10;
	v4 =	vld [tilespmem:s0+$0x8070];
	v11 =	vmin.f32 v2, v8;
	v12 =	vmin.f32 v12, v9  }
0x1d6: {  	v2 =	vld [tilespmem:s0+$0x8060];
	v9 =	vmin.f32 v16, v13;
	v15 =	vmax.f32 v16, v13;
	v13 =	vmin.f32 v17, v14  }
0x1d7: {  	s28 =	simm.s32 $0x400;
	v8 =	vld [tilespmem:s0+$0x8030];
	v11 =	vmin.f32 v11, v10;
	v14 =	vmax.f32 v17, v14;
	v10 =	vmax.f32 v13, v3  }
.LBB2_14:
0x1d8: {  	p0 =	sne.s32 s28, $0x7E00;
	v12 =	vmin.f32 v12, v15;
	v15 =	vmin.f32 v9, v7;
	v16 =	vld [tilespmem:s0+$0x8050];
	s0 =	sshra.s32 s28, $0x2;
	s28 =	sadd.s32 $0x200, s28;
	v13 =	vmin.f32 v13, v3  }
0x1d9: {  	v19 =	vmax.f32 v9, v7;
	v7 =	vmin.f32 v11, v14;
	v17 =	vld [tilespmem:s0+$0x8000];
	v9 =	vmax.f32 v15, v6  }
0x1da: {  	v11 =	vmin.f32 v12, v19;
	v12 =	vmin.f32 v15, v6;
	v10 =	vmin.f32 v7, v10;
	v18 =	vld [tilespmem:s0+$0x8010];
	v3 =	vmovc v4  }
.Ltmp11:
0x1db: {  	v14 =	vmin.f32 v13, v5;
	v9 =	vmin.f32 v11, v9;
	v7 =	vld [tilespmem:s0+$0x8020];
	v11 =	vmin.f32 v12, v2;
	(pc) =	sbr.rel @p0 .LBB2_14-.Ltmp11, $4  }
0x1dc: {  	v5 =	vmax.f32 v13, v5;
	v2 =	vmax.f32 v12, v2;
	v6 =	vld [tilespmem:s0+$0x8040];
	v19 =	vmin.f32 v14, v8  }
0x1dd: {  	v20 =	vmin.f32 v10, v5;
	v10 =	vmax.f32 v14, v8;
	v12 =	vmin.f32 v9, v2;
	v4 =	vld [tilespmem:s0+$0x8070]  }
0x1de: {  	v13 =	vmin.f32 v19, v16;
	v9 =	vmin.f32 v11, v17;
	v15 =	vmax.f32 v11, v17;
	v2 =	vld [tilespmem:s0+$0x8060]  }
0x1df: {  	v14 =	vmax.f32 v19, v16;
	v11 =	vmin.f32 v20, v10;
	v10 =	vmax.f32 v13, v3;
	v8 =	vld [tilespmem:s0+$0x8030];
	v5 =	vmovc v18  }
0x1e0: {  	v12 =	vmin.f32 v12, v15  }
0x1e1: {  	v55 =	vmin.f32 v9, v7;
	v16 =	vld [tilespmem:s0+$0x8050];
	v3 =	vmin.f32 v13, v3;
	v56 =	vmax.f32 v9, v7  }
0x1e2: {  	v11 =	vmin.f32 v11, v14;
	v57 =	vmax.f32 v55, v6;
	v7 =	vmin.f32 v12, v56  }
0x1e3: {  	v10 =	vmin.f32 v11, v10;
	v59 =	vmin.f32 v3, v5;
	v3 =	vmax.f32 v3, v5  }
0x1e4: {  	v58 =	vmin.f32 v55, v6;
	v7 =	vmin.f32 v7, v57;
	v3 =	vmin.f32 v10, v3  }
0x1e5: {  	v60 =	vmin.f32 v58, v2;
	v5 =	vmin.f32 v59, v8;
	v61 =	vmax.f32 v59, v8  }
0x1e6: {  	v62 =	vmin.f32 v5, v16;
	v3 =	vmin.f32 v3, v61;
	v5 =	vmax.f32 v5, v16  }
0x1e7: {  	v2 =	vmax.f32 v58, v2;
	v63 =	vmax.f32 v62, v4;
	v3 =	vmin.f32 v3, v5  }
0x1e8: {  	v2 =	vmin.f32 v7, v2;
	v4 =	vmin.f32 v62, v4;
	v3 =	vmin.f32 v3, v63  }
0x1e9: {  	v2 =	vmin.f32 v2, v3;
	v3 =	vmax.f32 v60, v4  }
0x1ea: {  	v2 =	vmin.f32 v2, v3  }
0x1eb: {  	(xrf0) =	vmax.scan.msk.f32 $0xffff, v2;
	_ =	sdelay $0x2  }
0x1ec: {  	s0 =	simm.s32 $0x8040  }
0x1ed: {  	v3 =	vld [tilespmem:s0+$0xFFFFFFC0];
	_ =	sdelay $0x1  }
0x1ee: {  	v2, _, _ =	vpop (xrf0)  }
0x1ef: {  	v2 =	vbroadcast v2, $0xF  }
0x1f0: {  	s1 =	simm.s32 $0x0;
	p0 =	por $0x1, $0x1  }
0x1f1: {  	v4 =	vor.u32 s1, v0;
	s1 =	simm.s32 @!p0 $0x200;
	vm0 =	vle.f32 v3, v2  }
0x1f2: {  	[tilespmem:s1+$0xA000] =	vst.msk vm0, v3;
	v3 =	vmpcnt.ones.xlane vm0  }
0x1f3: {  	[tilespmem:s1+$0xA280] =	vst.msk vm0, v4  }
0x1f4: {  	v4 =	vld [tilespmem:s0+$0xFFFFFFD0];
	(v2sf) =	vpush v3, $0x0;
	_ =	sdelay $0x4  }
0x1f5: {  	vm9 =	vle.f32 v4, v2  }
0x1f6: {  	v3 =	vmpcnt.ones.xlane vm9;
	_ =	sdelay $0x1  }
0x1f7: {  	(v2sf) =	vpush v3, $0x0;
	_ =	sdelay $0x6  }
0x1f8: {  	s6 =	spop (v2sf)  }
0x1f9: {  	s1 =	sadd.s32 $0x0, s6  }
0x1fa: {  	p0 =	slt.s32 s1, $0x200;
	s6 =	smov.u32 s1  }
0x1fb: {  	s23 =	simm.s32 $0x10;
	s6 =	simm.s32 @!p0 $0x200  }
0x1fc: {  	v3 =	vor.u32 s23, v0;
	[tilespmem:s6+$0xA000] =	vst.msk vm9, v4  }
0x1fd: {  	[tilespmem:s6+$0xA280] =	vst.msk vm9, v3  }
0x1fe: {  	v3 =	vld [tilespmem:s0+$0xFFFFFFE0];
	_ =	sdelay $0x1  }
0x1ff: {  	s23 =	spop (v2sf)  }
0x200: {  	s1 =	sadd.s32 s1, s23  }
0x201: {  	p0 =	slt.s32 s1, $0x200;
	s6 =	smov.u32 s1  }
0x202: {  	s31 =	simm.s32 $0x20;
	vm10 =	vle.f32 v3, v2;
	s6 =	simm.s32 @!p0 $0x200  }
0x203: {  	v4 =	vor.u32 s31, v0;
	[tilespmem:s6+$0xA000] =	vst.msk vm10, v3;
	v3 =	vmpcnt.ones.xlane vm10  }
0x204: {  	[tilespmem:s6+$0xA280] =	vst.msk vm10, v4  }
0x205: {  	v4 =	vld [tilespmem:s0+$0xFFFFFFF0];
	(v2sf) =	vpush v3, $0x0;
	_ =	sdelay $0x4  }
0x206: {  	vm11 =	vle.f32 v4, v2  }
0x207: {  	v3 =	vmpcnt.ones.xlane vm11;
	_ =	sdelay $0x1  }
0x208: {  	(v2sf) =	vpush v3, $0x0;
	_ =	sdelay $0x6  }
0x209: {  	s23 =	spop (v2sf)  }
0x20a: {  	s1 =	sadd.s32 s1, s23  }
0x20b: {  	p0 =	slt.s32 s1, $0x200;
	s6 =	smov.u32 s1  }
0x20c: {  	s31 =	simm.s32 $0x30;
	s6 =	simm.s32 @!p0 $0x200  }
0x20d: {  	v3 =	vor.u32 s31, v0;
	[tilespmem:s6+$0xA000] =	vst.msk vm11, v4  }
0x20e: {  	[tilespmem:s6+$0xA280] =	vst.msk vm11, v3  }
0x20f: {  	v3 =	vld [tilespmem:s0+$0x0];
	_ =	sdelay $0x1  }
0x210: {  	s23 =	spop (v2sf)  }
0x211: {  	s1 =	sadd.s32 s1, s23  }
0x212: {  	p0 =	slt.s32 s1, $0x200;
	s6 =	smov.u32 s1  }
0x213: {  	s31 =	simm.s32 $0x40;
	vm12 =	vle.f32 v3, v2;
	s6 =	simm.s32 @!p0 $0x200  }
0x214: {  	v4 =	vor.u32 s31, v0;
	[tilespmem:s6+$0xA000] =	vst.msk vm12, v3;
	v3 =	vmpcnt.ones.xlane vm12  }
0x215: {  	[tilespmem:s6+$0xA280] =	vst.msk vm12, v4  }
0x216: {  	v4 =	vld [tilespmem:s0+$0x10];
	(v2sf) =	vpush v3, $0x0;
	_ =	sdelay $0x4  }
0x217: {  	vm13 =	vle.f32 v4, v2  }
0x218: {  	v3 =	vmpcnt.ones.xlane vm13;
	_ =	sdelay $0x1  }
0x219: {  	(v2sf) =	vpush v3, $0x0;
	_ =	sdelay $0x6  }
0x21a: {  	s23 =	spop (v2sf)  }
0x21b: {  	s1 =	sadd.s32 s1, s23  }
0x21c: {  	p0 =	slt.s32 s1, $0x200;
	s6 =	smov.u32 s1  }
0x21d: {  	s31 =	simm.s32 $0x50;
	s6 =	simm.s32 @!p0 $0x200  }
0x21e: {  	v3 =	vor.u32 s31, v0;
	[tilespmem:s6+$0xA000] =	vst.msk vm13, v4  }
0x21f: {  	[tilespmem:s6+$0xA280] =	vst.msk vm13, v3  }
0x220: {  	v3 =	vld [tilespmem:s0+$0x20];
	_ =	sdelay $0x1  }
0x221: {  	s23 =	spop (v2sf)  }
0x222: {  	s1 =	sadd.s32 s1, s23  }
0x223: {  	p0 =	slt.s32 s1, $0x200;
	s6 =	smov.u32 s1  }
0x224: {  	s31 =	simm.s32 $0x60;
	vm14 =	vle.f32 v3, v2;
	s6 =	simm.s32 @!p0 $0x200  }
0x225: {  	v4 =	vor.u32 s31, v0;
	[tilespmem:s6+$0xA000] =	vst.msk vm14, v3  }
0x226: {  	v3 =	vmpcnt.ones.xlane vm14;
	[tilespmem:s6+$0xA280] =	vst.msk vm14, v4  }
0x227: {  	v4 =	vld [tilespmem:s0+$0x30]  }
0x228: {  	(v2sf) =	vpush v3, $0x0;
	_ =	sdelay $0x3  }
0x229: {  	vm15 =	vle.f32 v4, v2  }
0x22a: {  	v3 =	vmpcnt.ones.xlane vm15;
	_ =	sdelay $0x1  }
0x22b: {  	(v2sf) =	vpush v3, $0x0;
	_ =	sdelay $0x7  }
0x22c: {  	s23 =	spop (v2sf)  }
0x22d: {  	s1 =	sadd.s32 s1, s23  }
0x22e: {  	p0 =	slt.s32 s1, $0x200;
	s0 =	smov.u32 s1  }
0x22f: {  	s31 =	simm.s32 $0x70;
	s0 =	simm.s32 @!p0 $0x200  }
0x230: {  	v3 =	vor.u32 s31, v0;
	[tilespmem:s0+$0xA000] =	vst.msk vm15, v4  }
0x231: {  	s29 =	simm.s32 $0x80C0;
	[tilespmem:s0+$0xA280] =	vst.msk vm15, v3  }
0x232: {  	v3 =	vld [tilespmem:s29+$0xFFFFFFC0]  }
0x233: {  	s28 =	simm.s32 $0x80;
	s30 =	simm.s32 $0x100;
	s0 =	spop (v2sf)  }
.LBB2_16:
0x234: {  	p0 =	sne.s32 s30, $0x1F80  }
0x235: {  	s1 =	sadd.s32 s1, s0;
	s0 =	smov.u32 s30;
	s30 =	sadd.s32 $0x80, s30  }
0x236: {  	p1 =	slt.s32 s1, $0x200;
	s6 =	smov.u32 s1  }
0x237: {  	vm0 =	vle.f32 v3, v2;
	s6 =	simm.s32 @!p1 $0x200  }
0x238: {  	v4 =	vor.u32 s28, v0;
	[tilespmem:s6+$0xA000] =	vst.msk vm0, v3;
	v3 =	vmpcnt.ones.xlane vm0  }
0x239: {  	[tilespmem:s6+$0xA280] =	vst.msk vm0, v4  }
0x23a: {  	v4 =	vld [tilespmem:s29+$0xFFFFFFD0];
	(v2sf) =	vpush v3, $0x0;
	_ =	sdelay $0x4  }
0x23b: {  	vm0 =	vle.f32 v4, v2  }
0x23c: {  	v3 =	vmpcnt.ones.xlane vm0;
	_ =	sdelay $0x1  }
0x23d: {  	(v2sf) =	vpush v3, $0x0;
	_ =	sdelay $0x6  }
0x23e: {  	s6 =	spop (v2sf)  }
0x23f: {  	s1 =	sadd.s32 s1, s6  }
0x240: {  	p1 =	slt.s32 s1, $0x200;
	s23 =	smov.u32 s1  }
0x241: {  	s6 =	sadd.s32 $0x10, s28;
	s23 =	simm.s32 @!p1 $0x200  }
0x242: {  	v3 =	vor.u32 s6, v0;
	[tilespmem:s23+$0xA000] =	vst.msk vm0, v4  }
0x243: {  	[tilespmem:s23+$0xA280] =	vst.msk vm0, v3  }
0x244: {  	v3 =	vld [tilespmem:s29+$0xFFFFFFE0];
	_ =	sdelay $0x1  }
0x245: {  	s6 =	spop (v2sf)  }
0x246: {  	s1 =	sadd.s32 s1, s6  }
0x247: {  	p1 =	slt.s32 s1, $0x200;
	s23 =	smov.u32 s1  }
0x248: {  	s6 =	sadd.s32 $0x20, s28;
	vm0 =	vle.f32 v3, v2;
	s23 =	simm.s32 @!p1 $0x200  }
0x249: {  	v4 =	vor.u32 s6, v0;
	[tilespmem:s23+$0xA000] =	vst.msk vm0, v3;
	v3 =	vmpcnt.ones.xlane vm0  }
0x24a: {  	[tilespmem:s23+$0xA280] =	vst.msk vm0, v4  }
0x24b: {  	v4 =	vld [tilespmem:s29+$0xFFFFFFF0];
	(v2sf) =	vpush v3, $0x0;
	_ =	sdelay $0x4  }
0x24c: {  	vm0 =	vle.f32 v4, v2  }
0x24d: {  	v3 =	vmpcnt.ones.xlane vm0;
	_ =	sdelay $0x1  }
0x24e: {  	(v2sf) =	vpush v3, $0x0;
	_ =	sdelay $0x6  }
0x24f: {  	s6 =	spop (v2sf)  }
0x250: {  	s1 =	sadd.s32 s1, s6  }
0x251: {  	p1 =	slt.s32 s1, $0x200;
	s23 =	smov.u32 s1  }
0x252: {  	s6 =	sadd.s32 $0x30, s28;
	s23 =	simm.s32 @!p1 $0x200  }
0x253: {  	v3 =	vor.u32 s6, v0;
	[tilespmem:s23+$0xA000] =	vst.msk vm0, v4  }
0x254: {  	[tilespmem:s23+$0xA280] =	vst.msk vm0, v3  }
0x255: {  	v3 =	vld [tilespmem:s29+$0x0];
	_ =	sdelay $0x1  }
0x256: {  	s6 =	spop (v2sf)  }
0x257: {  	s1 =	sadd.s32 s1, s6  }
0x258: {  	p1 =	slt.s32 s1, $0x200;
	s23 =	smov.u32 s1  }
0x259: {  	s6 =	sadd.s32 $0x40, s28;
	vm0 =	vle.f32 v3, v2;
	s23 =	simm.s32 @!p1 $0x200  }
0x25a: {  	v4 =	vor.u32 s6, v0;
	[tilespmem:s23+$0xA000] =	vst.msk vm0, v3;
	v3 =	vmpcnt.ones.xlane vm0  }
0x25b: {  	[tilespmem:s23+$0xA280] =	vst.msk vm0, v4  }
0x25c: {  	v4 =	vld [tilespmem:s29+$0x10];
	(v2sf) =	vpush v3, $0x0;
	_ =	sdelay $0x4  }
0x25d: {  	vm0 =	vle.f32 v4, v2  }
0x25e: {  	v3 =	vmpcnt.ones.xlane vm0;
	_ =	sdelay $0x1  }
0x25f: {  	(v2sf) =	vpush v3, $0x0;
	_ =	sdelay $0x6  }
0x260: {  	s6 =	spop (v2sf)  }
0x261: {  	s1 =	sadd.s32 s1, s6  }
0x262: {  	p1 =	slt.s32 s1, $0x200;
	s23 =	smov.u32 s1  }
0x263: {  	s6 =	sadd.s32 $0x50, s28;
	s23 =	simm.s32 @!p1 $0x200  }
0x264: {  	v3 =	vor.u32 s6, v0;
	[tilespmem:s23+$0xA000] =	vst.msk vm0, v4  }
0x265: {  	[tilespmem:s23+$0xA280] =	vst.msk vm0, v3  }
0x266: {  	v3 =	vld [tilespmem:s29+$0x20];
	_ =	sdelay $0x1  }
0x267: {  	s6 =	spop (v2sf)  }
0x268: {  	s1 =	sadd.s32 s1, s6  }
0x269: {  	p1 =	slt.s32 s1, $0x200;
	s23 =	smov.u32 s1  }
0x26a: {  	s6 =	sadd.s32 $0x60, s28;
	vm0 =	vle.f32 v3, v2;
	s23 =	simm.s32 @!p1 $0x200  }
0x26b: {  	v4 =	vor.u32 s6, v0;
	[tilespmem:s23+$0xA000] =	vst.msk vm0, v3;
	v3 =	vmpcnt.ones.xlane vm0  }
0x26c: {  	[tilespmem:s23+$0xA280] =	vst.msk vm0, v4  }
0x26d: {  	v4 =	vld [tilespmem:s29+$0x30];
	(v2sf) =	vpush v3, $0x0;
	_ =	sdelay $0x4  }
0x26e: {  	vm0 =	vle.f32 v4, v2  }
0x26f: {  	v3 =	vmpcnt.ones.xlane vm0;
	_ =	sdelay $0x1  }
0x270: {  	(v2sf) =	vpush v3, $0x0;
	_ =	sdelay $0x6  }
0x271: {  	s6 =	spop (v2sf)  }
0x272: {  	s1 =	sadd.s32 s1, s6  }
0x273: {  	p1 =	slt.s32 s1, $0x200;
	s23 =	smov.u32 s1  }
0x274: {  	s6 =	sadd.s32 $0x70, s28;
	s28 =	smov.u32 s0;
	s23 =	simm.s32 @!p1 $0x200  }
.Ltmp12:
0x275: {  	v3 =	vor.u32 s6, v0;
	[tilespmem:s23+$0xA000] =	vst.msk vm0, v4;
	(pc) =	sbr.rel @p0 .LBB2_16-.Ltmp12, $3  }
0x276: {  	s29 =	sadd.s32 $0x80, s29;
	[tilespmem:s23+$0xA280] =	vst.msk vm0, v3  }
0x277: {  	v3 =	vld [tilespmem:s29+$0xFFFFFFC0];
	_ =	sdelay $0x1  }
0x278: {  	s0 =	spop (v2sf)  }
0x279: {  	s0 =	sadd.s32 s1, s0  }
0x27a: {  	p0 =	slt.s32 s0, $0x200;
	s1 =	smov.u32 s0  }
0x27b: {  	vm0 =	vle.f32 v3, v2;
	s1 =	simm.s32 @!p0 $0x200  }
0x27c: {  	v4 =	vor.u32 s28, v0;
	[tilespmem:s1+$0xA000] =	vst.msk vm0, v3;
	v3 =	vmpcnt.ones.xlane vm0  }
0x27d: {  	[tilespmem:s1+$0xA280] =	vst.msk vm0, v4  }
0x27e: {  	v4 =	vld [tilespmem:s29+$0xFFFFFFD0];
	(v2sf) =	vpush v3, $0x0;
	_ =	sdelay $0x4  }
0x27f: {  	vm9 =	vle.f32 v4, v2  }
0x280: {  	v3 =	vmpcnt.ones.xlane vm9;
	_ =	sdelay $0x1  }
0x281: {  	(v2sf) =	vpush v3, $0x0;
	_ =	sdelay $0x6  }
0x282: {  	s23 =	spop (v2sf)  }
0x283: {  	s0 =	sadd.s32 s0, s23  }
0x284: {  	p0 =	slt.s32 s0, $0x200;
	s1 =	smov.u32 s0  }
0x285: {  	s6 =	sadd.s32 $0x10, s28;
	s1 =	simm.s32 @!p0 $0x200  }
0x286: {  	v3 =	vor.u32 s6, v0;
	[tilespmem:s1+$0xA000] =	vst.msk vm9, v4  }
0x287: {  	[tilespmem:s1+$0xA280] =	vst.msk vm9, v3  }
0x288: {  	v3 =	vld [tilespmem:s29+$0xFFFFFFE0];
	_ =	sdelay $0x1  }
0x289: {  	s30 =	spop (v2sf)  }
0x28a: {  	s0 =	sadd.s32 s0, s30  }
0x28b: {  	p0 =	slt.s32 s0, $0x200;
	s1 =	smov.u32 s0  }
0x28c: {  	s31 =	sadd.s32 $0x20, s28;
	vm10 =	vle.f32 v3, v2;
	s1 =	simm.s32 @!p0 $0x200  }
0x28d: {  	v4 =	vor.u32 s31, v0;
	[tilespmem:s1+$0xA000] =	vst.msk vm10, v3;
	v3 =	vmpcnt.ones.xlane vm10  }
0x28e: {  	[tilespmem:s1+$0xA280] =	vst.msk vm10, v4  }
0x28f: {  	v4 =	vld [tilespmem:s29+$0xFFFFFFF0];
	(v2sf) =	vpush v3, $0x0;
	_ =	sdelay $0x4  }
0x290: {  	vm11 =	vle.f32 v4, v2  }
0x291: {  	v3 =	vmpcnt.ones.xlane vm11;
	_ =	sdelay $0x1  }
0x292: {  	(v2sf) =	vpush v3, $0x0;
	_ =	sdelay $0x6  }
0x293: {  	s6 =	spop (v2sf)  }
0x294: {  	s0 =	sadd.s32 s0, s6  }
0x295: {  	p0 =	slt.s32 s0, $0x200;
	s1 =	smov.u32 s0  }
0x296: {  	s23 =	sadd.s32 $0x30, s28;
	s1 =	simm.s32 @!p0 $0x200  }
0x297: {  	v3 =	vor.u32 s23, v0;
	[tilespmem:s1+$0xA000] =	vst.msk vm11, v4  }
0x298: {  	[tilespmem:s1+$0xA280] =	vst.msk vm11, v3  }
0x299: {  	v3 =	vld [tilespmem:s29+$0x0];
	_ =	sdelay $0x1  }
0x29a: {  	s30 =	spop (v2sf)  }
0x29b: {  	s0 =	sadd.s32 s0, s30  }
0x29c: {  	p0 =	slt.s32 s0, $0x200;
	s1 =	smov.u32 s0  }
0x29d: {  	s31 =	sadd.s32 $0x40, s28;
	vm12 =	vle.f32 v3, v2;
	s1 =	simm.s32 @!p0 $0x200  }
0x29e: {  	v4 =	vor.u32 s31, v0;
	[tilespmem:s1+$0xA000] =	vst.msk vm12, v3;
	v3 =	vmpcnt.ones.xlane vm12  }
0x29f: {  	[tilespmem:s1+$0xA280] =	vst.msk vm12, v4  }
0x2a0: {  	v4 =	vld [tilespmem:s29+$0x10];
	(v2sf) =	vpush v3, $0x0;
	_ =	sdelay $0x4  }
0x2a1: {  	vm13 =	vle.f32 v4, v2  }
0x2a2: {  	v3 =	vmpcnt.ones.xlane vm13;
	_ =	sdelay $0x1  }
0x2a3: {  	(v2sf) =	vpush v3, $0x0;
	_ =	sdelay $0x6  }
0x2a4: {  	s6 =	spop (v2sf)  }
0x2a5: {  	s0 =	sadd.s32 s0, s6  }
0x2a6: {  	p0 =	slt.s32 s0, $0x200;
	s1 =	smov.u32 s0  }
0x2a7: {  	s23 =	sadd.s32 $0x50, s28;
	s1 =	simm.s32 @!p0 $0x200  }
0x2a8: {  	v3 =	vor.u32 s23, v0;
	[tilespmem:s1+$0xA000] =	vst.msk vm13, v4  }
0x2a9: {  	[tilespmem:s1+$0xA280] =	vst.msk vm13, v3  }
0x2aa: {  	v3 =	vld [tilespmem:s29+$0x20];
	_ =	sdelay $0x1  }
0x2ab: {  	s30 =	spop (v2sf)  }
0x2ac: {  	s0 =	sadd.s32 s0, s30  }
0x2ad: {  	p0 =	slt.s32 s0, $0x200;
	s1 =	smov.u32 s0  }
0x2ae: {  	s31 =	sadd.s32 $0x60, s28;
	vm14 =	vle.f32 v3, v2;
	s1 =	simm.s32 @!p0 $0x200  }
0x2af: {  	v4 =	vor.u32 s31, v0;
	[tilespmem:s1+$0xA000] =	vst.msk vm14, v3  }
0x2b0: {  	[tilespmem:s1+$0xA280] =	vst.msk vm14, v4  }
0x2b1: {  	v3 =	vld [tilespmem:s29+$0x30];
	_ =	sdelay $0x4  }
0x2b2: {  	v4 =	vmpcnt.ones.xlane vm14;
	vm15 =	vle.f32 v3, v2  }
0x2b3: {  	v2 =	vmpcnt.ones.xlane vm15  }
0x2b4: {  	(v2sf) =	vpush v4, $0x0  }
0x2b5: {  	(v2sf) =	vpush v2, $0x0;
	_ =	sdelay $0xd  }
0x2b6: {  	s6 =	spop (v2sf)  }
0x2b7: {  	s0 =	sadd.s32 s0, s6;
	s23 =	spop (v2sf)  }
0x2b8: {  	s1 =	sadd.s32 s0, s23  }
0x2b9: {  	p0 =	slt.s32 s1, $0x200  }
0x2ba: {  	p1 =	slt.s32 s1, $0xFFFFFFF2;
	s1 =	simm.s32 @!p0 $0x200  }
0x2bb: {  	s29 =	sadd.s32 $0xF, s1  }
0x2bc: {  	s31 =	sadd.s32 $0x70, s28;
	s23 =	sand.u32 $0xF, s29  }
0x2bd: {  	p0 =	slt.s32 s0, $0x200;
	s30 =	sshra.s32 s29, $0x1F;
	p6 =	sne.s32 s23, $0x0  }
0x2be: {  	s0 =	simm.s32 @!p0 $0x200;
	s23 =	sshrl.u32 s30, $0x1C;
	p0 =	por !p1, !p6  }
0x2bf: {  	s6 =	sadd.s32 s23, s29;
	s23 =	simm.s32 $0x1;
	p0 =	por !p0, !p0  }
0x2c0: {  	v2 =	vor.u32 s31, v0;
	[tilespmem:s0+$0xA000] =	vst.msk vm15, v3;
	s6 =	sshra.s32 s6, $0x4;
	s23 =	simm.s32 @!p0 $0x0  }
0x2c1: {  	[tilespmem:s0+$0xA280] =	vst.msk vm15, v2;
	s0 =	ssub.s32 s6, s23  }
0x2c2: {  	p0 =	slt.s32 s0, $0x1  }
.Ltmp13:
0x2c3: {  	_ = 	snop;
	(pc) =	sbr.rel @p0 .LBB2_18-.Ltmp13, $4  }
0x2c4: {  	_ = 	snop  }
0x2c5: {  	v3 =	vimm.f32 $+Inf  }
0x2c6: {  	v2 =	vimm.s32 $0x40000000;
	[tilespmem:s1+$0xA000] =	vst v3  }
0x2c7: {  	[tilespmem:s1+$0xA280] =	vst v2  }
0x2c8: {  	p1 =	sne.s32 s0, $0x1  }
.Ltmp14:
0x2c9: {  	_ = 	snop;
	(pc) =	sbr.rel @!p1 .LBB2_20-.Ltmp14, $4  }
0x2ca: {  	_ = 	snop  }
0x2cb: {  	s1 =	simm.s32 $0xA000  }
0x2cc: {  	s6 =	simm.s32 $0xA280;
	v4 =	vld [tilespmem:s1+$0x0]  }
0x2cd: {  	p0 =	por $0x0, $0x0;
	v5 =	vld [tilespmem:s6+$0x0];
	s1 =	sadd.s32 $0xFFFFFFFF, s0  }
0x2ce: {  	_ =	sdelay $0x3  }
0x2cf: {  	(xrf1) =	vsort.ascd.msk.f32 $0xffff, v4, v5;
	_ =	sdelay $0xd  }
0x2d0: {  	v4, v5, _ =	vpop (xrf1)  }
0x2d1: {  	v4 =	vperm.xlane v4, v1;
	v5 =	vperm.xlane v5, v1;
	_ =	sdelay $0x1  }
0x2d2: {  	vm0 =	veq.f32 v4, v3;
	vm1 =	vlt.s32 v5, v2  }
0x2d3: {  	vm2 =	vlt.f32 v4, v3;
	vm0 =	vmand vm0, vm1  }
0x2d4: {  	vm0 =	vmor vm2, vm0  }
0x2d5: {  	v4 =	vsel vm0, v4, v3;
	v5 =	vsel vm0, v5, v2  }
0x2d6: {  	vm13 =	veq.f32 v4, v3;
	vm14 =	vlt.s32 v5, v2  }
0x2d7: {  	vm15 =	vlt.f32 v4, v3;
	vm0 =	vmand vm13, vm14  }
0x2d8: {  	vm0 =	vmor vm15, vm0  }
0x2d9: {  	v6 =	vsel vm0, v2, v5  }
0x2da: {  	v5 =	vsel vm0, v5, v2;
	v7 =	vsel vm0, v3, v4;
	v6 =	vxor.u32 $0x80000000, v6  }
0x2db: {  	v8 =	vsel vm0, v4, v3;
	v5 =	vxor.u32 $0x80000000, v5;
	(xrf1) =	vsort.ascd.msk.u32 $0xffff, v6, v7  }
0x2dc: {  	(xrf1) =	vsort.ascd.msk.u32 $0xffff, v5, v8;
	_ =	sdelay $0x2  }
0x2dd: {  	p1 =	sne.s32 s1, $0x1  }
.Ltmp15:
0x2de: {  	_ = 	snop;
	(pc) =	sbr.rel @!p1 .LBB2_23-.Ltmp15, $4  }
0x2df: {  	_ = 	snop  }
0x2e0: {  	s0 =	simm.s32 $0xA010  }
0x2e1: {  	s28 =	simm.s32 $0xA290;
	v4 =	vld [tilespmem:s0+$0x0]  }
0x2e2: {  	s29 =	sadd.s32 $0xFFFFFFFF, s1;
	p0 =	por $0x1, $0x1;
	v5 =	vld [tilespmem:s28+$0x0]  }
.LBB2_22:
0x2e3: {  	p1 =	sne.s32 s29, $0x1;
	_ =	sdelay $0x3  }
0x2e4: {  	(xrf1) =	vsort.ascd.msk.f32 $0xffff, v4, v5;
	v4, v5, _ =	vpop (xrf1)  }
0x2e5: {  	v4 =	vxor.u32 $0x80000000, v4;
	v6, v7, _ =	vpop (xrf1)  }
0x2e6: {  	v6 =	vxor.u32 $0x80000000, v6;
	(xrf1) =	vsort.ascd.msk.f32 $0xffff, v5, v4  }
0x2e7: {  	(xrf1) =	vsort.ascd.msk.f32 $0xffff, v7, v6;
	_ =	sdelay $0xa  }
0x2e8: {  	v4, v5, _ =	vpop (xrf1)  }
0x2e9: {  	v4 =	vperm.xlane v4, v1;
	v5 =	vperm.xlane v5, v1  }
0x2ea: {  	v6, v7, _ =	vpop (xrf1)  }
0x2eb: {  	vm0 =	veq.f32 v4, v6;
	vm1 =	vlt.s32 v5, v7;
	v8, v9, _ =	vpop (xrf1)  }
0x2ec: {  	vm2 =	vlt.f32 v4, v6;
	vm0 =	vmand vm0, vm1  }
0x2ed: {  	vm0 =	vmor vm2, vm0  }
0x2ee: {  	v4 =	vsel vm0, v4, v6;
	v5 =	vsel vm0, v5, v7  }
0x2ef: {  	vm0 =	veq.f32 v4, v8;
	vm1 =	vlt.s32 v5, v9  }
0x2f0: {  	vm2 =	vlt.f32 v4, v8;
	vm0 =	vmand vm0, vm1  }
0x2f1: {  	vm0 =	vmor vm2, vm0  }
0x2f2: {  	v6 =	vsel vm0, v4, v8;
	v7 =	vsel vm0, v5, v9;
	v5 =	vsel vm0, v9, v5  }
0x2f3: {  	v4 =	vsel vm0, v8, v4;
	v7 =	vxor.u32 $0x80000000, v7;
	v5 =	vxor.u32 $0x80000000, v5  }
0x2f4: {  	(xrf1) =	vsort.ascd.msk.u32 $0xffff, v5, v4  }
0x2f5: {  	(xrf1) =	vsort.ascd.msk.u32 $0xffff, v7, v6;
	_ =	sdelay $0x3  }
.Ltmp16:
0x2f6: {  	(pc) =	sbr.rel @p1 .LBB2_22-.Ltmp16, $4  }
0x2f7: {  	_ = 	snop  }
0x2f8: {  	s0 =	sadd.s32 $0x10, s0  }
0x2f9: {  	s28 =	sadd.s32 $0x10, s28;
	v4 =	vld [tilespmem:s0+$0x0]  }
0x2fa: {  	s29 =	sadd.s32 $0xFFFFFFFF, s29;
	v5 =	vld [tilespmem:s28+$0x0]  }
.LBB2_23:
0x2fb: {  	_ =	sdelay $0x3  }
0x2fc: {  	v6, v7, _ =	vpop @p0 (xrf1)  }
0x2fd: {  	(xrf1) =	vsort.ascd.msk.f32 $0xffff, v4, v5;
	v4 =	vxor.u32 @p0 $0x80000000, v6  }
0x2fe: {  	(xrf1) =	vsort.ascd.msk.f32 @p0 $0xffff, v7, v4;
	_ =	sdelay $0x2  }
0x2ff: {  	v4, v5, _ =	vpop @p0 (xrf1)  }
0x300: {  	v4 =	vxor.u32 @p0 $0x80000000, v4  }
0x301: {  	(xrf1) =	vsort.ascd.msk.f32 @p0 $0xffff, v5, v4;
	_ =	sdelay $0x7  }
0x302: {  	v4, v5, _ =	vpop (xrf1)  }
0x303: {  	v4 =	vperm.xlane v4, v1;
	v5 =	vperm.xlane v5, v1;
	v6, v7, _ =	vpop @p0 (xrf1)  }
0x304: {  	v6 =	vpsel p0, v6, v3;
	v7 =	vpsel p0, v7, v2  }
0x305: {  	vm0 =	veq.f32 v4, v6;
	vm1 =	vlt.s32 v5, v7  }
0x306: {  	vm2 =	vlt.f32 v4, v6;
	vm0 =	vmand vm0, vm1  }
0x307: {  	vm0 =	vmor vm2, vm0  }
0x308: {  	v8, v9, _ =	vpop @p0 (xrf1);
	v4 =	vsel vm0, v4, v6  }
0x309: {  	v5 =	vsel vm0, v5, v7;
	v3 =	vpsel p0, v8, v3;
	v2 =	vpsel p0, v9, v2  }
0x30a: {  	vm13 =	veq.f32 v4, v3;
	vm14 =	vlt.s32 v5, v2  }
0x30b: {  	vm15 =	vlt.f32 v4, v3;
	vm0 =	vmand vm13, vm14  }
0x30c: {  	vm0 =	vmor vm15, vm0  }
0x30d: {  	v63 =	vsel vm0, v2, v5  }
0x30e: {  	v2 =	vsel vm0, v5, v2;
	v5 =	vsel vm0, v3, v4;
	v6 =	vxor.u32 $0x80000000, v63  }
0x30f: {  	(xrf1) =	vsort.ascd.msk.u32 $0xffff, v6, v5  }
0x310: {  	v3 =	vsel vm0, v4, v3;
	v2 =	vxor.u32 $0x80000000, v2  }
0x311: {  	(xrf1) =	vsort.ascd.msk.u32 $0xffff, v2, v3;
	_ =	sdelay $0xb  }
0x312: {  	v2, v3, _ =	vpop (xrf1)  }
0x313: {  	v2 =	vxor.u32 $0x80000000, v2  }
0x314: {  	v4, v5, _ =	vpop (xrf1);
	(xrf1) =	vsort.ascd.msk.f32 $0xffff, v3, v2  }
0x315: {  	v4 =	vxor.u32 $0x80000000, v4  }
0x316: {  	(xrf1) =	vsort.ascd.msk.f32 $0xffff, v5, v4;
	_ =	sdelay $0x9  }
.Ltmp17:
0x317: {  	_ = 	snop;
	(pc) =	sbr.rel .LBB2_24-.Ltmp17, $3  }
0x318: {  	_ = 	snop  }
0x319: {  	v2, v3, _ =	vpop (xrf1);
	_ =	sdelay $0x1  }
0x31a: {  	v4, v2, _ =	vpop (xrf1)  }
.LBB2_9:
.Ltmp18:
0x31b: {  	(pc) =	sbr.rel .LBB2_12-.Ltmp18, $2  }
0x31c: {  	_ =	sdelay $0x2  }
0x31d: {  	_ = 	snop  }
.LBB2_20:
.Ltmp19:
0x31e: {  	(pc) =	sbr.rel .LBB2_23-.Ltmp19, $2  }
0x31f: {  	_ =	sdelay $0x2  }
0x320: {  	_ = 	snop  }
.LBB2_26:
0x321: {  	_ =	sfence.sel $0x180000  }
0x322: {  	[bflag:$0x0] =	sbarrier.arrive $0xFFFF  }
0x323: {  	_ =	strace $0x9000004A  }
0x324: {  	s0 =	stileid.u32;
	[bflag:$0x2] =	sbarrier.arrive $0xFFFF  }
0x325: {  	p0 =	sne.s32 s0, $0x0;
	s0 =	rddreg [dreg:$0x3]  }
0x326: {  	s0 =	sadd.s32 @!p0 $0x100000, s0  }
0x327: {  	[sflag:s0] =	ssyncadd.tile.s32 @!p0 $0x1;
	_ =	shalt  }
.Lfunc_end2:
_tile_overlayer_lowered:
.L_overlay_start_2:
0x328: {  	(tag) =	ssettag $0x2  }
0x329: {  	s0 =	rddreg [dreg:$0x0];
	s2 =	stileid.u32  }
0x32a: {  	s1 =	rddreg [dreg:$0x1];
	p0 =	sne.s32 s2, $0x0  }
0x32b: {  	s3 =	rddreg [dreg:$0x2];
	[bflag:$0x3] =	sbarrier.arrive $0xFFFF;
	s2 =	simm.s32 @!p0 $0x1C03  }
0x32c: {  	[timem:s3], [sflag:s2] =	dma.local @!p0 [hbm:s0], s1  }
0x32d: {  	s0 =	simm.s32 @!p0 $0x3  }
0x32e: {  	_ =	swait.ge @!p0 [sflag:s0], s1  }
0x32f: {  	s1 =	ssub.s32 @!p0 $0x0, s1;
	[sflag:s0] =	ssyncset.done @!p0 $0x0  }
0x330: {  	[sflag:s0] =	ssyncadd.s32 @!p0 s1  }
0x331: {  	[bflag:$0x3] =	sbarrier.arrive $0xFFFF  }
0x332: {  	_ =	shalt  }

</sc_bundles>
